<compile_context>
chip_gen: v7x
topology: tpu7x:2x2x1
jax: 0.10.2.dev20260603
libtpu: 0.0.44.dev20260713+nightly
codegen_flags: <defaults>
</compile_context>

<pallas_src>
import functools

import jax
import jax.numpy as jnp
from jax import lax
from jax.experimental import pallas as pl
from jax.experimental.pallas import tpu as pltpu
from jax.experimental.pallas import tpu_sc as plsc

NC = 2
NS = 16
L = 16
C = 128
DH = 64
NB = 4


def _pre_body(x_ref, w_ref, atts_ref, attd_ref, hp_ref, asrc_ref, adst_ref,
              shift_ref, mx_ref):
    i = pl.program_id(0)
    ng = pl.num_programs(0)
    h = jnp.dot(x_ref[...], w_ref[...], preferred_element_type=jnp.float32)
    att2 = jnp.concatenate([atts_ref[...], attd_ref[...]], axis=0)
    ab = lax.dot_general(h, att2, (((1,), (1,)), ((), ())),
                         preferred_element_type=jnp.float32)
    hp_ref[0, :, :] = h[:, :DH]
    hp_ref[1, :, :] = h[:, DH:]
    asrc_ref[...] = ab[:, 0:1]
    adst_ref[...] = ab[:, 1:2]
    bm = jnp.max(ab, axis=0, keepdims=True)

    @pl.when(i == 0)
    def _():
        mx_ref[...] = bm

    @pl.when(i != 0)
    def _():
        mx_ref[...] = jnp.maximum(mx_ref[...], bm)

    @pl.when(i == ng - 1)
    def _():
        m = jnp.maximum(mx_ref[0, 0] + mx_ref[0, 1], 0.0)
        shift_ref[...] = jnp.full((1, L), m, jnp.float32)


def _post_body(acc_ref, den_ref, bias_ref, wp_ref, bp_ref, out_ref):
    den = jnp.sum(den_ref[0] + den_ref[1], axis=1, keepdims=True) + 1e-16
    g0 = jnp.maximum(acc_ref[0] / den + bias_ref[:, :DH], 0.0)
    g1 = jnp.maximum(acc_ref[1] / den + bias_ref[:, DH:], 0.0)
    o = (jnp.dot(g0, wp_ref[:DH, :], preferred_element_type=jnp.float32)
         + jnp.dot(g1, wp_ref[DH:, :], preferred_element_type=jnp.float32)
         + bp_ref[...])
    out_ref[...] = jnp.maximum(o, 0.0)


def _edge_body(hp_hbm, edge_hbm, asrc_hbm, adst_hbm, shift_hbm,
               acc_hbm, den_hbm,
               asrc_v, adst_v, eidx0, eidx1, eidx2, eidx3,
               rows0, rows1, rows2, rows3, denr0, denr1, denr2, denr3,
               sdix0, sdix1, sdix2, sdix3,
               pbuf_v, shift_v, acc_sh, den_sh, isem, rsem, ssem, dsem,
               n_nodes, n_edges):
    c = lax.axis_index("c")
    s = lax.axis_index("s")
    eidx = (eidx0, eidx1, eidx2, eidx3)
    rows = (rows0, rows1, rows2, rows3)
    denr = (denr0, denr1, denr2, denr3)
    sdix = (sdix0, sdix1, sdix2, sdix3)
    rows_per_tile = n_nodes // NS
    zr = 125
    nz = rows_per_tile // zr

    pltpu.sync_copy(asrc_hbm, asrc_v)
    pltpu.sync_copy(adst_hbm, adst_v)
    pltpu.sync_copy(shift_hbm, shift_v)

    zeros16 = jnp.zeros((L,), jnp.float32)

    def zrow(r, carry):
        for j in range(DH // L):
            rows0[r, pl.ds(j * L, L)] = zeros16
        for q in range(NB):
            denr[q][r, :] = zeros16
        return carry

    lax.fori_loop(0, C, zrow, 0)
    base = s * rows_per_tile
    for q in range(nz):
        pltpu.sync_copy(rows0.at[pl.ds(0, zr)], acc_sh.at[pl.ds(base + q * zr, zr)])
        pltpu.sync_copy(denr0.at[pl.ds(0, zr)], den_sh.at[pl.ds(base + q * zr, zr)])

    plsc.subcore_barrier()

    shift = shift_v[0, :]
    iota16 = lax.iota(jnp.int32, L)
    zeros16i = jnp.zeros((L,), jnp.int32)
    nchunks = n_edges // C
    full = nchunks // NS
    rem = nchunks - full * NS
    nct = full + jnp.where(s < rem, 1, 0)

    def cid_of(u):
        return jnp.where(u < full, s + NS * u, NS * full + s)

    def issue_idx(u, q):
        e0 = cid_of(u) * C
        pltpu.async_copy(edge_hbm.at[:, pl.ds(e0, C)], eidx[q], isem.at[q])

    def wait_idx(u, q):
        e0 = cid_of(u) * C
        pltpu.make_async_copy(edge_hbm.at[:, pl.ds(e0, C)], eidx[q], isem.at[q]).wait()

    def issue_rows(q):
        pltpu.async_copy(hp_hbm.at[c].at[eidx[q].at[0]], rows[q], rsem.at[q])

    def wait_rows(q):
        pltpu.make_async_copy(hp_hbm.at[c].at[eidx[q].at[0]], rows[q], rsem.at[q]).wait()

    def compute(q, par):
        @plsc.parallel_loop(0, C, L, unroll=2)
        def _(e0):
            si = eidx[q][0, pl.ds(e0, L)]
            di = eidx[q][1, pl.ds(e0, L)]
            sdix[q][pl.ds(e0, L)] = di
            a = plsc.load_gather(asrc_v, [si]) + plsc.load_gather(adst_v, [di])
            a = jnp.where(a >= 0, a, 0.2 * a)
            p = jnp.exp(a - shift)
            pbuf_v[pl.ds(e0, L)] = p

            @pl.when(c == par)
            def _():
                plsc.store_scatter(denr[q], [e0 + iota16, zeros16i], p)

        @plsc.parallel_loop(0, C, 1, unroll=8)
        def _(r):
            ps = pbuf_v[pl.ds(r, L)][0]
            for j in range(DH // L):
                rows[q][r, pl.ds(j * L, L)] = rows[q][r, pl.ds(j * L, L)] * ps

    def issue_scatter(q, par):
        pltpu.async_copy(rows[q], acc_sh.at[sdix[q]], ssem.at[q], add=True)

        @pl.when(c == par)
        def _():
            pltpu.async_copy(denr[q], den_sh.at[sdix[q]], dsem.at[q], add=True)

    def wait_scatter(q, par):
        pltpu.make_async_copy(rows[q], acc_sh.at[sdix[q]], ssem.at[q]).wait()

        @pl.when(c == par)
        def _():
            pltpu.make_async_copy(denr[q], den_sh.at[sdix[q]], dsem.at[q]).wait()

    issue_idx(0, 0)
    issue_idx(1, 1)
    issue_idx(2, 2)
    wait_idx(0, 0)
    issue_rows(0)
    wait_idx(1, 1)
    issue_rows(1)

    def step(v, q):
        q1 = (q + 1) % NB
        q2 = (q + 2) % NB
        q3 = (q + 3) % NB

        par = q % 2

        @pl.when((v >= 2) & (v - 2 < nct))
        def _():
            wait_scatter(q2, par)

        @pl.when(v + 3 < nct)
        def _():
            issue_idx(v + 3, q3)

        @pl.when(v + 2 < nct)
        def _():
            wait_idx(v + 2, q2)
            issue_rows(q2)

        @pl.when(v < nct)
        def _():
            wait_rows(q)
            compute(q, par)
            issue_scatter(q, par)

    def quad(i, carry):
        for k in range(NB):
            step(NB * i + k, k)
        return carry

    niter = (full + 1 + 2 + NB - 1) // NB
    lax.fori_loop(0, niter, quad, 0)

    plsc.subcore_barrier()
    for q in range(nz):
        sl = pl.ds(base + q * zr, zr)
        pltpu.sync_copy(acc_sh.at[sl], acc_hbm.at[c, sl])
        pltpu.sync_copy(den_sh.at[sl], den_hbm.at[c, sl])


def kernel(x, edge_index, W_gat, att_src, att_dst, bias_gat, W_proj, b_proj):
    n, d = x.shape
    e = edge_index.shape[1]
    bn = 1000
    grid = n // bn

    hp, a_src, a_dst, shift = pl.pallas_call(
        _pre_body,
        grid=(grid,),
        in_specs=[
            pl.BlockSpec((bn, d), lambda i: (i, 0)),
            pl.BlockSpec((d, d), lambda i: (0, 0)),
            pl.BlockSpec((1, d), lambda i: (0, 0)),
            pl.BlockSpec((1, d), lambda i: (0, 0)),
        ],
        out_specs=[
            pl.BlockSpec((NC, bn, DH), lambda i: (0, i, 0)),
            pl.BlockSpec((bn, 1), lambda i: (i, 0)),
            pl.BlockSpec((bn, 1), lambda i: (i, 0)),
            pl.BlockSpec((1, L), lambda i: (0, 0)),
        ],
        out_shape=[
            jax.ShapeDtypeStruct((NC, n, DH), jnp.float32),
            jax.ShapeDtypeStruct((n, 1), jnp.float32),
            jax.ShapeDtypeStruct((n, 1), jnp.float32),
            jax.ShapeDtypeStruct((1, L), jnp.float32),
        ],
        scratch_shapes=[pltpu.VMEM((1, 2), jnp.float32)],
    )(x, W_gat, att_src[None, :], att_dst[None, :])

    mesh = plsc.VectorSubcoreMesh(
        core_axis_name="c", subcore_axis_name="s", num_cores=NC, num_subcores=NS
    )
    edge_kernel = functools.partial(
        pl.kernel,
        out_type=(
            jax.ShapeDtypeStruct((NC, n, DH), jnp.float32),
            jax.ShapeDtypeStruct((NC, n, L), jnp.float32),
        ),
        mesh=mesh,
        compiler_params=pltpu.CompilerParams(
            use_tc_tiling_on_sc=False, needs_layout_passes=False
        ),
        scratch_types=[
            pltpu.VMEM((n,), jnp.float32),
            pltpu.VMEM((n,), jnp.float32),
        ] + [pltpu.VMEM((2, C), jnp.int32) for _ in range(NB)]
          + [pltpu.VMEM((C, DH), jnp.float32) for _ in range(NB)]
          + [pltpu.VMEM((C, L), jnp.float32) for _ in range(NB)]
          + [pltpu.VMEM((C,), jnp.int32) for _ in range(NB)]
          + [
            pltpu.VMEM((C + L,), jnp.float32),
            pltpu.VMEM((1, L), jnp.float32),
            pltpu.VMEM_SHARED((n, DH), jnp.float32),
            pltpu.VMEM_SHARED((n, L), jnp.float32),
            pltpu.SemaphoreType.DMA((NB,)),
            pltpu.SemaphoreType.DMA((NB,)),
            pltpu.SemaphoreType.DMA((NB,)),
            pltpu.SemaphoreType.DMA((NB,)),
        ],
    )(functools.partial(_edge_body, n_nodes=n, n_edges=e))

    acc, den = edge_kernel(hp, edge_index, a_src.reshape(n), a_dst.reshape(n), shift)

    out = pl.pallas_call(
        _post_body,
        grid=(grid,),
        in_specs=[
            pl.BlockSpec((NC, bn, DH), lambda i: (0, i, 0)),
            pl.BlockSpec((NC, bn, L), lambda i: (0, i, 0)),
            pl.BlockSpec((1, d), lambda i: (0, 0)),
            pl.BlockSpec((d, d), lambda i: (0, 0)),
            pl.BlockSpec((1, d), lambda i: (0, 0)),
        ],
        out_specs=pl.BlockSpec((bn, d), lambda i: (i, 0)),
        out_shape=jax.ShapeDtypeStruct((n, d), jnp.float32),
    )(acc, den, bias_gat[None, :], W_proj, b_proj[None, :])

    return out

# --- scband reference (transcript-rebuilt; emitter-appended) ---
"""Pipeline reference for scband-gat-28441273434406 (READ-ONLY COPY).

The authoritative reference and input builder live on the scoring server;
editing this copy changes nothing except your own understanding.
"""

import jax, jax.numpy as jnp
import numpy as np

N = 10000
E = 320000
D = 128

def setup_inputs(seed: int = 0) -> dict:
    key = jax.random.key(seed)
    ks = jax.random.split(key, 8)
    x = jax.random.normal(ks[0], (N, D), dtype=jnp.float32)
    edge_index = jax.random.randint(ks[1], (2, E), 0, N, dtype=jnp.int32)
    W_gat = jax.random.normal(ks[2], (D, D), dtype=jnp.float32) / np.sqrt(D)
    att_src = jax.random.normal(ks[3], (D,), dtype=jnp.float32) * 0.1
    att_dst = jax.random.normal(ks[4], (D,), dtype=jnp.float32) * 0.1
    bias_gat = jnp.zeros((D,), dtype=jnp.float32)
    W_proj = jax.random.normal(ks[5], (D, D), dtype=jnp.float32) / np.sqrt(D)
    b_proj = jnp.zeros((D,), dtype=jnp.float32)
    return {"x": x, "edge_index": edge_index, "W_gat": W_gat, "att_src": att_src, "att_dst": att_dst, "bias_gat": bias_gat, "W_proj": W_proj, "b_proj": b_proj}

def reference(x, edge_index, W_gat, att_src, att_dst, bias_gat, W_proj, b_proj):
    # GATConv (heads=1, no self loops): messages flow src -> dst
    n = x.shape[0]
    h = x @ W_gat                                  # [N, D]
    src = edge_index[0]
    dst = edge_index[1]
    alpha_src = (h * att_src).sum(-1)              # [N]
    alpha_dst = (h * att_dst).sum(-1)              # [N]
    alpha = alpha_src[src] + alpha_dst[dst]        # [E]
    alpha = jax.nn.leaky_relu(alpha, negative_slope=0.2)
    # segment softmax over destination nodes
    amax = jax.ops.segment_max(alpha, dst, num_segments=n)
    alpha = jnp.exp(alpha - amax[dst])
    denom = jax.ops.segment_sum(alpha, dst, num_segments=n)
    alpha = alpha / (denom[dst] + 1e-16)
    msg = h[src] * alpha[:, None]                  # [E, D]
    out = jax.ops.segment_sum(msg, dst, num_segments=n) + bias_gat
    out = jax.nn.relu(out)
    # projection head: Linear + ReLU
    out = out @ W_proj + b_proj
    out = jax.nn.relu(out)
    return out

if __name__ == "__main__":
    import jax
    _d = setup_inputs()
    print(jax.jit(kernel)(*tuple(_d.values())))

</pallas_src>

<mosaic_0001>
#map = affine_map<(d0, d1) -> (0, 0, 0)>
#map1 = affine_map<(d0, d1) -> (0, 0)>
#map2 = affine_map<(d0, d1) -> (0)>
module attributes {stable_mosaic.version = 14 : i64} {
  func.func @_edge_body(%arg0: i32, %arg1: i32, %arg2: memref<2x10000x64xf32, #tpu.memory_space<hbm>>, %arg3: memref<2x320000xi32, #tpu.memory_space<hbm>>, %arg4: memref<10000xf32, #tpu.memory_space<hbm>>, %arg5: memref<10000xf32, #tpu.memory_space<hbm>>, %arg6: memref<1x16xf32, #tpu.memory_space<hbm>>, %arg7: memref<2x10000x64xf32, #tpu.memory_space<hbm>>, %arg8: memref<2x10000x16xf32, #tpu.memory_space<hbm>>, %arg9: memref<10000xf32, #tpu.memory_space<vmem>>, %arg10: memref<10000xf32, #tpu.memory_space<vmem>>, %arg11: memref<2x128xi32, #tpu.memory_space<vmem>>, %arg12: memref<2x128xi32, #tpu.memory_space<vmem>>, %arg13: memref<2x128xi32, #tpu.memory_space<vmem>>, %arg14: memref<2x128xi32, #tpu.memory_space<vmem>>, %arg15: memref<128x64xf32, #tpu.memory_space<vmem>>, %arg16: memref<128x64xf32, #tpu.memory_space<vmem>>, %arg17: memref<128x64xf32, #tpu.memory_space<vmem>>, %arg18: memref<128x64xf32, #tpu.memory_space<vmem>>, %arg19: memref<128x16xf32, #tpu.memory_space<vmem>>, %arg20: memref<128x16xf32, #tpu.memory_space<vmem>>, %arg21: memref<128x16xf32, #tpu.memory_space<vmem>>, %arg22: memref<128x16xf32, #tpu.memory_space<vmem>>, %arg23: memref<128xi32, #tpu.memory_space<vmem>>, %arg24: memref<128xi32, #tpu.memory_space<vmem>>, %arg25: memref<128xi32, #tpu.memory_space<vmem>>, %arg26: memref<128xi32, #tpu.memory_space<vmem>>, %arg27: memref<144xf32, #tpu.memory_space<vmem>>, %arg28: memref<1x16xf32, #tpu.memory_space<vmem>>, %arg29: memref<10000x64xf32, #tpu.memory_space<vmem_shared>>, %arg30: memref<10000x16xf32, #tpu.memory_space<vmem_shared>>, %arg31: memref<4x!tpu.dma_semaphore, #tpu.memory_space<semaphore_mem>>, %arg32: memref<4x!tpu.dma_semaphore, #tpu.memory_space<semaphore_mem>>, %arg33: memref<4x!tpu.dma_semaphore, #tpu.memory_space<semaphore_mem>>, %arg34: memref<4x!tpu.dma_semaphore, #tpu.memory_space<semaphore_mem>>) attributes {dimension_semantics = [#tpu.dimension_semantics<core_parallel>, #tpu.dimension_semantics<subcore_parallel>], iteration_bounds = array<i64: 2, 16>, scalar_prefetch = 0 : i64, scratch_operands = 26 : i64, tpu.core_type = #tpu.core_type<sc_vector_subcore>, window_params = [{transform_indices = #map}, {transform_indices = #map1}, {transform_indices = #map2}, {transform_indices = #map2}, {transform_indices = #map1}, {transform_indices = #map}, {transform_indices = #map}]} {
    "tpu.region"() ({
      %run_scoped3A = tpu.sem_alloc : memref<!tpu.dma_semaphore, #tpu.memory_space<semaphore_mem>>
      tpu.enqueue_dma source(%arg4 : memref<10000xf32, #tpu.memory_space<hbm>>) target(%arg9 : memref<10000xf32, #tpu.memory_space<vmem>>) target_semaphore(%run_scoped3A : memref<!tpu.dma_semaphore, #tpu.memory_space<semaphore_mem>>)
      tpu.wait_dma2 semaphore(%run_scoped3A : memref<!tpu.dma_semaphore, #tpu.memory_space<semaphore_mem>>) src(%arg4 : memref<10000xf32, #tpu.memory_space<hbm>>) dst(%arg9 : memref<10000xf32, #tpu.memory_space<vmem>>)
      tpu.yield
    }) : () -> ()
    "tpu.region"() ({
      %run_scoped3A = tpu.sem_alloc : memref<!tpu.dma_semaphore, #tpu.memory_space<semaphore_mem>>
      tpu.enqueue_dma source(%arg5 : memref<10000xf32, #tpu.memory_space<hbm>>) target(%arg10 : memref<10000xf32, #tpu.memory_space<vmem>>) target_semaphore(%run_scoped3A : memref<!tpu.dma_semaphore, #tpu.memory_space<semaphore_mem>>)
      tpu.wait_dma2 semaphore(%run_scoped3A : memref<!tpu.dma_semaphore, #tpu.memory_space<semaphore_mem>>) src(%arg5 : memref<10000xf32, #tpu.memory_space<hbm>>) dst(%arg10 : memref<10000xf32, #tpu.memory_space<vmem>>)
      tpu.yield
    }) : () -> ()
    "tpu.region"() ({
      %run_scoped3A = tpu.sem_alloc : memref<!tpu.dma_semaphore, #tpu.memory_space<semaphore_mem>>
      tpu.enqueue_dma source(%arg6 : memref<1x16xf32, #tpu.memory_space<hbm>>) target(%arg28 : memref<1x16xf32, #tpu.memory_space<vmem>>) target_semaphore(%run_scoped3A : memref<!tpu.dma_semaphore, #tpu.memory_space<semaphore_mem>>)
      tpu.wait_dma2 semaphore(%run_scoped3A : memref<!tpu.dma_semaphore, #tpu.memory_space<semaphore_mem>>) src(%arg6 : memref<1x16xf32, #tpu.memory_space<hbm>>) dst(%arg28 : memref<1x16xf32, #tpu.memory_space<vmem>>)
      tpu.yield
    }) : () -> ()
    %broadcast_in_dim3A = arith.constant 0.000000e+00 : f32
    %broadcast_in_dim3A_0 = vector.broadcast %broadcast_in_dim3A : f32 to vector<16xf32>
    %scan3A = arith.constant 0 : i32
    %scan3A_1 = arith.constant 0 : i32
    %scan3A_2 = arith.constant 128 : i32
    %scan3A_3 = arith.addi %scan3A_1, %scan3A_2 : i32
    %scan3A_4 = arith.constant 1 : i32
    scf.for %scan3A_153 = %scan3A_1 to %scan3A_3 step %scan3A_4  : i32 {
      %swap3A = arith.index_cast %scan3A_153 : i32 to index
      %swap3A_154 = arith.constant 0 : index
      %swap3A_155 = tpu.vector_load %arg15[%swap3A, %swap3A_154] {strides = array<i32>} : memref<128x64xf32, #tpu.memory_space<vmem>>, vector<16xf32>,
      tpu.vector_store %arg15[%swap3A, %swap3A_154], %broadcast_in_dim3A_0 {strides = array<i32>} : memref<128x64xf32, #tpu.memory_space<vmem>>, vector<16xf32>,
      %swap3A_156 = arith.index_cast %scan3A_153 : i32 to index
      %swap3A_157 = arith.constant 16 : index
      %swap3A_158 = tpu.vector_load %arg15[%swap3A_156, %swap3A_157] {strides = array<i32>} : memref<128x64xf32, #tpu.memory_space<vmem>>, vector<16xf32>,
      tpu.vector_store %arg15[%swap3A_156, %swap3A_157], %broadcast_in_dim3A_0 {strides = array<i32>} : memref<128x64xf32, #tpu.memory_space<vmem>>, vector<16xf32>,
      %swap3A_159 = arith.index_cast %scan3A_153 : i32 to index
      %swap3A_160 = arith.constant 32 : index
      %swap3A_161 = tpu.vector_load %arg15[%swap3A_159, %swap3A_160] {strides = array<i32>} : memref<128x64xf32, #tpu.memory_space<vmem>>, vector<16xf32>,
      tpu.vector_store %arg15[%swap3A_159, %swap3A_160], %broadcast_in_dim3A_0 {strides = array<i32>} : memref<128x64xf32, #tpu.memory_space<vmem>>, vector<16xf32>,
      %swap3A_162 = arith.index_cast %scan3A_153 : i32 to index
      %swap3A_163 = arith.constant 48 : index
      %swap3A_164 = tpu.vector_load %arg15[%swap3A_162, %swap3A_163] {strides = array<i32>} : memref<128x64xf32, #tpu.memory_space<vmem>>, vector<16xf32>,
      tpu.vector_store %arg15[%swap3A_162, %swap3A_163], %broadcast_in_dim3A_0 {strides = array<i32>} : memref<128x64xf32, #tpu.memory_space<vmem>>, vector<16xf32>,
      %swap3A_165 = arith.index_cast %scan3A_153 : i32 to index
      %swap3A_166 = arith.constant 0 : index
      %swap3A_167 = tpu.vector_load %arg19[%swap3A_165, %swap3A_166] {strides = array<i32>} : memref<128x16xf32, #tpu.memory_space<vmem>>, vector<16xf32>,
      tpu.vector_store %arg19[%swap3A_165, %swap3A_166], %broadcast_in_dim3A_0 {strides = array<i32>} : memref<128x16xf32, #tpu.memory_space<vmem>>, vector<16xf32>,
      %swap3A_168 = arith.index_cast %scan3A_153 : i32 to index
      %swap3A_169 = arith.constant 0 : index
      %swap3A_170 = tpu.vector_load %arg20[%swap3A_168, %swap3A_169] {strides = array<i32>} : memref<128x16xf32, #tpu.memory_space<vmem>>, vector<16xf32>,
      tpu.vector_store %arg20[%swap3A_168, %swap3A_169], %broadcast_in_dim3A_0 {strides = array<i32>} : memref<128x16xf32, #tpu.memory_space<vmem>>, vector<16xf32>,
      %swap3A_171 = arith.index_cast %scan3A_153 : i32 to index
      %swap3A_172 = arith.constant 0 : index
      %swap3A_173 = tpu.vector_load %arg21[%swap3A_171, %swap3A_172] {strides = array<i32>} : memref<128x16xf32, #tpu.memory_space<vmem>>, vector<16xf32>,
      tpu.vector_store %arg21[%swap3A_171, %swap3A_172], %broadcast_in_dim3A_0 {strides = array<i32>} : memref<128x16xf32, #tpu.memory_space<vmem>>, vector<16xf32>,
      %swap3A_174 = arith.index_cast %scan3A_153 : i32 to index
      %swap3A_175 = arith.constant 0 : index
      %swap3A_176 = tpu.vector_load %arg22[%swap3A_174, %swap3A_175] {strides = array<i32>} : memref<128x16xf32, #tpu.memory_space<vmem>>, vector<16xf32>,
      tpu.vector_store %arg22[%swap3A_174, %swap3A_175], %broadcast_in_dim3A_0 {strides = array<i32>} : memref<128x16xf32, #tpu.memory_space<vmem>>, vector<16xf32>,
    }
    %scan3A_5 = arith.constant 128 : i32
    %mul3A = arith.constant 625 : i32
    %mul3A_6 = arith.muli %arg1, %mul3A : i32
    %add3A = arith.constant 0 : i32
    %add3A_7 = arith.addi %mul3A_6, %add3A : i32
    "tpu.region"() ({
      %run_scoped3A = tpu.sem_alloc : memref<!tpu.dma_semaphore, #tpu.memory_space<semaphore_mem>>
      %dma_start3A_153 = arith.constant 0 : i32
      %dma_start3A_154 = arith.constant 0 : i32
      %dma_start3A_155 = tpu.memref_slice %arg15[%dma_start3A_153, %dma_start3A_154] : memref<128x64xf32, #tpu.memory_space<vmem>> -> memref<125x64xf32, #tpu.memory_space<vmem>>
      %dma_start3A_156 = arith.constant 0 : i32
      %dma_start3A_157 = tpu.memref_slice %arg29[%add3A_7, %dma_start3A_156] : memref<10000x64xf32, #tpu.memory_space<vmem_shared>> -> memref<125x64xf32, #tpu.memory_space<vmem_shared>>
      %dma_start3A_158 = arith.constant 0 : i32
      %dma_start3A_159 = tpu.memref_slice %arg29[%add3A_7, %dma_start3A_158] : memref<10000x64xf32, #tpu.memory_space<vmem_shared>> -> memref<125x64xf32, #tpu.memory_space<vmem_shared>>
      %dma_start3A_160 = arith.constant 0 : i32
      %dma_start3A_161 = arith.constant 0 : i32
      %dma_start3A_162 = tpu.memref_slice %arg15[%dma_start3A_160, %dma_start3A_161] : memref<128x64xf32, #tpu.memory_space<vmem>> -> memref<125x64xf32, #tpu.memory_space<vmem>>
      tpu.enqueue_dma source(%dma_start3A_162 : memref<125x64xf32, #tpu.memory_space<vmem>>) target(%dma_start3A_159 : memref<125x64xf32, #tpu.memory_space<vmem_shared>>) target_semaphore(%run_scoped3A : memref<!tpu.dma_semaphore, #tpu.memory_space<semaphore_mem>>)
      %dma_wait3A_163 = arith.constant 0 : i32
      %dma_wait3A_164 = arith.constant 0 : i32
      %dma_wait3A_165 = tpu.memref_slice %arg15[%dma_wait3A_163, %dma_wait3A_164] : memref<128x64xf32, #tpu.memory_space<vmem>> -> memref<125x64xf32, #tpu.memory_space<vmem>>
      %dma_wait3A_166 = arith.constant 0 : i32
      %dma_wait3A_167 = tpu.memref_slice %arg29[%add3A_7, %dma_wait3A_166] : memref<10000x64xf32, #tpu.memory_space<vmem_shared>> -> memref<125x64xf32, #tpu.memory_space<vmem_shared>>
      %dma_wait3A_168 = arith.constant 0 : i32
      %dma_wait3A_169 = tpu.memref_slice %arg29[%add3A_7, %dma_wait3A_168] : memref<10000x64xf32, #tpu.memory_space<vmem_shared>> -> memref<125x64xf32, #tpu.memory_space<vmem_shared>>
      %dma_wait3A_170 = arith.constant 0 : i32
      %dma_wait3A_171 = arith.constant 0 : i32
      %dma_wait3A_172 = tpu.memref_slice %arg15[%dma_wait3A_170, %dma_wait3A_171] : memref<128x64xf32, #tpu.memory_space<vmem>> -> memref<125x64xf32, #tpu.memory_space<vmem>>
      tpu.wait_dma2 semaphore(%run_scoped3A : memref<!tpu.dma_semaphore, #tpu.memory_space<semaphore_mem>>) src(%dma_wait3A_172 : memref<125x64xf32, #tpu.memory_space<vmem>>) dst(%dma_wait3A_169 : memref<125x64xf32, #tpu.memory_space<vmem_shared>>)
      tpu.yield
    }) : () -> ()
    %add3A_8 = arith.constant 0 : i32
    %add3A_9 = arith.addi %mul3A_6, %add3A_8 : i32
    "tpu.region"() ({
      %run_scoped3A = tpu.sem_alloc : memref<!tpu.dma_semaphore, #tpu.memory_space<semaphore_mem>>
      %dma_start3A_153 = arith.constant 0 : i32
      %dma_start3A_154 = arith.constant 0 : i32
      %dma_start3A_155 = tpu.memref_slice %arg19[%dma_start3A_153, %dma_start3A_154] : memref<128x16xf32, #tpu.memory_space<vmem>> -> memref<125x16xf32, #tpu.memory_space<vmem>>
      %dma_start3A_156 = arith.constant 0 : i32
      %dma_start3A_157 = tpu.memref_slice %arg30[%add3A_9, %dma_start3A_156] : memref<10000x16xf32, #tpu.memory_space<vmem_shared>> -> memref<125x16xf32, #tpu.memory_space<vmem_shared>>
      %dma_start3A_158 = arith.constant 0 : i32
      %dma_start3A_159 = tpu.memref_slice %arg30[%add3A_9, %dma_start3A_158] : memref<10000x16xf32, #tpu.memory_space<vmem_shared>> -> memref<125x16xf32, #tpu.memory_space<vmem_shared>>
      %dma_start3A_160 = arith.constant 0 : i32
      %dma_start3A_161 = arith.constant 0 : i32
      %dma_start3A_162 = tpu.memref_slice %arg19[%dma_start3A_160, %dma_start3A_161] : memref<128x16xf32, #tpu.memory_space<vmem>> -> memref<125x16xf32, #tpu.memory_space<vmem>>
      tpu.enqueue_dma source(%dma_start3A_162 : memref<125x16xf32, #tpu.memory_space<vmem>>) target(%dma_start3A_159 : memref<125x16xf32, #tpu.memory_space<vmem_shared>>) target_semaphore(%run_scoped3A : memref<!tpu.dma_semaphore, #tpu.memory_space<semaphore_mem>>)
      %dma_wait3A_163 = arith.constant 0 : i32
      %dma_wait3A_164 = arith.constant 0 : i32
      %dma_wait3A_165 = tpu.memref_slice %arg19[%dma_wait3A_163, %dma_wait3A_164] : memref<128x16xf32, #tpu.memory_space<vmem>> -> memref<125x16xf32, #tpu.memory_space<vmem>>
      %dma_wait3A_166 = arith.constant 0 : i32
      %dma_wait3A_167 = tpu.memref_slice %arg30[%add3A_9, %dma_wait3A_166] : memref<10000x16xf32, #tpu.memory_space<vmem_shared>> -> memref<125x16xf32, #tpu.memory_space<vmem_shared>>
      %dma_wait3A_168 = arith.constant 0 : i32
      %dma_wait3A_169 = tpu.memref_slice %arg30[%add3A_9, %dma_wait3A_168] : memref<10000x16xf32, #tpu.memory_space<vmem_shared>> -> memref<125x16xf32, #tpu.memory_space<vmem_shared>>
      %dma_wait3A_170 = arith.constant 0 : i32
      %dma_wait3A_171 = arith.constant 0 : i32
      %dma_wait3A_172 = tpu.memref_slice %arg19[%dma_wait3A_170, %dma_wait3A_171] : memref<128x16xf32, #tpu.memory_space<vmem>> -> memref<125x16xf32, #tpu.memory_space<vmem>>
      tpu.wait_dma2 semaphore(%run_scoped3A : memref<!tpu.dma_semaphore, #tpu.memory_space<semaphore_mem>>) src(%dma_wait3A_172 : memref<125x16xf32, #tpu.memory_space<vmem>>) dst(%dma_wait3A_169 : memref<125x16xf32, #tpu.memory_space<vmem_shared>>)
      tpu.yield
    }) : () -> ()
    %add3A_10 = arith.constant 125 : i32
    %add3A_11 = arith.addi %mul3A_6, %add3A_10 : i32
    "tpu.region"() ({
      %run_scoped3A = tpu.sem_alloc : memref<!tpu.dma_semaphore, #tpu.memory_space<semaphore_mem>>
      %dma_start3A_153 = arith.constant 0 : i32
      %dma_start3A_154 = arith.constant 0 : i32
      %dma_start3A_155 = tpu.memref_slice %arg15[%dma_start3A_153, %dma_start3A_154] : memref<128x64xf32, #tpu.memory_space<vmem>> -> memref<125x64xf32, #tpu.memory_space<vmem>>
      %dma_start3A_156 = arith.constant 0 : i32
      %dma_start3A_157 = tpu.memref_slice %arg29[%add3A_11, %dma_start3A_156] : memref<10000x64xf32, #tpu.memory_space<vmem_shared>> -> memref<125x64xf32, #tpu.memory_space<vmem_shared>>
      %dma_start3A_158 = arith.constant 0 : i32
      %dma_start3A_159 = tpu.memref_slice %arg29[%add3A_11, %dma_start3A_158] : memref<10000x64xf32, #tpu.memory_space<vmem_shared>> -> memref<125x64xf32, #tpu.memory_space<vmem_shared>>
      %dma_start3A_160 = arith.constant 0 : i32
      %dma_start3A_161 = arith.constant 0 : i32
      %dma_start3A_162 = tpu.memref_slice %arg15[%dma_start3A_160, %dma_start3A_161] : memref<128x64xf32, #tpu.memory_space<vmem>> -> memref<125x64xf32, #tpu.memory_space<vmem>>
      tpu.enqueue_dma source(%dma_start3A_162 : memref<125x64xf32, #tpu.memory_space<vmem>>) target(%dma_start3A_159 : memref<125x64xf32, #tpu.memory_space<vmem_shared>>) target_semaphore(%run_scoped3A : memref<!tpu.dma_semaphore, #tpu.memory_space<semaphore_mem>>)
      %dma_wait3A_163 = arith.constant 0 : i32
      %dma_wait3A_164 = arith.constant 0 : i32
      %dma_wait3A_165 = tpu.memref_slice %arg15[%dma_wait3A_163, %dma_wait3A_164] : memref<128x64xf32, #tpu.memory_space<vmem>> -> memref<125x64xf32, #tpu.memory_space<vmem>>
      %dma_wait3A_166 = arith.constant 0 : i32
      %dma_wait3A_167 = tpu.memref_slice %arg29[%add3A_11, %dma_wait3A_166] : memref<10000x64xf32, #tpu.memory_space<vmem_shared>> -> memref<125x64xf32, #tpu.memory_space<vmem_shared>>
      %dma_wait3A_168 = arith.constant 0 : i32
      %dma_wait3A_169 = tpu.memref_slice %arg29[%add3A_11, %dma_wait3A_168] : memref<10000x64xf32, #tpu.memory_space<vmem_shared>> -> memref<125x64xf32, #tpu.memory_space<vmem_shared>>
      %dma_wait3A_170 = arith.constant 0 : i32
      %dma_wait3A_171 = arith.constant 0 : i32
      %dma_wait3A_172 = tpu.memref_slice %arg15[%dma_wait3A_170, %dma_wait3A_171] : memref<128x64xf32, #tpu.memory_space<vmem>> -> memref<125x64xf32, #tpu.memory_space<vmem>>
      tpu.wait_dma2 semaphore(%run_scoped3A : memref<!tpu.dma_semaphore, #tpu.memory_space<semaphore_mem>>) src(%dma_wait3A_172 : memref<125x64xf32, #tpu.memory_space<vmem>>) dst(%dma_wait3A_169 : memref<125x64xf32, #tpu.memory_space<vmem_shared>>)
      tpu.yield
    }) : () -> ()
    %add3A_12 = arith.constant 125 : i32
    %add3A_13 = arith.addi %mul3A_6, %add3A_12 : i32
    "tpu.region"() ({
      %run_scoped3A = tpu.sem_alloc : memref<!tpu.dma_semaphore, #tpu.memory_space<semaphore_mem>>
      %dma_start3A_153 = arith.constant 0 : i32
      %dma_start3A_154 = arith.constant 0 : i32
      %dma_start3A_155 = tpu.memref_slice %arg19[%dma_start3A_153, %dma_start3A_154] : memref<128x16xf32, #tpu.memory_space<vmem>> -> memref<125x16xf32, #tpu.memory_space<vmem>>
      %dma_start3A_156 = arith.constant 0 : i32
      %dma_start3A_157 = tpu.memref_slice %arg30[%add3A_13, %dma_start3A_156] : memref<10000x16xf32, #tpu.memory_space<vmem_shared>> -> memref<125x16xf32, #tpu.memory_space<vmem_shared>>
      %dma_start3A_158 = arith.constant 0 : i32
      %dma_start3A_159 = tpu.memref_slice %arg30[%add3A_13, %dma_start3A_158] : memref<10000x16xf32, #tpu.memory_space<vmem_shared>> -> memref<125x16xf32, #tpu.memory_space<vmem_shared>>
      %dma_start3A_160 = arith.constant 0 : i32
      %dma_start3A_161 = arith.constant 0 : i32
      %dma_start3A_162 = tpu.memref_slice %arg19[%dma_start3A_160, %dma_start3A_161] : memref<128x16xf32, #tpu.memory_space<vmem>> -> memref<125x16xf32, #tpu.memory_space<vmem>>
      tpu.enqueue_dma source(%dma_start3A_162 : memref<125x16xf32, #tpu.memory_space<vmem>>) target(%dma_start3A_159 : memref<125x16xf32, #tpu.memory_space<vmem_shared>>) target_semaphore(%run_scoped3A : memref<!tpu.dma_semaphore, #tpu.memory_space<semaphore_mem>>)
      %dma_wait3A_163 = arith.constant 0 : i32
      %dma_wait3A_164 = arith.constant 0 : i32
      %dma_wait3A_165 = tpu.memref_slice %arg19[%dma_wait3A_163, %dma_wait3A_164] : memref<128x16xf32, #tpu.memory_space<vmem>> -> memref<125x16xf32, #tpu.memory_space<vmem>>
      %dma_wait3A_166 = arith.constant 0 : i32
      %dma_wait3A_167 = tpu.memref_slice %arg30[%add3A_13, %dma_wait3A_166] : memref<10000x16xf32, #tpu.memory_space<vmem_shared>> -> memref<125x16xf32, #tpu.memory_space<vmem_shared>>
      %dma_wait3A_168 = arith.constant 0 : i32
      %dma_wait3A_169 = tpu.memref_slice %arg30[%add3A_13, %dma_wait3A_168] : memref<10000x16xf32, #tpu.memory_space<vmem_shared>> -> memref<125x16xf32, #tpu.memory_space<vmem_shared>>
      %dma_wait3A_170 = arith.constant 0 : i32
      %dma_wait3A_171 = arith.constant 0 : i32
      %dma_wait3A_172 = tpu.memref_slice %arg19[%dma_wait3A_170, %dma_wait3A_171] : memref<128x16xf32, #tpu.memory_space<vmem>> -> memref<125x16xf32, #tpu.memory_space<vmem>>
      tpu.wait_dma2 semaphore(%run_scoped3A : memref<!tpu.dma_semaphore, #tpu.memory_space<semaphore_mem>>) src(%dma_wait3A_172 : memref<125x16xf32, #tpu.memory_space<vmem>>) dst(%dma_wait3A_169 : memref<125x16xf32, #tpu.memory_space<vmem_shared>>)
      tpu.yield
    }) : () -> ()
    %add3A_14 = arith.constant 250 : i32
    %add3A_15 = arith.addi %mul3A_6, %add3A_14 : i32
    "tpu.region"() ({
      %run_scoped3A = tpu.sem_alloc : memref<!tpu.dma_semaphore, #tpu.memory_space<semaphore_mem>>
      %dma_start3A_153 = arith.constant 0 : i32
      %dma_start3A_154 = arith.constant 0 : i32
      %dma_start3A_155 = tpu.memref_slice %arg15[%dma_start3A_153, %dma_start3A_154] : memref<128x64xf32, #tpu.memory_space<vmem>> -> memref<125x64xf32, #tpu.memory_space<vmem>>
      %dma_start3A_156 = arith.constant 0 : i32
      %dma_start3A_157 = tpu.memref_slice %arg29[%add3A_15, %dma_start3A_156] : memref<10000x64xf32, #tpu.memory_space<vmem_shared>> -> memref<125x64xf32, #tpu.memory_space<vmem_shared>>
      %dma_start3A_158 = arith.constant 0 : i32
      %dma_start3A_159 = tpu.memref_slice %arg29[%add3A_15, %dma_start3A_158] : memref<10000x64xf32, #tpu.memory_space<vmem_shared>> -> memref<125x64xf32, #tpu.memory_space<vmem_shared>>
      %dma_start3A_160 = arith.constant 0 : i32
      %dma_start3A_161 = arith.constant 0 : i32
      %dma_start3A_162 = tpu.memref_slice %arg15[%dma_start3A_160, %dma_start3A_161] : memref<128x64xf32, #tpu.memory_space<vmem>> -> memref<125x64xf32, #tpu.memory_space<vmem>>
      tpu.enqueue_dma source(%dma_start3A_162 : memref<125x64xf32, #tpu.memory_space<vmem>>) target(%dma_start3A_159 : memref<125x64xf32, #tpu.memory_space<vmem_shared>>) target_semaphore(%run_scoped3A : memref<!tpu.dma_semaphore, #tpu.memory_space<semaphore_mem>>)
      %dma_wait3A_163 = arith.constant 0 : i32
      %dma_wait3A_164 = arith.constant 0 : i32
      %dma_wait3A_165 = tpu.memref_slice %arg15[%dma_wait3A_163, %dma_wait3A_164] : memref<128x64xf32, #tpu.memory_space<vmem>> -> memref<125x64xf32, #tpu.memory_space<vmem>>
      %dma_wait3A_166 = arith.constant 0 : i32
      %dma_wait3A_167 = tpu.memref_slice %arg29[%add3A_15, %dma_wait3A_166] : memref<10000x64xf32, #tpu.memory_space<vmem_shared>> -> memref<125x64xf32, #tpu.memory_space<vmem_shared>>
      %dma_wait3A_168 = arith.constant 0 : i32
      %dma_wait3A_169 = tpu.memref_slice %arg29[%add3A_15, %dma_wait3A_168] : memref<10000x64xf32, #tpu.memory_space<vmem_shared>> -> memref<125x64xf32, #tpu.memory_space<vmem_shared>>
      %dma_wait3A_170 = arith.constant 0 : i32
      %dma_wait3A_171 = arith.constant 0 : i32
      %dma_wait3A_172 = tpu.memref_slice %arg15[%dma_wait3A_170, %dma_wait3A_171] : memref<128x64xf32, #tpu.memory_space<vmem>> -> memref<125x64xf32, #tpu.memory_space<vmem>>
      tpu.wait_dma2 semaphore(%run_scoped3A : memref<!tpu.dma_semaphore, #tpu.memory_space<semaphore_mem>>) src(%dma_wait3A_172 : memref<125x64xf32, #tpu.memory_space<vmem>>) dst(%dma_wait3A_169 : memref<125x64xf32, #tpu.memory_space<vmem_shared>>)
      tpu.yield
    }) : () -> ()
    %add3A_16 = arith.constant 250 : i32
    %add3A_17 = arith.addi %mul3A_6, %add3A_16 : i32
    "tpu.region"() ({
      %run_scoped3A = tpu.sem_alloc : memref<!tpu.dma_semaphore, #tpu.memory_space<semaphore_mem>>
      %dma_start3A_153 = arith.constant 0 : i32
      %dma_start3A_154 = arith.constant 0 : i32
      %dma_start3A_155 = tpu.memref_slice %arg19[%dma_start3A_153, %dma_start3A_154] : memref<128x16xf32, #tpu.memory_space<vmem>> -> memref<125x16xf32, #tpu.memory_space<vmem>>
      %dma_start3A_156 = arith.constant 0 : i32
      %dma_start3A_157 = tpu.memref_slice %arg30[%add3A_17, %dma_start3A_156] : memref<10000x16xf32, #tpu.memory_space<vmem_shared>> -> memref<125x16xf32, #tpu.memory_space<vmem_shared>>
      %dma_start3A_158 = arith.constant 0 : i32
      %dma_start3A_159 = tpu.memref_slice %arg30[%add3A_17, %dma_start3A_158] : memref<10000x16xf32, #tpu.memory_space<vmem_shared>> -> memref<125x16xf32, #tpu.memory_space<vmem_shared>>
      %dma_start3A_160 = arith.constant 0 : i32
      %dma_start3A_161 = arith.constant 0 : i32
      %dma_start3A_162 = tpu.memref_slice %arg19[%dma_start3A_160, %dma_start3A_161] : memref<128x16xf32, #tpu.memory_space<vmem>> -> memref<125x16xf32, #tpu.memory_space<vmem>>
      tpu.enqueue_dma source(%dma_start3A_162 : memref<125x16xf32, #tpu.memory_space<vmem>>) target(%dma_start3A_159 : memref<125x16xf32, #tpu.memory_space<vmem_shared>>) target_semaphore(%run_scoped3A : memref<!tpu.dma_semaphore, #tpu.memory_space<semaphore_mem>>)
      %dma_wait3A_163 = arith.constant 0 : i32
      %dma_wait3A_164 = arith.constant 0 : i32
      %dma_wait3A_165 = tpu.memref_slice %arg19[%dma_wait3A_163, %dma_wait3A_164] : memref<128x16xf32, #tpu.memory_space<vmem>> -> memref<125x16xf32, #tpu.memory_space<vmem>>
      %dma_wait3A_166 = arith.constant 0 : i32
      %dma_wait3A_167 = tpu.memref_slice %arg30[%add3A_17, %dma_wait3A_166] : memref<10000x16xf32, #tpu.memory_space<vmem_shared>> -> memref<125x16xf32, #tpu.memory_space<vmem_shared>>
      %dma_wait3A_168 = arith.constant 0 : i32
      %dma_wait3A_169 = tpu.memref_slice %arg30[%add3A_17, %dma_wait3A_168] : memref<10000x16xf32, #tpu.memory_space<vmem_shared>> -> memref<125x16xf32, #tpu.memory_space<vmem_shared>>
      %dma_wait3A_170 = arith.constant 0 : i32
      %dma_wait3A_171 = arith.constant 0 : i32
      %dma_wait3A_172 = tpu.memref_slice %arg19[%dma_wait3A_170, %dma_wait3A_171] : memref<128x16xf32, #tpu.memory_space<vmem>> -> memref<125x16xf32, #tpu.memory_space<vmem>>
      tpu.wait_dma2 semaphore(%run_scoped3A : memref<!tpu.dma_semaphore, #tpu.memory_space<semaphore_mem>>) src(%dma_wait3A_172 : memref<125x16xf32, #tpu.memory_space<vmem>>) dst(%dma_wait3A_169 : memref<125x16xf32, #tpu.memory_space<vmem_shared>>)
      tpu.yield
    }) : () -> ()
    %add3A_18 = arith.constant 375 : i32
    %add3A_19 = arith.addi %mul3A_6, %add3A_18 : i32
    "tpu.region"() ({
      %run_scoped3A = tpu.sem_alloc : memref<!tpu.dma_semaphore, #tpu.memory_space<semaphore_mem>>
      %dma_start3A_153 = arith.constant 0 : i32
      %dma_start3A_154 = arith.constant 0 : i32
      %dma_start3A_155 = tpu.memref_slice %arg15[%dma_start3A_153, %dma_start3A_154] : memref<128x64xf32, #tpu.memory_space<vmem>> -> memref<125x64xf32, #tpu.memory_space<vmem>>
      %dma_start3A_156 = arith.constant 0 : i32
      %dma_start3A_157 = tpu.memref_slice %arg29[%add3A_19, %dma_start3A_156] : memref<10000x64xf32, #tpu.memory_space<vmem_shared>> -> memref<125x64xf32, #tpu.memory_space<vmem_shared>>
      %dma_start3A_158 = arith.constant 0 : i32
      %dma_start3A_159 = tpu.memref_slice %arg29[%add3A_19, %dma_start3A_158] : memref<10000x64xf32, #tpu.memory_space<vmem_shared>> -> memref<125x64xf32, #tpu.memory_space<vmem_shared>>
      %dma_start3A_160 = arith.constant 0 : i32
      %dma_start3A_161 = arith.constant 0 : i32
      %dma_start3A_162 = tpu.memref_slice %arg15[%dma_start3A_160, %dma_start3A_161] : memref<128x64xf32, #tpu.memory_space<vmem>> -> memref<125x64xf32, #tpu.memory_space<vmem>>
      tpu.enqueue_dma source(%dma_start3A_162 : memref<125x64xf32, #tpu.memory_space<vmem>>) target(%dma_start3A_159 : memref<125x64xf32, #tpu.memory_space<vmem_shared>>) target_semaphore(%run_scoped3A : memref<!tpu.dma_semaphore, #tpu.memory_space<semaphore_mem>>)
      %dma_wait3A_163 = arith.constant 0 : i32
      %dma_wait3A_164 = arith.constant 0 : i32
      %dma_wait3A_165 = tpu.memref_slice %arg15[%dma_wait3A_163, %dma_wait3A_164] : memref<128x64xf32, #tpu.memory_space<vmem>> -> memref<125x64xf32, #tpu.memory_space<vmem>>
      %dma_wait3A_166 = arith.constant 0 : i32
      %dma_wait3A_167 = tpu.memref_slice %arg29[%add3A_19, %dma_wait3A_166] : memref<10000x64xf32, #tpu.memory_space<vmem_shared>> -> memref<125x64xf32, #tpu.memory_space<vmem_shared>>
      %dma_wait3A_168 = arith.constant 0 : i32
      %dma_wait3A_169 = tpu.memref_slice %arg29[%add3A_19, %dma_wait3A_168] : memref<10000x64xf32, #tpu.memory_space<vmem_shared>> -> memref<125x64xf32, #tpu.memory_space<vmem_shared>>
      %dma_wait3A_170 = arith.constant 0 : i32
      %dma_wait3A_171 = arith.constant 0 : i32
      %dma_wait3A_172 = tpu.memref_slice %arg15[%dma_wait3A_170, %dma_wait3A_171] : memref<128x64xf32, #tpu.memory_space<vmem>> -> memref<125x64xf32, #tpu.memory_space<vmem>>
      tpu.wait_dma2 semaphore(%run_scoped3A : memref<!tpu.dma_semaphore, #tpu.memory_space<semaphore_mem>>) src(%dma_wait3A_172 : memref<125x64xf32, #tpu.memory_space<vmem>>) dst(%dma_wait3A_169 : memref<125x64xf32, #tpu.memory_space<vmem_shared>>)
      tpu.yield
    }) : () -> ()
    %add3A_20 = arith.constant 375 : i32
    %add3A_21 = arith.addi %mul3A_6, %add3A_20 : i32
    "tpu.region"() ({
      %run_scoped3A = tpu.sem_alloc : memref<!tpu.dma_semaphore, #tpu.memory_space<semaphore_mem>>
      %dma_start3A_153 = arith.constant 0 : i32
      %dma_start3A_154 = arith.constant 0 : i32
      %dma_start3A_155 = tpu.memref_slice %arg19[%dma_start3A_153, %dma_start3A_154] : memref<128x16xf32, #tpu.memory_space<vmem>> -> memref<125x16xf32, #tpu.memory_space<vmem>>
      %dma_start3A_156 = arith.constant 0 : i32
      %dma_start3A_157 = tpu.memref_slice %arg30[%add3A_21, %dma_start3A_156] : memref<10000x16xf32, #tpu.memory_space<vmem_shared>> -> memref<125x16xf32, #tpu.memory_space<vmem_shared>>
      %dma_start3A_158 = arith.constant 0 : i32
      %dma_start3A_159 = tpu.memref_slice %arg30[%add3A_21, %dma_start3A_158] : memref<10000x16xf32, #tpu.memory_space<vmem_shared>> -> memref<125x16xf32, #tpu.memory_space<vmem_shared>>
      %dma_start3A_160 = arith.constant 0 : i32
      %dma_start3A_161 = arith.constant 0 : i32
      %dma_start3A_162 = tpu.memref_slice %arg19[%dma_start3A_160, %dma_start3A_161] : memref<128x16xf32, #tpu.memory_space<vmem>> -> memref<125x16xf32, #tpu.memory_space<vmem>>
      tpu.enqueue_dma source(%dma_start3A_162 : memref<125x16xf32, #tpu.memory_space<vmem>>) target(%dma_start3A_159 : memref<125x16xf32, #tpu.memory_space<vmem_shared>>) target_semaphore(%run_scoped3A : memref<!tpu.dma_semaphore, #tpu.memory_space<semaphore_mem>>)
      %dma_wait3A_163 = arith.constant 0 : i32
      %dma_wait3A_164 = arith.constant 0 : i32
      %dma_wait3A_165 = tpu.memref_slice %arg19[%dma_wait3A_163, %dma_wait3A_164] : memref<128x16xf32, #tpu.memory_space<vmem>> -> memref<125x16xf32, #tpu.memory_space<vmem>>
      %dma_wait3A_166 = arith.constant 0 : i32
      %dma_wait3A_167 = tpu.memref_slice %arg30[%add3A_21, %dma_wait3A_166] : memref<10000x16xf32, #tpu.memory_space<vmem_shared>> -> memref<125x16xf32, #tpu.memory_space<vmem_shared>>
      %dma_wait3A_168 = arith.constant 0 : i32
      %dma_wait3A_169 = tpu.memref_slice %arg30[%add3A_21, %dma_wait3A_168] : memref<10000x16xf32, #tpu.memory_space<vmem_shared>> -> memref<125x16xf32, #tpu.memory_space<vmem_shared>>
      %dma_wait3A_170 = arith.constant 0 : i32
      %dma_wait3A_171 = arith.constant 0 : i32
      %dma_wait3A_172 = tpu.memref_slice %arg19[%dma_wait3A_170, %dma_wait3A_171] : memref<128x16xf32, #tpu.memory_space<vmem>> -> memref<125x16xf32, #tpu.memory_space<vmem>>
      tpu.wait_dma2 semaphore(%run_scoped3A : memref<!tpu.dma_semaphore, #tpu.memory_space<semaphore_mem>>) src(%dma_wait3A_172 : memref<125x16xf32, #tpu.memory_space<vmem>>) dst(%dma_wait3A_169 : memref<125x16xf32, #tpu.memory_space<vmem_shared>>)
      tpu.yield
    }) : () -> ()
    %add3A_22 = arith.constant 500 : i32
    %add3A_23 = arith.addi %mul3A_6, %add3A_22 : i32
    "tpu.region"() ({
      %run_scoped3A = tpu.sem_alloc : memref<!tpu.dma_semaphore, #tpu.memory_space<semaphore_mem>>
      %dma_start3A_153 = arith.constant 0 : i32
      %dma_start3A_154 = arith.constant 0 : i32
      %dma_start3A_155 = tpu.memref_slice %arg15[%dma_start3A_153, %dma_start3A_154] : memref<128x64xf32, #tpu.memory_space<vmem>> -> memref<125x64xf32, #tpu.memory_space<vmem>>
      %dma_start3A_156 = arith.constant 0 : i32
      %dma_start3A_157 = tpu.memref_slice %arg29[%add3A_23, %dma_start3A_156] : memref<10000x64xf32, #tpu.memory_space<vmem_shared>> -> memref<125x64xf32, #tpu.memory_space<vmem_shared>>
      %dma_start3A_158 = arith.constant 0 : i32
      %dma_start3A_159 = tpu.memref_slice %arg29[%add3A_23, %dma_start3A_158] : memref<10000x64xf32, #tpu.memory_space<vmem_shared>> -> memref<125x64xf32, #tpu.memory_space<vmem_shared>>
      %dma_start3A_160 = arith.constant 0 : i32
      %dma_start3A_161 = arith.constant 0 : i32
      %dma_start3A_162 = tpu.memref_slice %arg15[%dma_start3A_160, %dma_start3A_161] : memref<128x64xf32, #tpu.memory_space<vmem>> -> memref<125x64xf32, #tpu.memory_space<vmem>>
      tpu.enqueue_dma source(%dma_start3A_162 : memref<125x64xf32, #tpu.memory_space<vmem>>) target(%dma_start3A_159 : memref<125x64xf32, #tpu.memory_space<vmem_shared>>) target_semaphore(%run_scoped3A : memref<!tpu.dma_semaphore, #tpu.memory_space<semaphore_mem>>)
      %dma_wait3A_163 = arith.constant 0 : i32
      %dma_wait3A_164 = arith.constant 0 : i32
      %dma_wait3A_165 = tpu.memref_slice %arg15[%dma_wait3A_163, %dma_wait3A_164] : memref<128x64xf32, #tpu.memory_space<vmem>> -> memref<125x64xf32, #tpu.memory_space<vmem>>
      %dma_wait3A_166 = arith.constant 0 : i32
      %dma_wait3A_167 = tpu.memref_slice %arg29[%add3A_23, %dma_wait3A_166] : memref<10000x64xf32, #tpu.memory_space<vmem_shared>> -> memref<125x64xf32, #tpu.memory_space<vmem_shared>>
      %dma_wait3A_168 = arith.constant 0 : i32
      %dma_wait3A_169 = tpu.memref_slice %arg29[%add3A_23, %dma_wait3A_168] : memref<10000x64xf32, #tpu.memory_space<vmem_shared>> -> memref<125x64xf32, #tpu.memory_space<vmem_shared>>
      %dma_wait3A_170 = arith.constant 0 : i32
      %dma_wait3A_171 = arith.constant 0 : i32
      %dma_wait3A_172 = tpu.memref_slice %arg15[%dma_wait3A_170, %dma_wait3A_171] : memref<128x64xf32, #tpu.memory_space<vmem>> -> memref<125x64xf32, #tpu.memory_space<vmem>>
      tpu.wait_dma2 semaphore(%run_scoped3A : memref<!tpu.dma_semaphore, #tpu.memory_space<semaphore_mem>>) src(%dma_wait3A_172 : memref<125x64xf32, #tpu.memory_space<vmem>>) dst(%dma_wait3A_169 : memref<125x64xf32, #tpu.memory_space<vmem_shared>>)
      tpu.yield
    }) : () -> ()
    %add3A_24 = arith.constant 500 : i32
    %add3A_25 = arith.addi %mul3A_6, %add3A_24 : i32
    "tpu.region"() ({
      %run_scoped3A = tpu.sem_alloc : memref<!tpu.dma_semaphore, #tpu.memory_space<semaphore_mem>>
      %dma_start3A_153 = arith.constant 0 : i32
      %dma_start3A_154 = arith.constant 0 : i32
      %dma_start3A_155 = tpu.memref_slice %arg19[%dma_start3A_153, %dma_start3A_154] : memref<128x16xf32, #tpu.memory_space<vmem>> -> memref<125x16xf32, #tpu.memory_space<vmem>>
      %dma_start3A_156 = arith.constant 0 : i32
      %dma_start3A_157 = tpu.memref_slice %arg30[%add3A_25, %dma_start3A_156] : memref<10000x16xf32, #tpu.memory_space<vmem_shared>> -> memref<125x16xf32, #tpu.memory_space<vmem_shared>>
      %dma_start3A_158 = arith.constant 0 : i32
      %dma_start3A_159 = tpu.memref_slice %arg30[%add3A_25, %dma_start3A_158] : memref<10000x16xf32, #tpu.memory_space<vmem_shared>> -> memref<125x16xf32, #tpu.memory_space<vmem_shared>>
      %dma_start3A_160 = arith.constant 0 : i32
      %dma_start3A_161 = arith.constant 0 : i32
      %dma_start3A_162 = tpu.memref_slice %arg19[%dma_start3A_160, %dma_start3A_161] : memref<128x16xf32, #tpu.memory_space<vmem>> -> memref<125x16xf32, #tpu.memory_space<vmem>>
      tpu.enqueue_dma source(%dma_start3A_162 : memref<125x16xf32, #tpu.memory_space<vmem>>) target(%dma_start3A_159 : memref<125x16xf32, #tpu.memory_space<vmem_shared>>) target_semaphore(%run_scoped3A : memref<!tpu.dma_semaphore, #tpu.memory_space<semaphore_mem>>)
      %dma_wait3A_163 = arith.constant 0 : i32
      %dma_wait3A_164 = arith.constant 0 : i32
      %dma_wait3A_165 = tpu.memref_slice %arg19[%dma_wait3A_163, %dma_wait3A_164] : memref<128x16xf32, #tpu.memory_space<vmem>> -> memref<125x16xf32, #tpu.memory_space<vmem>>
      %dma_wait3A_166 = arith.constant 0 : i32
      %dma_wait3A_167 = tpu.memref_slice %arg30[%add3A_25, %dma_wait3A_166] : memref<10000x16xf32, #tpu.memory_space<vmem_shared>> -> memref<125x16xf32, #tpu.memory_space<vmem_shared>>
      %dma_wait3A_168 = arith.constant 0 : i32
      %dma_wait3A_169 = tpu.memref_slice %arg30[%add3A_25, %dma_wait3A_168] : memref<10000x16xf32, #tpu.memory_space<vmem_shared>> -> memref<125x16xf32, #tpu.memory_space<vmem_shared>>
      %dma_wait3A_170 = arith.constant 0 : i32
      %dma_wait3A_171 = arith.constant 0 : i32
      %dma_wait3A_172 = tpu.memref_slice %arg19[%dma_wait3A_170, %dma_wait3A_171] : memref<128x16xf32, #tpu.memory_space<vmem>> -> memref<125x16xf32, #tpu.memory_space<vmem>>
      tpu.wait_dma2 semaphore(%run_scoped3A : memref<!tpu.dma_semaphore, #tpu.memory_space<semaphore_mem>>) src(%dma_wait3A_172 : memref<125x16xf32, #tpu.memory_space<vmem>>) dst(%dma_wait3A_169 : memref<125x16xf32, #tpu.memory_space<vmem_shared>>)
      tpu.yield
    }) : () -> ()
    %barrier3A = arith.constant 0 : index
    tpu.barrier barrier_id(%barrier3A)
    %get3A = arith.constant 0 : i32
    %get3A_26 = arith.index_cast %get3A : i32 to index
    %get3A_27 = arith.constant 0 : index
    %get3A_28 = tpu.vector_load %arg28[%get3A_26, %get3A_27] {strides = array<i32>} : memref<1x16xf32, #tpu.memory_space<vmem>>, vector<16xf32>,
    %iota3A = tpu.iota {dimensions = array<i32: 0>} : vector<16xi32>
    %broadcast_in_dim3A_29 = arith.constant 0 : i32
    %broadcast_in_dim3A_30 = vector.broadcast %broadcast_in_dim3A_29 : i32 to vector<16xi32>
    %lt3A = arith.constant 4 : i32
    %lt3A_31 = arith.cmpi slt, %arg1, %lt3A : i32
    %jit3A = arith.constant 1 : i32
    %jit3A_32 = arith.constant 0 : i32
    %select_n3A = arith.select %lt3A_31, %jit3A, %jit3A_32 : i32
    %add3A_33 = arith.constant 156 : i32
    %add3A_34 = arith.addi %add3A_33, %select_n3A : i32
    %add3A_35 = arith.constant 0 : i32
    %add3A_36 = arith.addi %arg1, %add3A_35 : i32
    %add3A_37 = arith.constant 2496 : i32
    %add3A_38 = arith.addi %add3A_37, %arg1 : i32
    %jit3A_39 = arith.constant true
    %select_n3A_40 = arith.select %jit3A_39, %add3A_36, %add3A_38 : i32
    %mul3A_41 = arith.constant 128 : i32
    %mul3A_42 = arith.muli %select_n3A_40, %mul3A_41 : i32
    %dma_start3A = arith.constant 0 : i32
    %dma_start3A_43 = arith.constant 0 : i32
    %dma_start3A_44 = tpu.memref_slice %arg3[%dma_start3A_43, %mul3A_42] : memref<2x320000xi32, #tpu.memory_space<hbm>> -> memref<2x128xi32, #tpu.memory_space<hbm>>
    %dma_start3A_45 = tpu.memref_slice %arg31[%dma_start3A] : memref<4x!tpu.dma_semaphore, #tpu.memory_space<semaphore_mem>> -> memref<1x!tpu.dma_semaphore, #tpu.memory_space<semaphore_mem>>
    %dma_start3A_46 = tpu.memref_squeeze %dma_start3A_45 : memref<1x!tpu.dma_semaphore, #tpu.memory_space<semaphore_mem>> -> memref<!tpu.dma_semaphore, #tpu.memory_space<semaphore_mem>>
    %dma_start3A_47 = arith.constant 0 : i32
    %dma_start3A_48 = tpu.memref_slice %arg3[%dma_start3A_47, %mul3A_42] : memref<2x320000xi32, #tpu.memory_space<hbm>> -> memref<2x128xi32, #tpu.memory_space<hbm>>
    tpu.enqueue_dma source(%dma_start3A_48 : memref<2x128xi32, #tpu.memory_space<hbm>>) target(%arg11 : memref<2x128xi32, #tpu.memory_space<vmem>>) target_semaphore(%dma_start3A_46 : memref<!tpu.dma_semaphore, #tpu.memory_space<semaphore_mem>>)
    %add3A_49 = arith.constant 16 : i32
    %add3A_50 = arith.addi %arg1, %add3A_49 : i32
    %add3A_51 = arith.constant 2496 : i32
    %add3A_52 = arith.addi %add3A_51, %arg1 : i32
    %jit3A_53 = arith.constant true
    %select_n3A_54 = arith.select %jit3A_53, %add3A_50, %add3A_52 : i32
    %mul3A_55 = arith.constant 128 : i32
    %mul3A_56 = arith.muli %select_n3A_54, %mul3A_55 : i32
    %dma_start3A_57 = arith.constant 1 : i32
    %dma_start3A_58 = arith.constant 0 : i32
    %dma_start3A_59 = tpu.memref_slice %arg3[%dma_start3A_58, %mul3A_56] : memref<2x320000xi32, #tpu.memory_space<hbm>> -> memref<2x128xi32, #tpu.memory_space<hbm>>
    %dma_start3A_60 = tpu.memref_slice %arg31[%dma_start3A_57] : memref<4x!tpu.dma_semaphore, #tpu.memory_space<semaphore_mem>> -> memref<1x!tpu.dma_semaphore, #tpu.memory_space<semaphore_mem>>
    %dma_start3A_61 = tpu.memref_squeeze %dma_start3A_60 : memref<1x!tpu.dma_semaphore, #tpu.memory_space<semaphore_mem>> -> memref<!tpu.dma_semaphore, #tpu.memory_space<semaphore_mem>>
    %dma_start3A_62 = arith.constant 0 : i32
    %dma_start3A_63 = tpu.memref_slice %arg3[%dma_start3A_62, %mul3A_56] : memref<2x320000xi32, #tpu.memory_space<hbm>> -> memref<2x128xi32, #tpu.memory_space<hbm>>
    tpu.enqueue_dma source(%dma_start3A_63 : memref<2x128xi32, #tpu.memory_space<hbm>>) target(%arg12 : memref<2x128xi32, #tpu.memory_space<vmem>>) target_semaphore(%dma_start3A_61 : memref<!tpu.dma_semaphore, #tpu.memory_space<semaphore_mem>>)
    %add3A_64 = arith.constant 32 : i32
    %add3A_65 = arith.addi %arg1, %add3A_64 : i32
    %add3A_66 = arith.constant 2496 : i32
    %add3A_67 = arith.addi %add3A_66, %arg1 : i32
    %jit3A_68 = arith.constant true
    %select_n3A_69 = arith.select %jit3A_68, %add3A_65, %add3A_67 : i32
    %mul3A_70 = arith.constant 128 : i32
    %mul3A_71 = arith.muli %select_n3A_69, %mul3A_70 : i32
    %dma_start3A_72 = arith.constant 2 : i32
    %dma_start3A_73 = arith.constant 0 : i32
    %dma_start3A_74 = tpu.memref_slice %arg3[%dma_start3A_73, %mul3A_71] : memref<2x320000xi32, #tpu.memory_space<hbm>> -> memref<2x128xi32, #tpu.memory_space<hbm>>
    %dma_start3A_75 = tpu.memref_slice %arg31[%dma_start3A_72] : memref<4x!tpu.dma_semaphore, #tpu.memory_space<semaphore_mem>> -> memref<1x!tpu.dma_semaphore, #tpu.memory_space<semaphore_mem>>
    %dma_start3A_76 = tpu.memref_squeeze %dma_start3A_75 : memref<1x!tpu.dma_semaphore, #tpu.memory_space<semaphore_mem>> -> memref<!tpu.dma_semaphore, #tpu.memory_space<semaphore_mem>>
    %dma_start3A_77 = arith.constant 0 : i32
    %dma_start3A_78 = tpu.memref_slice %arg3[%dma_start3A_77, %mul3A_71] : memref<2x320000xi32, #tpu.memory_space<hbm>> -> memref<2x128xi32, #tpu.memory_space<hbm>>
    tpu.enqueue_dma source(%dma_start3A_78 : memref<2x128xi32, #tpu.memory_space<hbm>>) target(%arg13 : memref<2x128xi32, #tpu.memory_space<vmem>>) target_semaphore(%dma_start3A_76 : memref<!tpu.dma_semaphore, #tpu.memory_space<semaphore_mem>>)
    %add3A_79 = arith.constant 0 : i32
    %add3A_80 = arith.addi %arg1, %add3A_79 : i32
    %add3A_81 = arith.constant 2496 : i32
    %add3A_82 = arith.addi %add3A_81, %arg1 : i32
    %jit3A_83 = arith.constant true
    %select_n3A_84 = arith.select %jit3A_83, %add3A_80, %add3A_82 : i32
    %mul3A_85 = arith.constant 128 : i32
    %mul3A_86 = arith.muli %select_n3A_84, %mul3A_85 : i32
    %dma_wait3A = arith.constant 0 : i32
    %dma_wait3A_87 = arith.constant 0 : i32
    %dma_wait3A_88 = tpu.memref_slice %arg3[%dma_wait3A_87, %mul3A_86] : memref<2x320000xi32, #tpu.memory_space<hbm>> -> memref<2x128xi32, #tpu.memory_space<hbm>>
    %dma_wait3A_89 = tpu.memref_slice %arg31[%dma_wait3A] : memref<4x!tpu.dma_semaphore, #tpu.memory_space<semaphore_mem>> -> memref<1x!tpu.dma_semaphore, #tpu.memory_space<semaphore_mem>>
    %dma_wait3A_90 = tpu.memref_squeeze %dma_wait3A_89 : memref<1x!tpu.dma_semaphore, #tpu.memory_space<semaphore_mem>> -> memref<!tpu.dma_semaphore, #tpu.memory_space<semaphore_mem>>
    %dma_wait3A_91 = arith.constant 0 : i32
    %dma_wait3A_92 = tpu.memref_slice %arg3[%dma_wait3A_91, %mul3A_86] : memref<2x320000xi32, #tpu.memory_space<hbm>> -> memref<2x128xi32, #tpu.memory_space<hbm>>
    tpu.wait_dma2 semaphore(%dma_wait3A_90 : memref<!tpu.dma_semaphore, #tpu.memory_space<semaphore_mem>>) src(%dma_wait3A_92 : memref<2x128xi32, #tpu.memory_space<hbm>>) dst(%arg11 : memref<2x128xi32, #tpu.memory_space<vmem>>)
    %dma_start3A_93 = arith.constant 0 : i32
    %dma_start3A_94 = arith.constant 0 : i32
    %dma_start3A_95 = arith.constant 0 : i32
    %dma_start3A_96 = tpu.memref_slice %arg11[%dma_start3A_93, %dma_start3A_95] : memref<2x128xi32, #tpu.memory_space<vmem>> -> memref<1x128xi32, #tpu.memory_space<vmem>>
    %dma_start3A_97 = tpu.memref_squeeze %dma_start3A_96 : memref<1x128xi32, #tpu.memory_space<vmem>> -> memref<128xi32, #tpu.memory_space<vmem>>
    %dma_start3A_98 = arith.constant 0 : i32
    %dma_start3A_99 = arith.constant 0 : i32
    %dma_start3A_100 = tpu.memref_slice %arg2[%arg0, %dma_start3A_98, %dma_start3A_99] : memref<2x10000x64xf32, #tpu.memory_space<hbm>> -> memref<1x10000x64xf32, #tpu.memory_space<hbm>>
    %dma_start3A_101 = tpu.memref_squeeze %dma_start3A_100 : memref<1x10000x64xf32, #tpu.memory_space<hbm>> -> memref<10000x64xf32, #tpu.memory_space<hbm>>
    %dma_start3A_102 = arith.constant 0 : i32
    %dma_start3A_103 = arith.constant 0 : i32
    %dma_start3A_104 = tpu.memref_slice %dma_start3A_101[%dma_start3A_102, %dma_start3A_103] : memref<10000x64xf32, #tpu.memory_space<hbm>> -> memref<10000x64xf32, #tpu.memory_space<hbm>>
    %dma_start3A_105 = tpu.memref_slice %arg32[%dma_start3A_94] : memref<4x!tpu.dma_semaphore, #tpu.memory_space<semaphore_mem>> -> memref<1x!tpu.dma_semaphore, #tpu.memory_space<semaphore_mem>>
    %dma_start3A_106 = tpu.memref_squeeze %dma_start3A_105 : memref<1x!tpu.dma_semaphore, #tpu.memory_space<semaphore_mem>> -> memref<!tpu.dma_semaphore, #tpu.memory_space<semaphore_mem>>
    tpu.enqueue_indirect_dma source(%dma_start3A_104 : memref<10000x64xf32, #tpu.memory_space<hbm>>) target(%arg15 : memref<128x64xf32, #tpu.memory_space<vmem>>) offsets(%dma_start3A_97 : memref<128xi32, #tpu.memory_space<vmem>>) semaphore(%dma_start3A_106 : memref<!tpu.dma_semaphore, #tpu.memory_space<semaphore_mem>>)
    %add3A_107 = arith.constant 16 : i32
    %add3A_108 = arith.addi %arg1, %add3A_107 : i32
    %add3A_109 = arith.constant 2496 : i32
    %add3A_110 = arith.addi %add3A_109, %arg1 : i32
    %jit3A_111 = arith.constant true
    %select_n3A_112 = arith.select %jit3A_111, %add3A_108, %add3A_110 : i32
    %mul3A_113 = arith.constant 128 : i32
    %mul3A_114 = arith.muli %select_n3A_112, %mul3A_113 : i32
    %dma_wait3A_115 = arith.constant 1 : i32
    %dma_wait3A_116 = arith.constant 0 : i32
    %dma_wait3A_117 = tpu.memref_slice %arg3[%dma_wait3A_116, %mul3A_114] : memref<2x320000xi32, #tpu.memory_space<hbm>> -> memref<2x128xi32, #tpu.memory_space<hbm>>
    %dma_wait3A_118 = tpu.memref_slice %arg31[%dma_wait3A_115] : memref<4x!tpu.dma_semaphore, #tpu.memory_space<semaphore_mem>> -> memref<1x!tpu.dma_semaphore, #tpu.memory_space<semaphore_mem>>
    %dma_wait3A_119 = tpu.memref_squeeze %dma_wait3A_118 : memref<1x!tpu.dma_semaphore, #tpu.memory_space<semaphore_mem>> -> memref<!tpu.dma_semaphore, #tpu.memory_space<semaphore_mem>>
    %dma_wait3A_120 = arith.constant 0 : i32
    %dma_wait3A_121 = tpu.memref_slice %arg3[%dma_wait3A_120, %mul3A_114] : memref<2x320000xi32, #tpu.memory_space<hbm>> -> memref<2x128xi32, #tpu.memory_space<hbm>>
    tpu.wait_dma2 semaphore(%dma_wait3A_119 : memref<!tpu.dma_semaphore, #tpu.memory_space<semaphore_mem>>) src(%dma_wait3A_121 : memref<2x128xi32, #tpu.memory_space<hbm>>) dst(%arg12 : memref<2x128xi32, #tpu.memory_space<vmem>>)
    %dma_start3A_122 = arith.constant 0 : i32
    %dma_start3A_123 = arith.constant 1 : i32
    %dma_start3A_124 = arith.constant 0 : i32
    %dma_start3A_125 = tpu.memref_slice %arg12[%dma_start3A_122, %dma_start3A_124] : memref<2x128xi32, #tpu.memory_space<vmem>> -> memref<1x128xi32, #tpu.memory_space<vmem>>
    %dma_start3A_126 = tpu.memref_squeeze %dma_start3A_125 : memref<1x128xi32, #tpu.memory_space<vmem>> -> memref<128xi32, #tpu.memory_space<vmem>>
    %dma_start3A_127 = arith.constant 0 : i32
    %dma_start3A_128 = arith.constant 0 : i32
    %dma_start3A_129 = tpu.memref_slice %arg2[%arg0, %dma_start3A_127, %dma_start3A_128] : memref<2x10000x64xf32, #tpu.memory_space<hbm>> -> memref<1x10000x64xf32, #tpu.memory_space<hbm>>
    %dma_start3A_130 = tpu.memref_squeeze %dma_start3A_129 : memref<1x10000x64xf32, #tpu.memory_space<hbm>> -> memref<10000x64xf32, #tpu.memory_space<hbm>>
    %dma_start3A_131 = arith.constant 0 : i32
    %dma_start3A_132 = arith.constant 0 : i32
    %dma_start3A_133 = tpu.memref_slice %dma_start3A_130[%dma_start3A_131, %dma_start3A_132] : memref<10000x64xf32, #tpu.memory_space<hbm>> -> memref<10000x64xf32, #tpu.memory_space<hbm>>
    %dma_start3A_134 = tpu.memref_slice %arg32[%dma_start3A_123] : memref<4x!tpu.dma_semaphore, #tpu.memory_space<semaphore_mem>> -> memref<1x!tpu.dma_semaphore, #tpu.memory_space<semaphore_mem>>
    %dma_start3A_135 = tpu.memref_squeeze %dma_start3A_134 : memref<1x!tpu.dma_semaphore, #tpu.memory_space<semaphore_mem>> -> memref<!tpu.dma_semaphore, #tpu.memory_space<semaphore_mem>>
    tpu.enqueue_indirect_dma source(%dma_start3A_133 : memref<10000x64xf32, #tpu.memory_space<hbm>>) target(%arg16 : memref<128x64xf32, #tpu.memory_space<vmem>>) offsets(%dma_start3A_126 : memref<128xi32, #tpu.memory_space<vmem>>) semaphore(%dma_start3A_135 : memref<!tpu.dma_semaphore, #tpu.memory_space<semaphore_mem>>)
    %scan3A_136 = arith.constant 0 : i32
    %scan3A_137 = arith.constant 0 : i32
    %scan3A_138 = arith.constant 40 : i32
    %scan3A_139 = arith.addi %scan3A_137, %scan3A_138 : i32
    %scan3A_140 = arith.constant 1 : i32
    scf.for %scan3A_153 = %scan3A_137 to %scan3A_139 step %scan3A_140  : i32 {
      %mul3A_154 = arith.constant 4 : i32
      %mul3A_155 = arith.muli %mul3A_154, %scan3A_153 : i32
      %add3A_156 = arith.constant 0 : i32
      %add3A_157 = arith.addi %mul3A_155, %add3A_156 : i32
      %ge3A = arith.constant 2 : i32
      %ge3A_158 = arith.cmpi sge, %add3A_157, %ge3A : i32
      %sub3A = arith.constant 2 : i32
      %sub3A_159 = arith.subi %add3A_157, %sub3A : i32
      %lt3A_160 = arith.cmpi slt, %sub3A_159, %add3A_34 : i32
      %and3A = arith.andi %ge3A_158, %lt3A_160 : i1
      %convert_element_type3A = arith.extui %and3A : i1 to i32
      %cond3A = arith.constant 0 : i32
      %cond3A_161 = arith.cmpi ne, %convert_element_type3A, %cond3A : i32
      scf.if %cond3A_161 {
        %dma_wait3A_265 = arith.constant 2 : i32
        %dma_wait3A_266 = arith.constant 0 : i32
        %dma_wait3A_267 = arith.constant 0 : i32
        %dma_wait3A_268 = tpu.memref_slice %arg29[%dma_wait3A_266, %dma_wait3A_267] : memref<10000x64xf32, #tpu.memory_space<vmem_shared>> -> memref<10000x64xf32, #tpu.memory_space<vmem_shared>>
        %dma_wait3A_269 = tpu.memref_slice %arg33[%dma_wait3A_265] : memref<4x!tpu.dma_semaphore, #tpu.memory_space<semaphore_mem>> -> memref<1x!tpu.dma_semaphore, #tpu.memory_space<semaphore_mem>>
        %dma_wait3A_270 = tpu.memref_squeeze %dma_wait3A_269 : memref<1x!tpu.dma_semaphore, #tpu.memory_space<semaphore_mem>> -> memref<!tpu.dma_semaphore, #tpu.memory_space<semaphore_mem>>
        tpu.wait_indirect_dma semaphore(%dma_wait3A_270 : memref<!tpu.dma_semaphore, #tpu.memory_space<semaphore_mem>>) src(%arg17 : memref<128x64xf32, #tpu.memory_space<vmem>>) dst(%dma_wait3A_268 : memref<10000x64xf32, #tpu.memory_space<vmem_shared>>)
        %eq3A = arith.constant 0 : i32
        %eq3A_271 = arith.cmpi eq, %arg0, %eq3A : i32
        %convert_element_type3A_272 = arith.extui %eq3A_271 : i1 to i32
        %cond3A_273 = arith.constant 0 : i32
        %cond3A_274 = arith.cmpi ne, %convert_element_type3A_272, %cond3A_273 : i32
        scf.if %cond3A_274 {
          %dma_wait3A_275 = arith.constant 2 : i32
          %dma_wait3A_276 = arith.constant 0 : i32
          %dma_wait3A_277 = arith.constant 0 : i32
          %dma_wait3A_278 = tpu.memref_slice %arg30[%dma_wait3A_276, %dma_wait3A_277] : memref<10000x16xf32, #tpu.memory_space<vmem_shared>> -> memref<10000x16xf32, #tpu.memory_space<vmem_shared>>
          %dma_wait3A_279 = tpu.memref_slice %arg34[%dma_wait3A_275] : memref<4x!tpu.dma_semaphore, #tpu.memory_space<semaphore_mem>> -> memref<1x!tpu.dma_semaphore, #tpu.memory_space<semaphore_mem>>
          %dma_wait3A_280 = tpu.memref_squeeze %dma_wait3A_279 : memref<1x!tpu.dma_semaphore, #tpu.memory_space<semaphore_mem>> -> memref<!tpu.dma_semaphore, #tpu.memory_space<semaphore_mem>>
          tpu.wait_indirect_dma semaphore(%dma_wait3A_280 : memref<!tpu.dma_semaphore, #tpu.memory_space<semaphore_mem>>) src(%arg21 : memref<128x16xf32, #tpu.memory_space<vmem>>) dst(%dma_wait3A_278 : memref<10000x16xf32, #tpu.memory_space<vmem_shared>>)
        } else {
        }
      } else {
      }
      %add3A_162 = arith.constant 3 : i32
      %add3A_163 = arith.addi %add3A_157, %add3A_162 : i32
      %lt3A_164 = arith.cmpi slt, %add3A_163, %add3A_34 : i32
      %convert_element_type3A_165 = arith.extui %lt3A_164 : i1 to i32
      %cond3A_166 = arith.constant 0 : i32
      %cond3A_167 = arith.cmpi ne, %convert_element_type3A_165, %cond3A_166 : i32
      scf.if %cond3A_167 {
        %add3A_265 = arith.constant 3 : i32
        %add3A_266 = arith.addi %add3A_157, %add3A_265 : i32
        %lt3A_267 = arith.constant 156 : i32
        %lt3A_268 = arith.cmpi slt, %add3A_266, %lt3A_267 : i32
        %mul3A_269 = arith.constant 16 : i32
        %mul3A_270 = arith.muli %mul3A_269, %add3A_266 : i32
        %add3A_271 = arith.addi %arg1, %mul3A_270 : i32
        %add3A_272 = arith.constant 2496 : i32
        %add3A_273 = arith.addi %add3A_272, %arg1 : i32
        %select_n3A_274 = arith.select %lt3A_268, %add3A_271, %add3A_273 : i32
        %mul3A_275 = arith.constant 128 : i32
        %mul3A_276 = arith.muli %select_n3A_274, %mul3A_275 : i32
        %dma_start3A_277 = arith.constant 3 : i32
        %dma_start3A_278 = arith.constant 0 : i32
        %dma_start3A_279 = tpu.memref_slice %arg3[%dma_start3A_278, %mul3A_276] : memref<2x320000xi32, #tpu.memory_space<hbm>> -> memref<2x128xi32, #tpu.memory_space<hbm>>
        %dma_start3A_280 = tpu.memref_slice %arg31[%dma_start3A_277] : memref<4x!tpu.dma_semaphore, #tpu.memory_space<semaphore_mem>> -> memref<1x!tpu.dma_semaphore, #tpu.memory_space<semaphore_mem>>
        %dma_start3A_281 = tpu.memref_squeeze %dma_start3A_280 : memref<1x!tpu.dma_semaphore, #tpu.memory_space<semaphore_mem>> -> memref<!tpu.dma_semaphore, #tpu.memory_space<semaphore_mem>>
        %dma_start3A_282 = arith.constant 0 : i32
        %dma_start3A_283 = tpu.memref_slice %arg3[%dma_start3A_282, %mul3A_276] : memref<2x320000xi32, #tpu.memory_space<hbm>> -> memref<2x128xi32, #tpu.memory_space<hbm>>
        tpu.enqueue_dma source(%dma_start3A_283 : memref<2x128xi32, #tpu.memory_space<hbm>>) target(%arg14 : memref<2x128xi32, #tpu.memory_space<vmem>>) target_semaphore(%dma_start3A_281 : memref<!tpu.dma_semaphore, #tpu.memory_space<semaphore_mem>>)
      } else {
      }
      %add3A_168 = arith.constant 2 : i32
      %add3A_169 = arith.addi %add3A_157, %add3A_168 : i32
      %lt3A_170 = arith.cmpi slt, %add3A_169, %add3A_34 : i32
      %convert_element_type3A_171 = arith.extui %lt3A_170 : i1 to i32
      %cond3A_172 = arith.constant 0 : i32
      %cond3A_173 = arith.cmpi ne, %convert_element_type3A_171, %cond3A_172 : i32
      scf.if %cond3A_173 {
        %add3A_265 = arith.constant 2 : i32
        %add3A_266 = arith.addi %add3A_157, %add3A_265 : i32
        %lt3A_267 = arith.constant 156 : i32
        %lt3A_268 = arith.cmpi slt, %add3A_266, %lt3A_267 : i32
        %mul3A_269 = arith.constant 16 : i32
        %mul3A_270 = arith.muli %mul3A_269, %add3A_266 : i32
        %add3A_271 = arith.addi %arg1, %mul3A_270 : i32
        %add3A_272 = arith.constant 2496 : i32
        %add3A_273 = arith.addi %add3A_272, %arg1 : i32
        %select_n3A_274 = arith.select %lt3A_268, %add3A_271, %add3A_273 : i32
        %mul3A_275 = arith.constant 128 : i32
        %mul3A_276 = arith.muli %select_n3A_274, %mul3A_275 : i32
        %dma_wait3A_277 = arith.constant 2 : i32
        %dma_wait3A_278 = arith.constant 0 : i32
        %dma_wait3A_279 = tpu.memref_slice %arg3[%dma_wait3A_278, %mul3A_276] : memref<2x320000xi32, #tpu.memory_space<hbm>> -> memref<2x128xi32, #tpu.memory_space<hbm>>
        %dma_wait3A_280 = tpu.memref_slice %arg31[%dma_wait3A_277] : memref<4x!tpu.dma_semaphore, #tpu.memory_space<semaphore_mem>> -> memref<1x!tpu.dma_semaphore, #tpu.memory_space<semaphore_mem>>
        %dma_wait3A_281 = tpu.memref_squeeze %dma_wait3A_280 : memref<1x!tpu.dma_semaphore, #tpu.memory_space<semaphore_mem>> -> memref<!tpu.dma_semaphore, #tpu.memory_space<semaphore_mem>>
        %dma_wait3A_282 = arith.constant 0 : i32
        %dma_wait3A_283 = tpu.memref_slice %arg3[%dma_wait3A_282, %mul3A_276] : memref<2x320000xi32, #tpu.memory_space<hbm>> -> memref<2x128xi32, #tpu.memory_space<hbm>>
        tpu.wait_dma2 semaphore(%dma_wait3A_281 : memref<!tpu.dma_semaphore, #tpu.memory_space<semaphore_mem>>) src(%dma_wait3A_283 : memref<2x128xi32, #tpu.memory_space<hbm>>) dst(%arg13 : memref<2x128xi32, #tpu.memory_space<vmem>>)
        %dma_start3A_284 = arith.constant 0 : i32
        %dma_start3A_285 = arith.constant 2 : i32
        %dma_start3A_286 = arith.constant 0 : i32
        %dma_start3A_287 = tpu.memref_slice %arg13[%dma_start3A_284, %dma_start3A_286] : memref<2x128xi32, #tpu.memory_space<vmem>> -> memref<1x128xi32, #tpu.memory_space<vmem>>
        %dma_start3A_288 = tpu.memref_squeeze %dma_start3A_287 : memref<1x128xi32, #tpu.memory_space<vmem>> -> memref<128xi32, #tpu.memory_space<vmem>>
        %dma_start3A_289 = arith.constant 0 : i32
        %dma_start3A_290 = arith.constant 0 : i32
        %dma_start3A_291 = tpu.memref_slice %arg2[%arg0, %dma_start3A_289, %dma_start3A_290] : memref<2x10000x64xf32, #tpu.memory_space<hbm>> -> memref<1x10000x64xf32, #tpu.memory_space<hbm>>
        %dma_start3A_292 = tpu.memref_squeeze %dma_start3A_291 : memref<1x10000x64xf32, #tpu.memory_space<hbm>> -> memref<10000x64xf32, #tpu.memory_space<hbm>>
        %dma_start3A_293 = arith.constant 0 : i32
        %dma_start3A_294 = arith.constant 0 : i32
        %dma_start3A_295 = tpu.memref_slice %dma_start3A_292[%dma_start3A_293, %dma_start3A_294] : memref<10000x64xf32, #tpu.memory_space<hbm>> -> memref<10000x64xf32, #tpu.memory_space<hbm>>
        %dma_start3A_296 = tpu.memref_slice %arg32[%dma_start3A_285] : memref<4x!tpu.dma_semaphore, #tpu.memory_space<semaphore_mem>> -> memref<1x!tpu.dma_semaphore, #tpu.memory_space<semaphore_mem>>
        %dma_start3A_297 = tpu.memref_squeeze %dma_start3A_296 : memref<1x!tpu.dma_semaphore, #tpu.memory_space<semaphore_mem>> -> memref<!tpu.dma_semaphore, #tpu.memory_space<semaphore_mem>>
        tpu.enqueue_indirect_dma source(%dma_start3A_295 : memref<10000x64xf32, #tpu.memory_space<hbm>>) target(%arg17 : memref<128x64xf32, #tpu.memory_space<vmem>>) offsets(%dma_start3A_288 : memref<128xi32, #tpu.memory_space<vmem>>) semaphore(%dma_start3A_297 : memref<!tpu.dma_semaphore, #tpu.memory_space<semaphore_mem>>)
      } else {
      }
      %lt3A_174 = arith.cmpi slt, %add3A_157, %add3A_34 : i32
      %convert_element_type3A_175 = arith.extui %lt3A_174 : i1 to i32
      %cond3A_176 = arith.constant 0 : i32
      %cond3A_177 = arith.cmpi ne, %convert_element_type3A_175, %cond3A_176 : i32
      scf.if %cond3A_177 {
        %dma_wait3A_265 = arith.constant 0 : i32
        %dma_wait3A_266 = arith.constant 0 : i32
        %dma_wait3A_267 = arith.constant 0 : i32
        %dma_wait3A_268 = tpu.memref_slice %arg11[%dma_wait3A_265, %dma_wait3A_267] : memref<2x128xi32, #tpu.memory_space<vmem>> -> memref<1x128xi32, #tpu.memory_space<vmem>>
        %dma_wait3A_269 = tpu.memref_squeeze %dma_wait3A_268 : memref<1x128xi32, #tpu.memory_space<vmem>> -> memref<128xi32, #tpu.memory_space<vmem>>
        %dma_wait3A_270 = arith.constant 0 : i32
        %dma_wait3A_271 = arith.constant 0 : i32
        %dma_wait3A_272 = tpu.memref_slice %arg2[%arg0, %dma_wait3A_270, %dma_wait3A_271] : memref<2x10000x64xf32, #tpu.memory_space<hbm>> -> memref<1x10000x64xf32, #tpu.memory_space<hbm>>
        %dma_wait3A_273 = tpu.memref_squeeze %dma_wait3A_272 : memref<1x10000x64xf32, #tpu.memory_space<hbm>> -> memref<10000x64xf32, #tpu.memory_space<hbm>>
        %dma_wait3A_274 = arith.constant 0 : i32
        %dma_wait3A_275 = arith.constant 0 : i32
        %dma_wait3A_276 = tpu.memref_slice %dma_wait3A_273[%dma_wait3A_274, %dma_wait3A_275] : memref<10000x64xf32, #tpu.memory_space<hbm>> -> memref<10000x64xf32, #tpu.memory_space<hbm>>
        %dma_wait3A_277 = tpu.memref_slice %arg32[%dma_wait3A_266] : memref<4x!tpu.dma_semaphore, #tpu.memory_space<semaphore_mem>> -> memref<1x!tpu.dma_semaphore, #tpu.memory_space<semaphore_mem>>
        %dma_wait3A_278 = tpu.memref_squeeze %dma_wait3A_277 : memref<1x!tpu.dma_semaphore, #tpu.memory_space<semaphore_mem>> -> memref<!tpu.dma_semaphore, #tpu.memory_space<semaphore_mem>>
        tpu.wait_indirect_dma semaphore(%dma_wait3A_278 : memref<!tpu.dma_semaphore, #tpu.memory_space<semaphore_mem>>) src(%dma_wait3A_276 : memref<10000x64xf32, #tpu.memory_space<hbm>>) dst(%arg15 : memref<128x64xf32, #tpu.memory_space<vmem>>)
        %parallel_loop3A = arith.constant 0 : i32
        %parallel_loop3A_279 = arith.constant 128 : i32
        %parallel_loop3A_280 = arith.constant 16 : i32
        scf.for %parallel_loop3A_294 = %parallel_loop3A to %parallel_loop3A_279 step %parallel_loop3A_280  : i32 {
          %parallel_loop3A_295 = arith.constant 0 : i32
          %parallel_loop3A_296 = arith.index_cast %parallel_loop3A_295 : i32 to index
          %parallel_loop3A_297 = arith.index_cast %parallel_loop3A_294 : i32 to index
          %parallel_loop3A_298 = tpu.vector_load %arg11[%parallel_loop3A_296, %parallel_loop3A_297] {strides = array<i32>} : memref<2x128xi32, #tpu.memory_space<vmem>>, vector<16xi32>,
          %parallel_loop3A_299 = arith.constant 1 : i32
          %parallel_loop3A_300 = arith.index_cast %parallel_loop3A_299 : i32 to index
          %parallel_loop3A_301 = arith.index_cast %parallel_loop3A_294 : i32 to index
          %parallel_loop3A_302 = tpu.vector_load %arg11[%parallel_loop3A_300, %parallel_loop3A_301] {strides = array<i32>} : memref<2x128xi32, #tpu.memory_space<vmem>>, vector<16xi32>,
          %parallel_loop3A_303 = arith.index_cast %parallel_loop3A_294 : i32 to index
          %parallel_loop3A_304 = tpu.vector_load %arg23[%parallel_loop3A_303] {strides = array<i32>} : memref<128xi32, #tpu.memory_space<vmem>>, vector<16xi32>,
          tpu.vector_store %arg23[%parallel_loop3A_303], %parallel_loop3A_302 {strides = array<i32>} : memref<128xi32, #tpu.memory_space<vmem>>, vector<16xi32>,
          %parallel_loop3A_305 = tpu.vector_load_idx %arg9[%parallel_loop3A_298] : memref<10000xf32, #tpu.memory_space<vmem>>[vector<16xi32>], vector<16xf32>,
          %parallel_loop3A_306 = tpu.vector_load_idx %arg10[%parallel_loop3A_302] : memref<10000xf32, #tpu.memory_space<vmem>>[vector<16xi32>], vector<16xf32>,
          %parallel_loop3A_307 = arith.addf %parallel_loop3A_305, %parallel_loop3A_306 : vector<16xf32>
          %parallel_loop3A_308 = arith.constant 0.000000e+00 : f32
          %parallel_loop3A_309 = vector.broadcast %parallel_loop3A_308 : f32 to vector<16xf32>
          %parallel_loop3A_310 = arith.cmpf oge, %parallel_loop3A_307, %parallel_loop3A_309 : vector<16xf32>
          %parallel_loop3A_311 = arith.constant 2.000000e-01 : f32
          %parallel_loop3A_312 = vector.broadcast %parallel_loop3A_311 : f32 to vector<16xf32>
          %parallel_loop3A_313 = arith.mulf %parallel_loop3A_312, %parallel_loop3A_307 : vector<16xf32>
          %parallel_loop3A_314 = arith.select %parallel_loop3A_310, %parallel_loop3A_307, %parallel_loop3A_313 : vector<16xi1>, vector<16xf32>
          %parallel_loop3A_315 = arith.subf %parallel_loop3A_314, %get3A_28 : vector<16xf32>
          %parallel_loop3A_316 = math.exp %parallel_loop3A_315 : vector<16xf32>
          %parallel_loop3A_317 = arith.index_cast %parallel_loop3A_294 : i32 to index
          %parallel_loop3A_318 = tpu.vector_load %arg27[%parallel_loop3A_317] {strides = array<i32>} : memref<144xf32, #tpu.memory_space<vmem>>, vector<16xf32>,
          tpu.vector_store %arg27[%parallel_loop3A_317], %parallel_loop3A_316 {strides = array<i32>} : memref<144xf32, #tpu.memory_space<vmem>>, vector<16xf32>,
          %parallel_loop3A_319 = arith.constant 0 : i32
          %parallel_loop3A_320 = arith.cmpi eq, %arg0, %parallel_loop3A_319 : i32
          %parallel_loop3A_321 = arith.extui %parallel_loop3A_320 : i1 to i32
          %parallel_loop3A_322 = arith.constant 0 : i32
          %parallel_loop3A_323 = arith.cmpi ne, %parallel_loop3A_321, %parallel_loop3A_322 : i32
          scf.if %parallel_loop3A_323 {
            %parallel_loop3A_324 = vector.broadcast %parallel_loop3A_294 : i32 to vector<16xi32>
            %parallel_loop3A_325 = arith.addi %parallel_loop3A_324, %iota3A : vector<16xi32>
            tpu.vector_store_idx %arg19[%parallel_loop3A_325, %broadcast_in_dim3A_30], %parallel_loop3A_316 : memref<128x16xf32, #tpu.memory_space<vmem>>[vector<16xi32>, vector<16xi32>], vector<16xf32>,
          } else {
          }
        } {sc.loop_unroll_factor = 2 : i64, sc.parallel_access}
        %parallel_loop3A_281 = arith.constant 0 : i32
        %parallel_loop3A_282 = arith.constant 128 : i32
        %parallel_loop3A_283 = arith.constant 1 : i32
        scf.for %parallel_loop3A_294 = %parallel_loop3A_281 to %parallel_loop3A_282 step %parallel_loop3A_283  : i32 {
          %parallel_loop3A_295 = arith.index_cast %parallel_loop3A_294 : i32 to index
          %parallel_loop3A_296 = tpu.vector_load %arg27[%parallel_loop3A_295] {strides = array<i32>} : memref<144xf32, #tpu.memory_space<vmem>>, vector<16xf32>,
          %parallel_loop3A_297 = vector.extract_strided_slice %parallel_loop3A_296 {offsets = [0], sizes = [1], strides = [1]} : vector<16xf32> to vector<1xf32>
          %parallel_loop3A_298 = vector.extract %parallel_loop3A_297[0] : f32 from vector<1xf32>
          %parallel_loop3A_299 = arith.index_cast %parallel_loop3A_294 : i32 to index
          %parallel_loop3A_300 = arith.constant 0 : index
          %parallel_loop3A_301 = tpu.vector_load %arg15[%parallel_loop3A_299, %parallel_loop3A_300] {strides = array<i32>} : memref<128x64xf32, #tpu.memory_space<vmem>>, vector<16xf32>,
          %parallel_loop3A_302 = vector.broadcast %parallel_loop3A_298 : f32 to vector<16xf32>
          %parallel_loop3A_303 = arith.mulf %parallel_loop3A_301, %parallel_loop3A_302 : vector<16xf32>
          %parallel_loop3A_304 = arith.index_cast %parallel_loop3A_294 : i32 to index
          %parallel_loop3A_305 = arith.constant 0 : index
          %parallel_loop3A_306 = tpu.vector_load %arg15[%parallel_loop3A_304, %parallel_loop3A_305] {strides = array<i32>} : memref<128x64xf32, #tpu.memory_space<vmem>>, vector<16xf32>,
          tpu.vector_store %arg15[%parallel_loop3A_304, %parallel_loop3A_305], %parallel_loop3A_303 {strides = array<i32>} : memref<128x64xf32, #tpu.memory_space<vmem>>, vector<16xf32>,
          %parallel_loop3A_307 = arith.index_cast %parallel_loop3A_294 : i32 to index
          %parallel_loop3A_308 = arith.constant 16 : index
          %parallel_loop3A_309 = tpu.vector_load %arg15[%parallel_loop3A_307, %parallel_loop3A_308] {strides = array<i32>} : memref<128x64xf32, #tpu.memory_space<vmem>>, vector<16xf32>,
          %parallel_loop3A_310 = vector.broadcast %parallel_loop3A_298 : f32 to vector<16xf32>
          %parallel_loop3A_311 = arith.mulf %parallel_loop3A_309, %parallel_loop3A_310 : vector<16xf32>
          %parallel_loop3A_312 = arith.index_cast %parallel_loop3A_294 : i32 to index
          %parallel_loop3A_313 = arith.constant 16 : index
          %parallel_loop3A_314 = tpu.vector_load %arg15[%parallel_loop3A_312, %parallel_loop3A_313] {strides = array<i32>} : memref<128x64xf32, #tpu.memory_space<vmem>>, vector<16xf32>,
          tpu.vector_store %arg15[%parallel_loop3A_312, %parallel_loop3A_313], %parallel_loop3A_311 {strides = array<i32>} : memref<128x64xf32, #tpu.memory_space<vmem>>, vector<16xf32>,
          %parallel_loop3A_315 = arith.index_cast %parallel_loop3A_294 : i32 to index
          %parallel_loop3A_316 = arith.constant 32 : index
          %parallel_loop3A_317 = tpu.vector_load %arg15[%parallel_loop3A_315, %parallel_loop3A_316] {strides = array<i32>} : memref<128x64xf32, #tpu.memory_space<vmem>>, vector<16xf32>,
          %parallel_loop3A_318 = vector.broadcast %parallel_loop3A_298 : f32 to vector<16xf32>
          %parallel_loop3A_319 = arith.mulf %parallel_loop3A_317, %parallel_loop3A_318 : vector<16xf32>
          %parallel_loop3A_320 = arith.index_cast %parallel_loop3A_294 : i32 to index
          %parallel_loop3A_321 = arith.constant 32 : index
          %parallel_loop3A_322 = tpu.vector_load %arg15[%parallel_loop3A_320, %parallel_loop3A_321] {strides = array<i32>} : memref<128x64xf32, #tpu.memory_space<vmem>>, vector<16xf32>,
          tpu.vector_store %arg15[%parallel_loop3A_320, %parallel_loop3A_321], %parallel_loop3A_319 {strides = array<i32>} : memref<128x64xf32, #tpu.memory_space<vmem>>, vector<16xf32>,
          %parallel_loop3A_323 = arith.index_cast %parallel_loop3A_294 : i32 to index
          %parallel_loop3A_324 = arith.constant 48 : index
          %parallel_loop3A_325 = tpu.vector_load %arg15[%parallel_loop3A_323, %parallel_loop3A_324] {strides = array<i32>} : memref<128x64xf32, #tpu.memory_space<vmem>>, vector<16xf32>,
          %parallel_loop3A_326 = vector.broadcast %parallel_loop3A_298 : f32 to vector<16xf32>
          %parallel_loop3A_327 = arith.mulf %parallel_loop3A_325, %parallel_loop3A_326 : vector<16xf32>
          %parallel_loop3A_328 = arith.index_cast %parallel_loop3A_294 : i32 to index
          %parallel_loop3A_329 = arith.constant 48 : index
          %parallel_loop3A_330 = tpu.vector_load %arg15[%parallel_loop3A_328, %parallel_loop3A_329] {strides = array<i32>} : memref<128x64xf32, #tpu.memory_space<vmem>>, vector<16xf32>,
          tpu.vector_store %arg15[%parallel_loop3A_328, %parallel_loop3A_329], %parallel_loop3A_327 {strides = array<i32>} : memref<128x64xf32, #tpu.memory_space<vmem>>, vector<16xf32>,
        } {sc.loop_unroll_factor = 8 : i64, sc.parallel_access}
        %dma_start3A_284 = arith.constant 0 : i32
        %dma_start3A_285 = arith.constant 0 : i32
        %dma_start3A_286 = arith.constant 0 : i32
        %dma_start3A_287 = tpu.memref_slice %arg29[%dma_start3A_285, %dma_start3A_286] : memref<10000x64xf32, #tpu.memory_space<vmem_shared>> -> memref<10000x64xf32, #tpu.memory_space<vmem_shared>>
        %dma_start3A_288 = tpu.memref_slice %arg33[%dma_start3A_284] : memref<4x!tpu.dma_semaphore, #tpu.memory_space<semaphore_mem>> -> memref<1x!tpu.dma_semaphore, #tpu.memory_space<semaphore_mem>>
        %dma_start3A_289 = tpu.memref_squeeze %dma_start3A_288 : memref<1x!tpu.dma_semaphore, #tpu.memory_space<semaphore_mem>> -> memref<!tpu.dma_semaphore, #tpu.memory_space<semaphore_mem>>
        tpu.enqueue_indirect_dma source(%arg15 : memref<128x64xf32, #tpu.memory_space<vmem>>) target(%dma_start3A_287 : memref<10000x64xf32, #tpu.memory_space<vmem_shared>>) offsets(%arg23 : memref<128xi32, #tpu.memory_space<vmem>>) semaphore(%dma_start3A_289 : memref<!tpu.dma_semaphore, #tpu.memory_space<semaphore_mem>>) {add = true}
        %eq3A = arith.constant 0 : i32
        %eq3A_290 = arith.cmpi eq, %arg0, %eq3A : i32
        %convert_element_type3A_291 = arith.extui %eq3A_290 : i1 to i32
        %cond3A_292 = arith.constant 0 : i32
        %cond3A_293 = arith.cmpi ne, %convert_element_type3A_291, %cond3A_292 : i32
        scf.if %cond3A_293 {
          %dma_start3A_294 = arith.constant 0 : i32
          %dma_start3A_295 = arith.constant 0 : i32
          %dma_start3A_296 = arith.constant 0 : i32
          %dma_start3A_297 = tpu.memref_slice %arg30[%dma_start3A_295, %dma_start3A_296] : memref<10000x16xf32, #tpu.memory_space<vmem_shared>> -> memref<10000x16xf32, #tpu.memory_space<vmem_shared>>
          %dma_start3A_298 = tpu.memref_slice %arg34[%dma_start3A_294] : memref<4x!tpu.dma_semaphore, #tpu.memory_space<semaphore_mem>> -> memref<1x!tpu.dma_semaphore, #tpu.memory_space<semaphore_mem>>
          %dma_start3A_299 = tpu.memref_squeeze %dma_start3A_298 : memref<1x!tpu.dma_semaphore, #tpu.memory_space<semaphore_mem>> -> memref<!tpu.dma_semaphore, #tpu.memory_space<semaphore_mem>>
          tpu.enqueue_indirect_dma source(%arg19 : memref<128x16xf32, #tpu.memory_space<vmem>>) target(%dma_start3A_297 : memref<10000x16xf32, #tpu.memory_space<vmem_shared>>) offsets(%arg23 : memref<128xi32, #tpu.memory_space<vmem>>) semaphore(%dma_start3A_299 : memref<!tpu.dma_semaphore, #tpu.memory_space<semaphore_mem>>) {add = true}
        } else {
        }
      } else {
      }
      %mul3A_178 = arith.constant 4 : i32
      %mul3A_179 = arith.muli %mul3A_178, %scan3A_153 : i32
      %add3A_180 = arith.constant 1 : i32
      %add3A_181 = arith.addi %mul3A_179, %add3A_180 : i32
      %ge3A_182 = arith.constant 2 : i32
      %ge3A_183 = arith.cmpi sge, %add3A_181, %ge3A_182 : i32
      %sub3A_184 = arith.constant 2 : i32
      %sub3A_185 = arith.subi %add3A_181, %sub3A_184 : i32
      %lt3A_186 = arith.cmpi slt, %sub3A_185, %add3A_34 : i32
      %and3A_187 = arith.andi %ge3A_183, %lt3A_186 : i1
      %convert_element_type3A_188 = arith.extui %and3A_187 : i1 to i32
      %cond3A_189 = arith.constant 0 : i32
      %cond3A_190 = arith.cmpi ne, %convert_element_type3A_188, %cond3A_189 : i32
      scf.if %cond3A_190 {
        %dma_wait3A_265 = arith.constant 3 : i32
        %dma_wait3A_266 = arith.constant 0 : i32
        %dma_wait3A_267 = arith.constant 0 : i32
        %dma_wait3A_268 = tpu.memref_slice %arg29[%dma_wait3A_266, %dma_wait3A_267] : memref<10000x64xf32, #tpu.memory_space<vmem_shared>> -> memref<10000x64xf32, #tpu.memory_space<vmem_shared>>
        %dma_wait3A_269 = tpu.memref_slice %arg33[%dma_wait3A_265] : memref<4x!tpu.dma_semaphore, #tpu.memory_space<semaphore_mem>> -> memref<1x!tpu.dma_semaphore, #tpu.memory_space<semaphore_mem>>
        %dma_wait3A_270 = tpu.memref_squeeze %dma_wait3A_269 : memref<1x!tpu.dma_semaphore, #tpu.memory_space<semaphore_mem>> -> memref<!tpu.dma_semaphore, #tpu.memory_space<semaphore_mem>>
        tpu.wait_indirect_dma semaphore(%dma_wait3A_270 : memref<!tpu.dma_semaphore, #tpu.memory_space<semaphore_mem>>) src(%arg18 : memref<128x64xf32, #tpu.memory_space<vmem>>) dst(%dma_wait3A_268 : memref<10000x64xf32, #tpu.memory_space<vmem_shared>>)
        %eq3A = arith.constant 1 : i32
        %eq3A_271 = arith.cmpi eq, %arg0, %eq3A : i32
        %convert_element_type3A_272 = arith.extui %eq3A_271 : i1 to i32
        %cond3A_273 = arith.constant 0 : i32
        %cond3A_274 = arith.cmpi ne, %convert_element_type3A_272, %cond3A_273 : i32
        scf.if %cond3A_274 {
          %dma_wait3A_275 = arith.constant 3 : i32
          %dma_wait3A_276 = arith.constant 0 : i32
          %dma_wait3A_277 = arith.constant 0 : i32
          %dma_wait3A_278 = tpu.memref_slice %arg30[%dma_wait3A_276, %dma_wait3A_277] : memref<10000x16xf32, #tpu.memory_space<vmem_shared>> -> memref<10000x16xf32, #tpu.memory_space<vmem_shared>>
          %dma_wait3A_279 = tpu.memref_slice %arg34[%dma_wait3A_275] : memref<4x!tpu.dma_semaphore, #tpu.memory_space<semaphore_mem>> -> memref<1x!tpu.dma_semaphore, #tpu.memory_space<semaphore_mem>>
          %dma_wait3A_280 = tpu.memref_squeeze %dma_wait3A_279 : memref<1x!tpu.dma_semaphore, #tpu.memory_space<semaphore_mem>> -> memref<!tpu.dma_semaphore, #tpu.memory_space<semaphore_mem>>
          tpu.wait_indirect_dma semaphore(%dma_wait3A_280 : memref<!tpu.dma_semaphore, #tpu.memory_space<semaphore_mem>>) src(%arg22 : memref<128x16xf32, #tpu.memory_space<vmem>>) dst(%dma_wait3A_278 : memref<10000x16xf32, #tpu.memory_space<vmem_shared>>)
        } else {
        }
      } else {
      }
      %add3A_191 = arith.constant 3 : i32
      %add3A_192 = arith.addi %add3A_181, %add3A_191 : i32
      %lt3A_193 = arith.cmpi slt, %add3A_192, %add3A_34 : i32
      %convert_element_type3A_194 = arith.extui %lt3A_193 : i1 to i32
      %cond3A_195 = arith.constant 0 : i32
      %cond3A_196 = arith.cmpi ne, %convert_element_type3A_194, %cond3A_195 : i32
      scf.if %cond3A_196 {
        %add3A_265 = arith.constant 3 : i32
        %add3A_266 = arith.addi %add3A_181, %add3A_265 : i32
        %lt3A_267 = arith.constant 156 : i32
        %lt3A_268 = arith.cmpi slt, %add3A_266, %lt3A_267 : i32
        %mul3A_269 = arith.constant 16 : i32
        %mul3A_270 = arith.muli %mul3A_269, %add3A_266 : i32
        %add3A_271 = arith.addi %arg1, %mul3A_270 : i32
        %add3A_272 = arith.constant 2496 : i32
        %add3A_273 = arith.addi %add3A_272, %arg1 : i32
        %select_n3A_274 = arith.select %lt3A_268, %add3A_271, %add3A_273 : i32
        %mul3A_275 = arith.constant 128 : i32
        %mul3A_276 = arith.muli %select_n3A_274, %mul3A_275 : i32
        %dma_start3A_277 = arith.constant 0 : i32
        %dma_start3A_278 = arith.constant 0 : i32
        %dma_start3A_279 = tpu.memref_slice %arg3[%dma_start3A_278, %mul3A_276] : memref<2x320000xi32, #tpu.memory_space<hbm>> -> memref<2x128xi32, #tpu.memory_space<hbm>>
        %dma_start3A_280 = tpu.memref_slice %arg31[%dma_start3A_277] : memref<4x!tpu.dma_semaphore, #tpu.memory_space<semaphore_mem>> -> memref<1x!tpu.dma_semaphore, #tpu.memory_space<semaphore_mem>>
        %dma_start3A_281 = tpu.memref_squeeze %dma_start3A_280 : memref<1x!tpu.dma_semaphore, #tpu.memory_space<semaphore_mem>> -> memref<!tpu.dma_semaphore, #tpu.memory_space<semaphore_mem>>
        %dma_start3A_282 = arith.constant 0 : i32
        %dma_start3A_283 = tpu.memref_slice %arg3[%dma_start3A_282, %mul3A_276] : memref<2x320000xi32, #tpu.memory_space<hbm>> -> memref<2x128xi32, #tpu.memory_space<hbm>>
        tpu.enqueue_dma source(%dma_start3A_283 : memref<2x128xi32, #tpu.memory_space<hbm>>) target(%arg11 : memref<2x128xi32, #tpu.memory_space<vmem>>) target_semaphore(%dma_start3A_281 : memref<!tpu.dma_semaphore, #tpu.memory_space<semaphore_mem>>)
      } else {
      }
      %add3A_197 = arith.constant 2 : i32
      %add3A_198 = arith.addi %add3A_181, %add3A_197 : i32
      %lt3A_199 = arith.cmpi slt, %add3A_198, %add3A_34 : i32
      %convert_element_type3A_200 = arith.extui %lt3A_199 : i1 to i32
      %cond3A_201 = arith.constant 0 : i32
      %cond3A_202 = arith.cmpi ne, %convert_element_type3A_200, %cond3A_201 : i32
      scf.if %cond3A_202 {
        %add3A_265 = arith.constant 2 : i32
        %add3A_266 = arith.addi %add3A_181, %add3A_265 : i32
        %lt3A_267 = arith.constant 156 : i32
        %lt3A_268 = arith.cmpi slt, %add3A_266, %lt3A_267 : i32
        %mul3A_269 = arith.constant 16 : i32
        %mul3A_270 = arith.muli %mul3A_269, %add3A_266 : i32
        %add3A_271 = arith.addi %arg1, %mul3A_270 : i32
        %add3A_272 = arith.constant 2496 : i32
        %add3A_273 = arith.addi %add3A_272, %arg1 : i32
        %select_n3A_274 = arith.select %lt3A_268, %add3A_271, %add3A_273 : i32
        %mul3A_275 = arith.constant 128 : i32
        %mul3A_276 = arith.muli %select_n3A_274, %mul3A_275 : i32
        %dma_wait3A_277 = arith.constant 3 : i32
        %dma_wait3A_278 = arith.constant 0 : i32
        %dma_wait3A_279 = tpu.memref_slice %arg3[%dma_wait3A_278, %mul3A_276] : memref<2x320000xi32, #tpu.memory_space<hbm>> -> memref<2x128xi32, #tpu.memory_space<hbm>>
        %dma_wait3A_280 = tpu.memref_slice %arg31[%dma_wait3A_277] : memref<4x!tpu.dma_semaphore, #tpu.memory_space<semaphore_mem>> -> memref<1x!tpu.dma_semaphore, #tpu.memory_space<semaphore_mem>>
        %dma_wait3A_281 = tpu.memref_squeeze %dma_wait3A_280 : memref<1x!tpu.dma_semaphore, #tpu.memory_space<semaphore_mem>> -> memref<!tpu.dma_semaphore, #tpu.memory_space<semaphore_mem>>
        %dma_wait3A_282 = arith.constant 0 : i32
        %dma_wait3A_283 = tpu.memref_slice %arg3[%dma_wait3A_282, %mul3A_276] : memref<2x320000xi32, #tpu.memory_space<hbm>> -> memref<2x128xi32, #tpu.memory_space<hbm>>
        tpu.wait_dma2 semaphore(%dma_wait3A_281 : memref<!tpu.dma_semaphore, #tpu.memory_space<semaphore_mem>>) src(%dma_wait3A_283 : memref<2x128xi32, #tpu.memory_space<hbm>>) dst(%arg14 : memref<2x128xi32, #tpu.memory_space<vmem>>)
        %dma_start3A_284 = arith.constant 0 : i32
        %dma_start3A_285 = arith.constant 3 : i32
        %dma_start3A_286 = arith.constant 0 : i32
        %dma_start3A_287 = tpu.memref_slice %arg14[%dma_start3A_284, %dma_start3A_286] : memref<2x128xi32, #tpu.memory_space<vmem>> -> memref<1x128xi32, #tpu.memory_space<vmem>>
        %dma_start3A_288 = tpu.memref_squeeze %dma_start3A_287 : memref<1x128xi32, #tpu.memory_space<vmem>> -> memref<128xi32, #tpu.memory_space<vmem>>
        %dma_start3A_289 = arith.constant 0 : i32
        %dma_start3A_290 = arith.constant 0 : i32
        %dma_start3A_291 = tpu.memref_slice %arg2[%arg0, %dma_start3A_289, %dma_start3A_290] : memref<2x10000x64xf32, #tpu.memory_space<hbm>> -> memref<1x10000x64xf32, #tpu.memory_space<hbm>>
        %dma_start3A_292 = tpu.memref_squeeze %dma_start3A_291 : memref<1x10000x64xf32, #tpu.memory_space<hbm>> -> memref<10000x64xf32, #tpu.memory_space<hbm>>
        %dma_start3A_293 = arith.constant 0 : i32
        %dma_start3A_294 = arith.constant 0 : i32
        %dma_start3A_295 = tpu.memref_slice %dma_start3A_292[%dma_start3A_293, %dma_start3A_294] : memref<10000x64xf32, #tpu.memory_space<hbm>> -> memref<10000x64xf32, #tpu.memory_space<hbm>>
        %dma_start3A_296 = tpu.memref_slice %arg32[%dma_start3A_285] : memref<4x!tpu.dma_semaphore, #tpu.memory_space<semaphore_mem>> -> memref<1x!tpu.dma_semaphore, #tpu.memory_space<semaphore_mem>>
        %dma_start3A_297 = tpu.memref_squeeze %dma_start3A_296 : memref<1x!tpu.dma_semaphore, #tpu.memory_space<semaphore_mem>> -> memref<!tpu.dma_semaphore, #tpu.memory_space<semaphore_mem>>
        tpu.enqueue_indirect_dma source(%dma_start3A_295 : memref<10000x64xf32, #tpu.memory_space<hbm>>) target(%arg18 : memref<128x64xf32, #tpu.memory_space<vmem>>) offsets(%dma_start3A_288 : memref<128xi32, #tpu.memory_space<vmem>>) semaphore(%dma_start3A_297 : memref<!tpu.dma_semaphore, #tpu.memory_space<semaphore_mem>>)
      } else {
      }
      %lt3A_203 = arith.cmpi slt, %add3A_181, %add3A_34 : i32
      %convert_element_type3A_204 = arith.extui %lt3A_203 : i1 to i32
      %cond3A_205 = arith.constant 0 : i32
      %cond3A_206 = arith.cmpi ne, %convert_element_type3A_204, %cond3A_205 : i32
      scf.if %cond3A_206 {
        %dma_wait3A_265 = arith.constant 0 : i32
        %dma_wait3A_266 = arith.constant 1 : i32
        %dma_wait3A_267 = arith.constant 0 : i32
        %dma_wait3A_268 = tpu.memref_slice %arg12[%dma_wait3A_265, %dma_wait3A_267] : memref<2x128xi32, #tpu.memory_space<vmem>> -> memref<1x128xi32, #tpu.memory_space<vmem>>
        %dma_wait3A_269 = tpu.memref_squeeze %dma_wait3A_268 : memref<1x128xi32, #tpu.memory_space<vmem>> -> memref<128xi32, #tpu.memory_space<vmem>>
        %dma_wait3A_270 = arith.constant 0 : i32
        %dma_wait3A_271 = arith.constant 0 : i32
        %dma_wait3A_272 = tpu.memref_slice %arg2[%arg0, %dma_wait3A_270, %dma_wait3A_271] : memref<2x10000x64xf32, #tpu.memory_space<hbm>> -> memref<1x10000x64xf32, #tpu.memory_space<hbm>>
        %dma_wait3A_273 = tpu.memref_squeeze %dma_wait3A_272 : memref<1x10000x64xf32, #tpu.memory_space<hbm>> -> memref<10000x64xf32, #tpu.memory_space<hbm>>
        %dma_wait3A_274 = arith.constant 0 : i32
        %dma_wait3A_275 = arith.constant 0 : i32
        %dma_wait3A_276 = tpu.memref_slice %dma_wait3A_273[%dma_wait3A_274, %dma_wait3A_275] : memref<10000x64xf32, #tpu.memory_space<hbm>> -> memref<10000x64xf32, #tpu.memory_space<hbm>>
        %dma_wait3A_277 = tpu.memref_slice %arg32[%dma_wait3A_266] : memref<4x!tpu.dma_semaphore, #tpu.memory_space<semaphore_mem>> -> memref<1x!tpu.dma_semaphore, #tpu.memory_space<semaphore_mem>>
        %dma_wait3A_278 = tpu.memref_squeeze %dma_wait3A_277 : memref<1x!tpu.dma_semaphore, #tpu.memory_space<semaphore_mem>> -> memref<!tpu.dma_semaphore, #tpu.memory_space<semaphore_mem>>
        tpu.wait_indirect_dma semaphore(%dma_wait3A_278 : memref<!tpu.dma_semaphore, #tpu.memory_space<semaphore_mem>>) src(%dma_wait3A_276 : memref<10000x64xf32, #tpu.memory_space<hbm>>) dst(%arg16 : memref<128x64xf32, #tpu.memory_space<vmem>>)
        %parallel_loop3A = arith.constant 0 : i32
        %parallel_loop3A_279 = arith.constant 128 : i32
        %parallel_loop3A_280 = arith.constant 16 : i32
        scf.for %parallel_loop3A_294 = %parallel_loop3A to %parallel_loop3A_279 step %parallel_loop3A_280  : i32 {
          %parallel_loop3A_295 = arith.constant 0 : i32
          %parallel_loop3A_296 = arith.index_cast %parallel_loop3A_295 : i32 to index
          %parallel_loop3A_297 = arith.index_cast %parallel_loop3A_294 : i32 to index
          %parallel_loop3A_298 = tpu.vector_load %arg12[%parallel_loop3A_296, %parallel_loop3A_297] {strides = array<i32>} : memref<2x128xi32, #tpu.memory_space<vmem>>, vector<16xi32>,
          %parallel_loop3A_299 = arith.constant 1 : i32
          %parallel_loop3A_300 = arith.index_cast %parallel_loop3A_299 : i32 to index
          %parallel_loop3A_301 = arith.index_cast %parallel_loop3A_294 : i32 to index
          %parallel_loop3A_302 = tpu.vector_load %arg12[%parallel_loop3A_300, %parallel_loop3A_301] {strides = array<i32>} : memref<2x128xi32, #tpu.memory_space<vmem>>, vector<16xi32>,
          %parallel_loop3A_303 = arith.index_cast %parallel_loop3A_294 : i32 to index
          %parallel_loop3A_304 = tpu.vector_load %arg24[%parallel_loop3A_303] {strides = array<i32>} : memref<128xi32, #tpu.memory_space<vmem>>, vector<16xi32>,
          tpu.vector_store %arg24[%parallel_loop3A_303], %parallel_loop3A_302 {strides = array<i32>} : memref<128xi32, #tpu.memory_space<vmem>>, vector<16xi32>,
          %parallel_loop3A_305 = tpu.vector_load_idx %arg9[%parallel_loop3A_298] : memref<10000xf32, #tpu.memory_space<vmem>>[vector<16xi32>], vector<16xf32>,
          %parallel_loop3A_306 = tpu.vector_load_idx %arg10[%parallel_loop3A_302] : memref<10000xf32, #tpu.memory_space<vmem>>[vector<16xi32>], vector<16xf32>,
          %parallel_loop3A_307 = arith.addf %parallel_loop3A_305, %parallel_loop3A_306 : vector<16xf32>
          %parallel_loop3A_308 = arith.constant 0.000000e+00 : f32
          %parallel_loop3A_309 = vector.broadcast %parallel_loop3A_308 : f32 to vector<16xf32>
          %parallel_loop3A_310 = arith.cmpf oge, %parallel_loop3A_307, %parallel_loop3A_309 : vector<16xf32>
          %parallel_loop3A_311 = arith.constant 2.000000e-01 : f32
          %parallel_loop3A_312 = vector.broadcast %parallel_loop3A_311 : f32 to vector<16xf32>
          %parallel_loop3A_313 = arith.mulf %parallel_loop3A_312, %parallel_loop3A_307 : vector<16xf32>
          %parallel_loop3A_314 = arith.select %parallel_loop3A_310, %parallel_loop3A_307, %parallel_loop3A_313 : vector<16xi1>, vector<16xf32>
          %parallel_loop3A_315 = arith.subf %parallel_loop3A_314, %get3A_28 : vector<16xf32>
          %parallel_loop3A_316 = math.exp %parallel_loop3A_315 : vector<16xf32>
          %parallel_loop3A_317 = arith.index_cast %parallel_loop3A_294 : i32 to index
          %parallel_loop3A_318 = tpu.vector_load %arg27[%parallel_loop3A_317] {strides = array<i32>} : memref<144xf32, #tpu.memory_space<vmem>>, vector<16xf32>,
          tpu.vector_store %arg27[%parallel_loop3A_317], %parallel_loop3A_316 {strides = array<i32>} : memref<144xf32, #tpu.memory_space<vmem>>, vector<16xf32>,
          %parallel_loop3A_319 = arith.constant 1 : i32
          %parallel_loop3A_320 = arith.cmpi eq, %arg0, %parallel_loop3A_319 : i32
          %parallel_loop3A_321 = arith.extui %parallel_loop3A_320 : i1 to i32
          %parallel_loop3A_322 = arith.constant 0 : i32
          %parallel_loop3A_323 = arith.cmpi ne, %parallel_loop3A_321, %parallel_loop3A_322 : i32
          scf.if %parallel_loop3A_323 {
            %parallel_loop3A_324 = vector.broadcast %parallel_loop3A_294 : i32 to vector<16xi32>
            %parallel_loop3A_325 = arith.addi %parallel_loop3A_324, %iota3A : vector<16xi32>
            tpu.vector_store_idx %arg20[%parallel_loop3A_325, %broadcast_in_dim3A_30], %parallel_loop3A_316 : memref<128x16xf32, #tpu.memory_space<vmem>>[vector<16xi32>, vector<16xi32>], vector<16xf32>,
          } else {
          }
        } {sc.loop_unroll_factor = 2 : i64, sc.parallel_access}
        %parallel_loop3A_281 = arith.constant 0 : i32
        %parallel_loop3A_282 = arith.constant 128 : i32
        %parallel_loop3A_283 = arith.constant 1 : i32
        scf.for %parallel_loop3A_294 = %parallel_loop3A_281 to %parallel_loop3A_282 step %parallel_loop3A_283  : i32 {
          %parallel_loop3A_295 = arith.index_cast %parallel_loop3A_294 : i32 to index
          %parallel_loop3A_296 = tpu.vector_load %arg27[%parallel_loop3A_295] {strides = array<i32>} : memref<144xf32, #tpu.memory_space<vmem>>, vector<16xf32>,
          %parallel_loop3A_297 = vector.extract_strided_slice %parallel_loop3A_296 {offsets = [0], sizes = [1], strides = [1]} : vector<16xf32> to vector<1xf32>
          %parallel_loop3A_298 = vector.extract %parallel_loop3A_297[0] : f32 from vector<1xf32>
          %parallel_loop3A_299 = arith.index_cast %parallel_loop3A_294 : i32 to index
          %parallel_loop3A_300 = arith.constant 0 : index
          %parallel_loop3A_301 = tpu.vector_load %arg16[%parallel_loop3A_299, %parallel_loop3A_300] {strides = array<i32>} : memref<128x64xf32, #tpu.memory_space<vmem>>, vector<16xf32>,
          %parallel_loop3A_302 = vector.broadcast %parallel_loop3A_298 : f32 to vector<16xf32>
          %parallel_loop3A_303 = arith.mulf %parallel_loop3A_301, %parallel_loop3A_302 : vector<16xf32>
          %parallel_loop3A_304 = arith.index_cast %parallel_loop3A_294 : i32 to index
          %parallel_loop3A_305 = arith.constant 0 : index
          %parallel_loop3A_306 = tpu.vector_load %arg16[%parallel_loop3A_304, %parallel_loop3A_305] {strides = array<i32>} : memref<128x64xf32, #tpu.memory_space<vmem>>, vector<16xf32>,
          tpu.vector_store %arg16[%parallel_loop3A_304, %parallel_loop3A_305], %parallel_loop3A_303 {strides = array<i32>} : memref<128x64xf32, #tpu.memory_space<vmem>>, vector<16xf32>,
          %parallel_loop3A_307 = arith.index_cast %parallel_loop3A_294 : i32 to index
          %parallel_loop3A_308 = arith.constant 16 : index
          %parallel_loop3A_309 = tpu.vector_load %arg16[%parallel_loop3A_307, %parallel_loop3A_308] {strides = array<i32>} : memref<128x64xf32, #tpu.memory_space<vmem>>, vector<16xf32>,
          %parallel_loop3A_310 = vector.broadcast %parallel_loop3A_298 : f32 to vector<16xf32>
          %parallel_loop3A_311 = arith.mulf %parallel_loop3A_309, %parallel_loop3A_310 : vector<16xf32>
          %parallel_loop3A_312 = arith.index_cast %parallel_loop3A_294 : i32 to index
          %parallel_loop3A_313 = arith.constant 16 : index
          %parallel_loop3A_314 = tpu.vector_load %arg16[%parallel_loop3A_312, %parallel_loop3A_313] {strides = array<i32>} : memref<128x64xf32, #tpu.memory_space<vmem>>, vector<16xf32>,
          tpu.vector_store %arg16[%parallel_loop3A_312, %parallel_loop3A_313], %parallel_loop3A_311 {strides = array<i32>} : memref<128x64xf32, #tpu.memory_space<vmem>>, vector<16xf32>,
          %parallel_loop3A_315 = arith.index_cast %parallel_loop3A_294 : i32 to index
          %parallel_loop3A_316 = arith.constant 32 : index
          %parallel_loop3A_317 = tpu.vector_load %arg16[%parallel_loop3A_315, %parallel_loop3A_316] {strides = array<i32>} : memref<128x64xf32, #tpu.memory_space<vmem>>, vector<16xf32>,
          %parallel_loop3A_318 = vector.broadcast %parallel_loop3A_298 : f32 to vector<16xf32>
          %parallel_loop3A_319 = arith.mulf %parallel_loop3A_317, %parallel_loop3A_318 : vector<16xf32>
          %parallel_loop3A_320 = arith.index_cast %parallel_loop3A_294 : i32 to index
          %parallel_loop3A_321 = arith.constant 32 : index
          %parallel_loop3A_322 = tpu.vector_load %arg16[%parallel_loop3A_320, %parallel_loop3A_321] {strides = array<i32>} : memref<128x64xf32, #tpu.memory_space<vmem>>, vector<16xf32>,
          tpu.vector_store %arg16[%parallel_loop3A_320, %parallel_loop3A_321], %parallel_loop3A_319 {strides = array<i32>} : memref<128x64xf32, #tpu.memory_space<vmem>>, vector<16xf32>,
          %parallel_loop3A_323 = arith.index_cast %parallel_loop3A_294 : i32 to index
          %parallel_loop3A_324 = arith.constant 48 : index
          %parallel_loop3A_325 = tpu.vector_load %arg16[%parallel_loop3A_323, %parallel_loop3A_324] {strides = array<i32>} : memref<128x64xf32, #tpu.memory_space<vmem>>, vector<16xf32>,
          %parallel_loop3A_326 = vector.broadcast %parallel_loop3A_298 : f32 to vector<16xf32>
          %parallel_loop3A_327 = arith.mulf %parallel_loop3A_325, %parallel_loop3A_326 : vector<16xf32>
          %parallel_loop3A_328 = arith.index_cast %parallel_loop3A_294 : i32 to index
          %parallel_loop3A_329 = arith.constant 48 : index
          %parallel_loop3A_330 = tpu.vector_load %arg16[%parallel_loop3A_328, %parallel_loop3A_329] {strides = array<i32>} : memref<128x64xf32, #tpu.memory_space<vmem>>, vector<16xf32>,
          tpu.vector_store %arg16[%parallel_loop3A_328, %parallel_loop3A_329], %parallel_loop3A_327 {strides = array<i32>} : memref<128x64xf32, #tpu.memory_space<vmem>>, vector<16xf32>,
        } {sc.loop_unroll_factor = 8 : i64, sc.parallel_access}
        %dma_start3A_284 = arith.constant 1 : i32
        %dma_start3A_285 = arith.constant 0 : i32
        %dma_start3A_286 = arith.constant 0 : i32
        %dma_start3A_287 = tpu.memref_slice %arg29[%dma_start3A_285, %dma_start3A_286] : memref<10000x64xf32, #tpu.memory_space<vmem_shared>> -> memref<10000x64xf32, #tpu.memory_space<vmem_shared>>
        %dma_start3A_288 = tpu.memref_slice %arg33[%dma_start3A_284] : memref<4x!tpu.dma_semaphore, #tpu.memory_space<semaphore_mem>> -> memref<1x!tpu.dma_semaphore, #tpu.memory_space<semaphore_mem>>
        %dma_start3A_289 = tpu.memref_squeeze %dma_start3A_288 : memref<1x!tpu.dma_semaphore, #tpu.memory_space<semaphore_mem>> -> memref<!tpu.dma_semaphore, #tpu.memory_space<semaphore_mem>>
        tpu.enqueue_indirect_dma source(%arg16 : memref<128x64xf32, #tpu.memory_space<vmem>>) target(%dma_start3A_287 : memref<10000x64xf32, #tpu.memory_space<vmem_shared>>) offsets(%arg24 : memref<128xi32, #tpu.memory_space<vmem>>) semaphore(%dma_start3A_289 : memref<!tpu.dma_semaphore, #tpu.memory_space<semaphore_mem>>) {add = true}
        %eq3A = arith.constant 1 : i32
        %eq3A_290 = arith.cmpi eq, %arg0, %eq3A : i32
        %convert_element_type3A_291 = arith.extui %eq3A_290 : i1 to i32
        %cond3A_292 = arith.constant 0 : i32
        %cond3A_293 = arith.cmpi ne, %convert_element_type3A_291, %cond3A_292 : i32
        scf.if %cond3A_293 {
          %dma_start3A_294 = arith.constant 1 : i32
          %dma_start3A_295 = arith.constant 0 : i32
          %dma_start3A_296 = arith.constant 0 : i32
          %dma_start3A_297 = tpu.memref_slice %arg30[%dma_start3A_295, %dma_start3A_296] : memref<10000x16xf32, #tpu.memory_space<vmem_shared>> -> memref<10000x16xf32, #tpu.memory_space<vmem_shared>>
          %dma_start3A_298 = tpu.memref_slice %arg34[%dma_start3A_294] : memref<4x!tpu.dma_semaphore, #tpu.memory_space<semaphore_mem>> -> memref<1x!tpu.dma_semaphore, #tpu.memory_space<semaphore_mem>>
          %dma_start3A_299 = tpu.memref_squeeze %dma_start3A_298 : memref<1x!tpu.dma_semaphore, #tpu.memory_space<semaphore_mem>> -> memref<!tpu.dma_semaphore, #tpu.memory_space<semaphore_mem>>
          tpu.enqueue_indirect_dma source(%arg20 : memref<128x16xf32, #tpu.memory_space<vmem>>) target(%dma_start3A_297 : memref<10000x16xf32, #tpu.memory_space<vmem_shared>>) offsets(%arg24 : memref<128xi32, #tpu.memory_space<vmem>>) semaphore(%dma_start3A_299 : memref<!tpu.dma_semaphore, #tpu.memory_space<semaphore_mem>>) {add = true}
        } else {
        }
      } else {
      }
      %mul3A_207 = arith.constant 4 : i32
      %mul3A_208 = arith.muli %mul3A_207, %scan3A_153 : i32
      %add3A_209 = arith.constant 2 : i32
      %add3A_210 = arith.addi %mul3A_208, %add3A_209 : i32
      %ge3A_211 = arith.constant 2 : i32
      %ge3A_212 = arith.cmpi sge, %add3A_210, %ge3A_211 : i32
      %sub3A_213 = arith.constant 2 : i32
      %sub3A_214 = arith.subi %add3A_210, %sub3A_213 : i32
      %lt3A_215 = arith.cmpi slt, %sub3A_214, %add3A_34 : i32
      %and3A_216 = arith.andi %ge3A_212, %lt3A_215 : i1
      %convert_element_type3A_217 = arith.extui %and3A_216 : i1 to i32
      %cond3A_218 = arith.constant 0 : i32
      %cond3A_219 = arith.cmpi ne, %convert_element_type3A_217, %cond3A_218 : i32
      scf.if %cond3A_219 {
        %dma_wait3A_265 = arith.constant 0 : i32
        %dma_wait3A_266 = arith.constant 0 : i32
        %dma_wait3A_267 = arith.constant 0 : i32
        %dma_wait3A_268 = tpu.memref_slice %arg29[%dma_wait3A_266, %dma_wait3A_267] : memref<10000x64xf32, #tpu.memory_space<vmem_shared>> -> memref<10000x64xf32, #tpu.memory_space<vmem_shared>>
        %dma_wait3A_269 = tpu.memref_slice %arg33[%dma_wait3A_265] : memref<4x!tpu.dma_semaphore, #tpu.memory_space<semaphore_mem>> -> memref<1x!tpu.dma_semaphore, #tpu.memory_space<semaphore_mem>>
        %dma_wait3A_270 = tpu.memref_squeeze %dma_wait3A_269 : memref<1x!tpu.dma_semaphore, #tpu.memory_space<semaphore_mem>> -> memref<!tpu.dma_semaphore, #tpu.memory_space<semaphore_mem>>
        tpu.wait_indirect_dma semaphore(%dma_wait3A_270 : memref<!tpu.dma_semaphore, #tpu.memory_space<semaphore_mem>>) src(%arg15 : memref<128x64xf32, #tpu.memory_space<vmem>>) dst(%dma_wait3A_268 : memref<10000x64xf32, #tpu.memory_space<vmem_shared>>)
        %eq3A = arith.constant 0 : i32
        %eq3A_271 = arith.cmpi eq, %arg0, %eq3A : i32
        %convert_element_type3A_272 = arith.extui %eq3A_271 : i1 to i32
        %cond3A_273 = arith.constant 0 : i32
        %cond3A_274 = arith.cmpi ne, %convert_element_type3A_272, %cond3A_273 : i32
        scf.if %cond3A_274 {
          %dma_wait3A_275 = arith.constant 0 : i32
          %dma_wait3A_276 = arith.constant 0 : i32
          %dma_wait3A_277 = arith.constant 0 : i32
          %dma_wait3A_278 = tpu.memref_slice %arg30[%dma_wait3A_276, %dma_wait3A_277] : memref<10000x16xf32, #tpu.memory_space<vmem_shared>> -> memref<10000x16xf32, #tpu.memory_space<vmem_shared>>
          %dma_wait3A_279 = tpu.memref_slice %arg34[%dma_wait3A_275] : memref<4x!tpu.dma_semaphore, #tpu.memory_space<semaphore_mem>> -> memref<1x!tpu.dma_semaphore, #tpu.memory_space<semaphore_mem>>
          %dma_wait3A_280 = tpu.memref_squeeze %dma_wait3A_279 : memref<1x!tpu.dma_semaphore, #tpu.memory_space<semaphore_mem>> -> memref<!tpu.dma_semaphore, #tpu.memory_space<semaphore_mem>>
          tpu.wait_indirect_dma semaphore(%dma_wait3A_280 : memref<!tpu.dma_semaphore, #tpu.memory_space<semaphore_mem>>) src(%arg19 : memref<128x16xf32, #tpu.memory_space<vmem>>) dst(%dma_wait3A_278 : memref<10000x16xf32, #tpu.memory_space<vmem_shared>>)
        } else {
        }
      } else {
      }
      %add3A_220 = arith.constant 3 : i32
      %add3A_221 = arith.addi %add3A_210, %add3A_220 : i32
      %lt3A_222 = arith.cmpi slt, %add3A_221, %add3A_34 : i32
      %convert_element_type3A_223 = arith.extui %lt3A_222 : i1 to i32
      %cond3A_224 = arith.constant 0 : i32
      %cond3A_225 = arith.cmpi ne, %convert_element_type3A_223, %cond3A_224 : i32
      scf.if %cond3A_225 {
        %add3A_265 = arith.constant 3 : i32
        %add3A_266 = arith.addi %add3A_210, %add3A_265 : i32
        %lt3A_267 = arith.constant 156 : i32
        %lt3A_268 = arith.cmpi slt, %add3A_266, %lt3A_267 : i32
        %mul3A_269 = arith.constant 16 : i32
        %mul3A_270 = arith.muli %mul3A_269, %add3A_266 : i32
        %add3A_271 = arith.addi %arg1, %mul3A_270 : i32
        %add3A_272 = arith.constant 2496 : i32
        %add3A_273 = arith.addi %add3A_272, %arg1 : i32
        %select_n3A_274 = arith.select %lt3A_268, %add3A_271, %add3A_273 : i32
        %mul3A_275 = arith.constant 128 : i32
        %mul3A_276 = arith.muli %select_n3A_274, %mul3A_275 : i32
        %dma_start3A_277 = arith.constant 1 : i32
        %dma_start3A_278 = arith.constant 0 : i32
        %dma_start3A_279 = tpu.memref_slice %arg3[%dma_start3A_278, %mul3A_276] : memref<2x320000xi32, #tpu.memory_space<hbm>> -> memref<2x128xi32, #tpu.memory_space<hbm>>
        %dma_start3A_280 = tpu.memref_slice %arg31[%dma_start3A_277] : memref<4x!tpu.dma_semaphore, #tpu.memory_space<semaphore_mem>> -> memref<1x!tpu.dma_semaphore, #tpu.memory_space<semaphore_mem>>
        %dma_start3A_281 = tpu.memref_squeeze %dma_start3A_280 : memref<1x!tpu.dma_semaphore, #tpu.memory_space<semaphore_mem>> -> memref<!tpu.dma_semaphore, #tpu.memory_space<semaphore_mem>>
        %dma_start3A_282 = arith.constant 0 : i32
        %dma_start3A_283 = tpu.memref_slice %arg3[%dma_start3A_282, %mul3A_276] : memref<2x320000xi32, #tpu.memory_space<hbm>> -> memref<2x128xi32, #tpu.memory_space<hbm>>
        tpu.enqueue_dma source(%dma_start3A_283 : memref<2x128xi32, #tpu.memory_space<hbm>>) target(%arg12 : memref<2x128xi32, #tpu.memory_space<vmem>>) target_semaphore(%dma_start3A_281 : memref<!tpu.dma_semaphore, #tpu.memory_space<semaphore_mem>>)
      } else {
      }
      %add3A_226 = arith.constant 2 : i32
      %add3A_227 = arith.addi %add3A_210, %add3A_226 : i32
      %lt3A_228 = arith.cmpi slt, %add3A_227, %add3A_34 : i32
      %convert_element_type3A_229 = arith.extui %lt3A_228 : i1 to i32
      %cond3A_230 = arith.constant 0 : i32
      %cond3A_231 = arith.cmpi ne, %convert_element_type3A_229, %cond3A_230 : i32
      scf.if %cond3A_231 {
        %add3A_265 = arith.constant 2 : i32
        %add3A_266 = arith.addi %add3A_210, %add3A_265 : i32
        %lt3A_267 = arith.constant 156 : i32
        %lt3A_268 = arith.cmpi slt, %add3A_266, %lt3A_267 : i32
        %mul3A_269 = arith.constant 16 : i32
        %mul3A_270 = arith.muli %mul3A_269, %add3A_266 : i32
        %add3A_271 = arith.addi %arg1, %mul3A_270 : i32
        %add3A_272 = arith.constant 2496 : i32
        %add3A_273 = arith.addi %add3A_272, %arg1 : i32
        %select_n3A_274 = arith.select %lt3A_268, %add3A_271, %add3A_273 : i32
        %mul3A_275 = arith.constant 128 : i32
        %mul3A_276 = arith.muli %select_n3A_274, %mul3A_275 : i32
        %dma_wait3A_277 = arith.constant 0 : i32
        %dma_wait3A_278 = arith.constant 0 : i32
        %dma_wait3A_279 = tpu.memref_slice %arg3[%dma_wait3A_278, %mul3A_276] : memref<2x320000xi32, #tpu.memory_space<hbm>> -> memref<2x128xi32, #tpu.memory_space<hbm>>
        %dma_wait3A_280 = tpu.memref_slice %arg31[%dma_wait3A_277] : memref<4x!tpu.dma_semaphore, #tpu.memory_space<semaphore_mem>> -> memref<1x!tpu.dma_semaphore, #tpu.memory_space<semaphore_mem>>
        %dma_wait3A_281 = tpu.memref_squeeze %dma_wait3A_280 : memref<1x!tpu.dma_semaphore, #tpu.memory_space<semaphore_mem>> -> memref<!tpu.dma_semaphore, #tpu.memory_space<semaphore_mem>>
        %dma_wait3A_282 = arith.constant 0 : i32
        %dma_wait3A_283 = tpu.memref_slice %arg3[%dma_wait3A_282, %mul3A_276] : memref<2x320000xi32, #tpu.memory_space<hbm>> -> memref<2x128xi32, #tpu.memory_space<hbm>>
        tpu.wait_dma2 semaphore(%dma_wait3A_281 : memref<!tpu.dma_semaphore, #tpu.memory_space<semaphore_mem>>) src(%dma_wait3A_283 : memref<2x128xi32, #tpu.memory_space<hbm>>) dst(%arg11 : memref<2x128xi32, #tpu.memory_space<vmem>>)
        %dma_start3A_284 = arith.constant 0 : i32
        %dma_start3A_285 = arith.constant 0 : i32
        %dma_start3A_286 = arith.constant 0 : i32
        %dma_start3A_287 = tpu.memref_slice %arg11[%dma_start3A_284, %dma_start3A_286] : memref<2x128xi32, #tpu.memory_space<vmem>> -> memref<1x128xi32, #tpu.memory_space<vmem>>
        %dma_start3A_288 = tpu.memref_squeeze %dma_start3A_287 : memref<1x128xi32, #tpu.memory_space<vmem>> -> memref<128xi32, #tpu.memory_space<vmem>>
        %dma_start3A_289 = arith.constant 0 : i32
        %dma_start3A_290 = arith.constant 0 : i32
        %dma_start3A_291 = tpu.memref_slice %arg2[%arg0, %dma_start3A_289, %dma_start3A_290] : memref<2x10000x64xf32, #tpu.memory_space<hbm>> -> memref<1x10000x64xf32, #tpu.memory_space<hbm>>
        %dma_start3A_292 = tpu.memref_squeeze %dma_start3A_291 : memref<1x10000x64xf32, #tpu.memory_space<hbm>> -> memref<10000x64xf32, #tpu.memory_space<hbm>>
        %dma_start3A_293 = arith.constant 0 : i32
        %dma_start3A_294 = arith.constant 0 : i32
        %dma_start3A_295 = tpu.memref_slice %dma_start3A_292[%dma_start3A_293, %dma_start3A_294] : memref<10000x64xf32, #tpu.memory_space<hbm>> -> memref<10000x64xf32, #tpu.memory_space<hbm>>
        %dma_start3A_296 = tpu.memref_slice %arg32[%dma_start3A_285] : memref<4x!tpu.dma_semaphore, #tpu.memory_space<semaphore_mem>> -> memref<1x!tpu.dma_semaphore, #tpu.memory_space<semaphore_mem>>
        %dma_start3A_297 = tpu.memref_squeeze %dma_start3A_296 : memref<1x!tpu.dma_semaphore, #tpu.memory_space<semaphore_mem>> -> memref<!tpu.dma_semaphore, #tpu.memory_space<semaphore_mem>>
        tpu.enqueue_indirect_dma source(%dma_start3A_295 : memref<10000x64xf32, #tpu.memory_space<hbm>>) target(%arg15 : memref<128x64xf32, #tpu.memory_space<vmem>>) offsets(%dma_start3A_288 : memref<128xi32, #tpu.memory_space<vmem>>) semaphore(%dma_start3A_297 : memref<!tpu.dma_semaphore, #tpu.memory_space<semaphore_mem>>)
      } else {
      }
      %lt3A_232 = arith.cmpi slt, %add3A_210, %add3A_34 : i32
      %convert_element_type3A_233 = arith.extui %lt3A_232 : i1 to i32
      %cond3A_234 = arith.constant 0 : i32
      %cond3A_235 = arith.cmpi ne, %convert_element_type3A_233, %cond3A_234 : i32
      scf.if %cond3A_235 {
        %dma_wait3A_265 = arith.constant 0 : i32
        %dma_wait3A_266 = arith.constant 2 : i32
        %dma_wait3A_267 = arith.constant 0 : i32
        %dma_wait3A_268 = tpu.memref_slice %arg13[%dma_wait3A_265, %dma_wait3A_267] : memref<2x128xi32, #tpu.memory_space<vmem>> -> memref<1x128xi32, #tpu.memory_space<vmem>>
        %dma_wait3A_269 = tpu.memref_squeeze %dma_wait3A_268 : memref<1x128xi32, #tpu.memory_space<vmem>> -> memref<128xi32, #tpu.memory_space<vmem>>
        %dma_wait3A_270 = arith.constant 0 : i32
        %dma_wait3A_271 = arith.constant 0 : i32
        %dma_wait3A_272 = tpu.memref_slice %arg2[%arg0, %dma_wait3A_270, %dma_wait3A_271] : memref<2x10000x64xf32, #tpu.memory_space<hbm>> -> memref<1x10000x64xf32, #tpu.memory_space<hbm>>
        %dma_wait3A_273 = tpu.memref_squeeze %dma_wait3A_272 : memref<1x10000x64xf32, #tpu.memory_space<hbm>> -> memref<10000x64xf32, #tpu.memory_space<hbm>>
        %dma_wait3A_274 = arith.constant 0 : i32
        %dma_wait3A_275 = arith.constant 0 : i32
        %dma_wait3A_276 = tpu.memref_slice %dma_wait3A_273[%dma_wait3A_274, %dma_wait3A_275] : memref<10000x64xf32, #tpu.memory_space<hbm>> -> memref<10000x64xf32, #tpu.memory_space<hbm>>
        %dma_wait3A_277 = tpu.memref_slice %arg32[%dma_wait3A_266] : memref<4x!tpu.dma_semaphore, #tpu.memory_space<semaphore_mem>> -> memref<1x!tpu.dma_semaphore, #tpu.memory_space<semaphore_mem>>
        %dma_wait3A_278 = tpu.memref_squeeze %dma_wait3A_277 : memref<1x!tpu.dma_semaphore, #tpu.memory_space<semaphore_mem>> -> memref<!tpu.dma_semaphore, #tpu.memory_space<semaphore_mem>>
        tpu.wait_indirect_dma semaphore(%dma_wait3A_278 : memref<!tpu.dma_semaphore, #tpu.memory_space<semaphore_mem>>) src(%dma_wait3A_276 : memref<10000x64xf32, #tpu.memory_space<hbm>>) dst(%arg17 : memref<128x64xf32, #tpu.memory_space<vmem>>)
        %parallel_loop3A = arith.constant 0 : i32
        %parallel_loop3A_279 = arith.constant 128 : i32
        %parallel_loop3A_280 = arith.constant 16 : i32
        scf.for %parallel_loop3A_294 = %parallel_loop3A to %parallel_loop3A_279 step %parallel_loop3A_280  : i32 {
          %parallel_loop3A_295 = arith.constant 0 : i32
          %parallel_loop3A_296 = arith.index_cast %parallel_loop3A_295 : i32 to index
          %parallel_loop3A_297 = arith.index_cast %parallel_loop3A_294 : i32 to index
          %parallel_loop3A_298 = tpu.vector_load %arg13[%parallel_loop3A_296, %parallel_loop3A_297] {strides = array<i32>} : memref<2x128xi32, #tpu.memory_space<vmem>>, vector<16xi32>,
          %parallel_loop3A_299 = arith.constant 1 : i32
          %parallel_loop3A_300 = arith.index_cast %parallel_loop3A_299 : i32 to index
          %parallel_loop3A_301 = arith.index_cast %parallel_loop3A_294 : i32 to index
          %parallel_loop3A_302 = tpu.vector_load %arg13[%parallel_loop3A_300, %parallel_loop3A_301] {strides = array<i32>} : memref<2x128xi32, #tpu.memory_space<vmem>>, vector<16xi32>,
          %parallel_loop3A_303 = arith.index_cast %parallel_loop3A_294 : i32 to index
          %parallel_loop3A_304 = tpu.vector_load %arg25[%parallel_loop3A_303] {strides = array<i32>} : memref<128xi32, #tpu.memory_space<vmem>>, vector<16xi32>,
          tpu.vector_store %arg25[%parallel_loop3A_303], %parallel_loop3A_302 {strides = array<i32>} : memref<128xi32, #tpu.memory_space<vmem>>, vector<16xi32>,
          %parallel_loop3A_305 = tpu.vector_load_idx %arg9[%parallel_loop3A_298] : memref<10000xf32, #tpu.memory_space<vmem>>[vector<16xi32>], vector<16xf32>,
          %parallel_loop3A_306 = tpu.vector_load_idx %arg10[%parallel_loop3A_302] : memref<10000xf32, #tpu.memory_space<vmem>>[vector<16xi32>], vector<16xf32>,
          %parallel_loop3A_307 = arith.addf %parallel_loop3A_305, %parallel_loop3A_306 : vector<16xf32>
          %parallel_loop3A_308 = arith.constant 0.000000e+00 : f32
          %parallel_loop3A_309 = vector.broadcast %parallel_loop3A_308 : f32 to vector<16xf32>
          %parallel_loop3A_310 = arith.cmpf oge, %parallel_loop3A_307, %parallel_loop3A_309 : vector<16xf32>
          %parallel_loop3A_311 = arith.constant 2.000000e-01 : f32
          %parallel_loop3A_312 = vector.broadcast %parallel_loop3A_311 : f32 to vector<16xf32>
          %parallel_loop3A_313 = arith.mulf %parallel_loop3A_312, %parallel_loop3A_307 : vector<16xf32>
          %parallel_loop3A_314 = arith.select %parallel_loop3A_310, %parallel_loop3A_307, %parallel_loop3A_313 : vector<16xi1>, vector<16xf32>
          %parallel_loop3A_315 = arith.subf %parallel_loop3A_314, %get3A_28 : vector<16xf32>
          %parallel_loop3A_316 = math.exp %parallel_loop3A_315 : vector<16xf32>
          %parallel_loop3A_317 = arith.index_cast %parallel_loop3A_294 : i32 to index
          %parallel_loop3A_318 = tpu.vector_load %arg27[%parallel_loop3A_317] {strides = array<i32>} : memref<144xf32, #tpu.memory_space<vmem>>, vector<16xf32>,
          tpu.vector_store %arg27[%parallel_loop3A_317], %parallel_loop3A_316 {strides = array<i32>} : memref<144xf32, #tpu.memory_space<vmem>>, vector<16xf32>,
          %parallel_loop3A_319 = arith.constant 0 : i32
          %parallel_loop3A_320 = arith.cmpi eq, %arg0, %parallel_loop3A_319 : i32
          %parallel_loop3A_321 = arith.extui %parallel_loop3A_320 : i1 to i32
          %parallel_loop3A_322 = arith.constant 0 : i32
          %parallel_loop3A_323 = arith.cmpi ne, %parallel_loop3A_321, %parallel_loop3A_322 : i32
          scf.if %parallel_loop3A_323 {
            %parallel_loop3A_324 = vector.broadcast %parallel_loop3A_294 : i32 to vector<16xi32>
            %parallel_loop3A_325 = arith.addi %parallel_loop3A_324, %iota3A : vector<16xi32>
            tpu.vector_store_idx %arg21[%parallel_loop3A_325, %broadcast_in_dim3A_30], %parallel_loop3A_316 : memref<128x16xf32, #tpu.memory_space<vmem>>[vector<16xi32>, vector<16xi32>], vector<16xf32>,
          } else {
          }
        } {sc.loop_unroll_factor = 2 : i64, sc.parallel_access}
        %parallel_loop3A_281 = arith.constant 0 : i32
        %parallel_loop3A_282 = arith.constant 128 : i32
        %parallel_loop3A_283 = arith.constant 1 : i32
        scf.for %parallel_loop3A_294 = %parallel_loop3A_281 to %parallel_loop3A_282 step %parallel_loop3A_283  : i32 {
          %parallel_loop3A_295 = arith.index_cast %parallel_loop3A_294 : i32 to index
          %parallel_loop3A_296 = tpu.vector_load %arg27[%parallel_loop3A_295] {strides = array<i32>} : memref<144xf32, #tpu.memory_space<vmem>>, vector<16xf32>,
          %parallel_loop3A_297 = vector.extract_strided_slice %parallel_loop3A_296 {offsets = [0], sizes = [1], strides = [1]} : vector<16xf32> to vector<1xf32>
          %parallel_loop3A_298 = vector.extract %parallel_loop3A_297[0] : f32 from vector<1xf32>
          %parallel_loop3A_299 = arith.index_cast %parallel_loop3A_294 : i32 to index
          %parallel_loop3A_300 = arith.constant 0 : index
          %parallel_loop3A_301 = tpu.vector_load %arg17[%parallel_loop3A_299, %parallel_loop3A_300] {strides = array<i32>} : memref<128x64xf32, #tpu.memory_space<vmem>>, vector<16xf32>,
          %parallel_loop3A_302 = vector.broadcast %parallel_loop3A_298 : f32 to vector<16xf32>
          %parallel_loop3A_303 = arith.mulf %parallel_loop3A_301, %parallel_loop3A_302 : vector<16xf32>
          %parallel_loop3A_304 = arith.index_cast %parallel_loop3A_294 : i32 to index
          %parallel_loop3A_305 = arith.constant 0 : index
          %parallel_loop3A_306 = tpu.vector_load %arg17[%parallel_loop3A_304, %parallel_loop3A_305] {strides = array<i32>} : memref<128x64xf32, #tpu.memory_space<vmem>>, vector<16xf32>,
          tpu.vector_store %arg17[%parallel_loop3A_304, %parallel_loop3A_305], %parallel_loop3A_303 {strides = array<i32>} : memref<128x64xf32, #tpu.memory_space<vmem>>, vector<16xf32>,
          %parallel_loop3A_307 = arith.index_cast %parallel_loop3A_294 : i32 to index
          %parallel_loop3A_308 = arith.constant 16 : index
          %parallel_loop3A_309 = tpu.vector_load %arg17[%parallel_loop3A_307, %parallel_loop3A_308] {strides = array<i32>} : memref<128x64xf32, #tpu.memory_space<vmem>>, vector<16xf32>,
          %parallel_loop3A_310 = vector.broadcast %parallel_loop3A_298 : f32 to vector<16xf32>
          %parallel_loop3A_311 = arith.mulf %parallel_loop3A_309, %parallel_loop3A_310 : vector<16xf32>
          %parallel_loop3A_312 = arith.index_cast %parallel_loop3A_294 : i32 to index
          %parallel_loop3A_313 = arith.constant 16 : index
          %parallel_loop3A_314 = tpu.vector_load %arg17[%parallel_loop3A_312, %parallel_loop3A_313] {strides = array<i32>} : memref<128x64xf32, #tpu.memory_space<vmem>>, vector<16xf32>,
          tpu.vector_store %arg17[%parallel_loop3A_312, %parallel_loop3A_313], %parallel_loop3A_311 {strides = array<i32>} : memref<128x64xf32, #tpu.memory_space<vmem>>, vector<16xf32>,
          %parallel_loop3A_315 = arith.index_cast %parallel_loop3A_294 : i32 to index
          %parallel_loop3A_316 = arith.constant 32 : index
          %parallel_loop3A_317 = tpu.vector_load %arg17[%parallel_loop3A_315, %parallel_loop3A_316] {strides = array<i32>} : memref<128x64xf32, #tpu.memory_space<vmem>>, vector<16xf32>,
          %parallel_loop3A_318 = vector.broadcast %parallel_loop3A_298 : f32 to vector<16xf32>
          %parallel_loop3A_319 = arith.mulf %parallel_loop3A_317, %parallel_loop3A_318 : vector<16xf32>
          %parallel_loop3A_320 = arith.index_cast %parallel_loop3A_294 : i32 to index
          %parallel_loop3A_321 = arith.constant 32 : index
          %parallel_loop3A_322 = tpu.vector_load %arg17[%parallel_loop3A_320, %parallel_loop3A_321] {strides = array<i32>} : memref<128x64xf32, #tpu.memory_space<vmem>>, vector<16xf32>,
          tpu.vector_store %arg17[%parallel_loop3A_320, %parallel_loop3A_321], %parallel_loop3A_319 {strides = array<i32>} : memref<128x64xf32, #tpu.memory_space<vmem>>, vector<16xf32>,
          %parallel_loop3A_323 = arith.index_cast %parallel_loop3A_294 : i32 to index
          %parallel_loop3A_324 = arith.constant 48 : index
          %parallel_loop3A_325 = tpu.vector_load %arg17[%parallel_loop3A_323, %parallel_loop3A_324] {strides = array<i32>} : memref<128x64xf32, #tpu.memory_space<vmem>>, vector<16xf32>,
          %parallel_loop3A_326 = vector.broadcast %parallel_loop3A_298 : f32 to vector<16xf32>
          %parallel_loop3A_327 = arith.mulf %parallel_loop3A_325, %parallel_loop3A_326 : vector<16xf32>
          %parallel_loop3A_328 = arith.index_cast %parallel_loop3A_294 : i32 to index
          %parallel_loop3A_329 = arith.constant 48 : index
          %parallel_loop3A_330 = tpu.vector_load %arg17[%parallel_loop3A_328, %parallel_loop3A_329] {strides = array<i32>} : memref<128x64xf32, #tpu.memory_space<vmem>>, vector<16xf32>,
          tpu.vector_store %arg17[%parallel_loop3A_328, %parallel_loop3A_329], %parallel_loop3A_327 {strides = array<i32>} : memref<128x64xf32, #tpu.memory_space<vmem>>, vector<16xf32>,
        } {sc.loop_unroll_factor = 8 : i64, sc.parallel_access}
        %dma_start3A_284 = arith.constant 2 : i32
        %dma_start3A_285 = arith.constant 0 : i32
        %dma_start3A_286 = arith.constant 0 : i32
        %dma_start3A_287 = tpu.memref_slice %arg29[%dma_start3A_285, %dma_start3A_286] : memref<10000x64xf32, #tpu.memory_space<vmem_shared>> -> memref<10000x64xf32, #tpu.memory_space<vmem_shared>>
        %dma_start3A_288 = tpu.memref_slice %arg33[%dma_start3A_284] : memref<4x!tpu.dma_semaphore, #tpu.memory_space<semaphore_mem>> -> memref<1x!tpu.dma_semaphore, #tpu.memory_space<semaphore_mem>>
        %dma_start3A_289 = tpu.memref_squeeze %dma_start3A_288 : memref<1x!tpu.dma_semaphore, #tpu.memory_space<semaphore_mem>> -> memref<!tpu.dma_semaphore, #tpu.memory_space<semaphore_mem>>
        tpu.enqueue_indirect_dma source(%arg17 : memref<128x64xf32, #tpu.memory_space<vmem>>) target(%dma_start3A_287 : memref<10000x64xf32, #tpu.memory_space<vmem_shared>>) offsets(%arg25 : memref<128xi32, #tpu.memory_space<vmem>>) semaphore(%dma_start3A_289 : memref<!tpu.dma_semaphore, #tpu.memory_space<semaphore_mem>>) {add = true}
        %eq3A = arith.constant 0 : i32
        %eq3A_290 = arith.cmpi eq, %arg0, %eq3A : i32
        %convert_element_type3A_291 = arith.extui %eq3A_290 : i1 to i32
        %cond3A_292 = arith.constant 0 : i32
        %cond3A_293 = arith.cmpi ne, %convert_element_type3A_291, %cond3A_292 : i32
        scf.if %cond3A_293 {
          %dma_start3A_294 = arith.constant 2 : i32
          %dma_start3A_295 = arith.constant 0 : i32
          %dma_start3A_296 = arith.constant 0 : i32
          %dma_start3A_297 = tpu.memref_slice %arg30[%dma_start3A_295, %dma_start3A_296] : memref<10000x16xf32, #tpu.memory_space<vmem_shared>> -> memref<10000x16xf32, #tpu.memory_space<vmem_shared>>
          %dma_start3A_298 = tpu.memref_slice %arg34[%dma_start3A_294] : memref<4x!tpu.dma_semaphore, #tpu.memory_space<semaphore_mem>> -> memref<1x!tpu.dma_semaphore, #tpu.memory_space<semaphore_mem>>
          %dma_start3A_299 = tpu.memref_squeeze %dma_start3A_298 : memref<1x!tpu.dma_semaphore, #tpu.memory_space<semaphore_mem>> -> memref<!tpu.dma_semaphore, #tpu.memory_space<semaphore_mem>>
          tpu.enqueue_indirect_dma source(%arg21 : memref<128x16xf32, #tpu.memory_space<vmem>>) target(%dma_start3A_297 : memref<10000x16xf32, #tpu.memory_space<vmem_shared>>) offsets(%arg25 : memref<128xi32, #tpu.memory_space<vmem>>) semaphore(%dma_start3A_299 : memref<!tpu.dma_semaphore, #tpu.memory_space<semaphore_mem>>) {add = true}
        } else {
        }
      } else {
      }
      %mul3A_236 = arith.constant 4 : i32
      %mul3A_237 = arith.muli %mul3A_236, %scan3A_153 : i32
      %add3A_238 = arith.constant 3 : i32
      %add3A_239 = arith.addi %mul3A_237, %add3A_238 : i32
      %ge3A_240 = arith.constant 2 : i32
      %ge3A_241 = arith.cmpi sge, %add3A_239, %ge3A_240 : i32
      %sub3A_242 = arith.constant 2 : i32
      %sub3A_243 = arith.subi %add3A_239, %sub3A_242 : i32
      %lt3A_244 = arith.cmpi slt, %sub3A_243, %add3A_34 : i32
      %and3A_245 = arith.andi %ge3A_241, %lt3A_244 : i1
      %convert_element_type3A_246 = arith.extui %and3A_245 : i1 to i32
      %cond3A_247 = arith.constant 0 : i32
      %cond3A_248 = arith.cmpi ne, %convert_element_type3A_246, %cond3A_247 : i32
      scf.if %cond3A_248 {
        %dma_wait3A_265 = arith.constant 1 : i32
        %dma_wait3A_266 = arith.constant 0 : i32
        %dma_wait3A_267 = arith.constant 0 : i32
        %dma_wait3A_268 = tpu.memref_slice %arg29[%dma_wait3A_266, %dma_wait3A_267] : memref<10000x64xf32, #tpu.memory_space<vmem_shared>> -> memref<10000x64xf32, #tpu.memory_space<vmem_shared>>
        %dma_wait3A_269 = tpu.memref_slice %arg33[%dma_wait3A_265] : memref<4x!tpu.dma_semaphore, #tpu.memory_space<semaphore_mem>> -> memref<1x!tpu.dma_semaphore, #tpu.memory_space<semaphore_mem>>
        %dma_wait3A_270 = tpu.memref_squeeze %dma_wait3A_269 : memref<1x!tpu.dma_semaphore, #tpu.memory_space<semaphore_mem>> -> memref<!tpu.dma_semaphore, #tpu.memory_space<semaphore_mem>>
        tpu.wait_indirect_dma semaphore(%dma_wait3A_270 : memref<!tpu.dma_semaphore, #tpu.memory_space<semaphore_mem>>) src(%arg16 : memref<128x64xf32, #tpu.memory_space<vmem>>) dst(%dma_wait3A_268 : memref<10000x64xf32, #tpu.memory_space<vmem_shared>>)
        %eq3A = arith.constant 1 : i32
        %eq3A_271 = arith.cmpi eq, %arg0, %eq3A : i32
        %convert_element_type3A_272 = arith.extui %eq3A_271 : i1 to i32
        %cond3A_273 = arith.constant 0 : i32
        %cond3A_274 = arith.cmpi ne, %convert_element_type3A_272, %cond3A_273 : i32
        scf.if %cond3A_274 {
          %dma_wait3A_275 = arith.constant 1 : i32
          %dma_wait3A_276 = arith.constant 0 : i32
          %dma_wait3A_277 = arith.constant 0 : i32
          %dma_wait3A_278 = tpu.memref_slice %arg30[%dma_wait3A_276, %dma_wait3A_277] : memref<10000x16xf32, #tpu.memory_space<vmem_shared>> -> memref<10000x16xf32, #tpu.memory_space<vmem_shared>>
          %dma_wait3A_279 = tpu.memref_slice %arg34[%dma_wait3A_275] : memref<4x!tpu.dma_semaphore, #tpu.memory_space<semaphore_mem>> -> memref<1x!tpu.dma_semaphore, #tpu.memory_space<semaphore_mem>>
          %dma_wait3A_280 = tpu.memref_squeeze %dma_wait3A_279 : memref<1x!tpu.dma_semaphore, #tpu.memory_space<semaphore_mem>> -> memref<!tpu.dma_semaphore, #tpu.memory_space<semaphore_mem>>
          tpu.wait_indirect_dma semaphore(%dma_wait3A_280 : memref<!tpu.dma_semaphore, #tpu.memory_space<semaphore_mem>>) src(%arg20 : memref<128x16xf32, #tpu.memory_space<vmem>>) dst(%dma_wait3A_278 : memref<10000x16xf32, #tpu.memory_space<vmem_shared>>)
        } else {
        }
      } else {
      }
      %add3A_249 = arith.constant 3 : i32
      %add3A_250 = arith.addi %add3A_239, %add3A_249 : i32
      %lt3A_251 = arith.cmpi slt, %add3A_250, %add3A_34 : i32
      %convert_element_type3A_252 = arith.extui %lt3A_251 : i1 to i32
      %cond3A_253 = arith.constant 0 : i32
      %cond3A_254 = arith.cmpi ne, %convert_element_type3A_252, %cond3A_253 : i32
      scf.if %cond3A_254 {
        %add3A_265 = arith.constant 3 : i32
        %add3A_266 = arith.addi %add3A_239, %add3A_265 : i32
        %lt3A_267 = arith.constant 156 : i32
        %lt3A_268 = arith.cmpi slt, %add3A_266, %lt3A_267 : i32
        %mul3A_269 = arith.constant 16 : i32
        %mul3A_270 = arith.muli %mul3A_269, %add3A_266 : i32
        %add3A_271 = arith.addi %arg1, %mul3A_270 : i32
        %add3A_272 = arith.constant 2496 : i32
        %add3A_273 = arith.addi %add3A_272, %arg1 : i32
        %select_n3A_274 = arith.select %lt3A_268, %add3A_271, %add3A_273 : i32
        %mul3A_275 = arith.constant 128 : i32
        %mul3A_276 = arith.muli %select_n3A_274, %mul3A_275 : i32
        %dma_start3A_277 = arith.constant 2 : i32
        %dma_start3A_278 = arith.constant 0 : i32
        %dma_start3A_279 = tpu.memref_slice %arg3[%dma_start3A_278, %mul3A_276] : memref<2x320000xi32, #tpu.memory_space<hbm>> -> memref<2x128xi32, #tpu.memory_space<hbm>>
        %dma_start3A_280 = tpu.memref_slice %arg31[%dma_start3A_277] : memref<4x!tpu.dma_semaphore, #tpu.memory_space<semaphore_mem>> -> memref<1x!tpu.dma_semaphore, #tpu.memory_space<semaphore_mem>>
        %dma_start3A_281 = tpu.memref_squeeze %dma_start3A_280 : memref<1x!tpu.dma_semaphore, #tpu.memory_space<semaphore_mem>> -> memref<!tpu.dma_semaphore, #tpu.memory_space<semaphore_mem>>
        %dma_start3A_282 = arith.constant 0 : i32
        %dma_start3A_283 = tpu.memref_slice %arg3[%dma_start3A_282, %mul3A_276] : memref<2x320000xi32, #tpu.memory_space<hbm>> -> memref<2x128xi32, #tpu.memory_space<hbm>>
        tpu.enqueue_dma source(%dma_start3A_283 : memref<2x128xi32, #tpu.memory_space<hbm>>) target(%arg13 : memref<2x128xi32, #tpu.memory_space<vmem>>) target_semaphore(%dma_start3A_281 : memref<!tpu.dma_semaphore, #tpu.memory_space<semaphore_mem>>)
      } else {
      }
      %add3A_255 = arith.constant 2 : i32
      %add3A_256 = arith.addi %add3A_239, %add3A_255 : i32
      %lt3A_257 = arith.cmpi slt, %add3A_256, %add3A_34 : i32
      %convert_element_type3A_258 = arith.extui %lt3A_257 : i1 to i32
      %cond3A_259 = arith.constant 0 : i32
      %cond3A_260 = arith.cmpi ne, %convert_element_type3A_258, %cond3A_259 : i32
      scf.if %cond3A_260 {
        %add3A_265 = arith.constant 2 : i32
        %add3A_266 = arith.addi %add3A_239, %add3A_265 : i32
        %lt3A_267 = arith.constant 156 : i32
        %lt3A_268 = arith.cmpi slt, %add3A_266, %lt3A_267 : i32
        %mul3A_269 = arith.constant 16 : i32
        %mul3A_270 = arith.muli %mul3A_269, %add3A_266 : i32
        %add3A_271 = arith.addi %arg1, %mul3A_270 : i32
        %add3A_272 = arith.constant 2496 : i32
        %add3A_273 = arith.addi %add3A_272, %arg1 : i32
        %select_n3A_274 = arith.select %lt3A_268, %add3A_271, %add3A_273 : i32
        %mul3A_275 = arith.constant 128 : i32
        %mul3A_276 = arith.muli %select_n3A_274, %mul3A_275 : i32
        %dma_wait3A_277 = arith.constant 1 : i32
        %dma_wait3A_278 = arith.constant 0 : i32
        %dma_wait3A_279 = tpu.memref_slice %arg3[%dma_wait3A_278, %mul3A_276] : memref<2x320000xi32, #tpu.memory_space<hbm>> -> memref<2x128xi32, #tpu.memory_space<hbm>>
        %dma_wait3A_280 = tpu.memref_slice %arg31[%dma_wait3A_277] : memref<4x!tpu.dma_semaphore, #tpu.memory_space<semaphore_mem>> -> memref<1x!tpu.dma_semaphore, #tpu.memory_space<semaphore_mem>>
        %dma_wait3A_281 = tpu.memref_squeeze %dma_wait3A_280 : memref<1x!tpu.dma_semaphore, #tpu.memory_space<semaphore_mem>> -> memref<!tpu.dma_semaphore, #tpu.memory_space<semaphore_mem>>
        %dma_wait3A_282 = arith.constant 0 : i32
        %dma_wait3A_283 = tpu.memref_slice %arg3[%dma_wait3A_282, %mul3A_276] : memref<2x320000xi32, #tpu.memory_space<hbm>> -> memref<2x128xi32, #tpu.memory_space<hbm>>
        tpu.wait_dma2 semaphore(%dma_wait3A_281 : memref<!tpu.dma_semaphore, #tpu.memory_space<semaphore_mem>>) src(%dma_wait3A_283 : memref<2x128xi32, #tpu.memory_space<hbm>>) dst(%arg12 : memref<2x128xi32, #tpu.memory_space<vmem>>)
        %dma_start3A_284 = arith.constant 0 : i32
        %dma_start3A_285 = arith.constant 1 : i32
        %dma_start3A_286 = arith.constant 0 : i32
        %dma_start3A_287 = tpu.memref_slice %arg12[%dma_start3A_284, %dma_start3A_286] : memref<2x128xi32, #tpu.memory_space<vmem>> -> memref<1x128xi32, #tpu.memory_space<vmem>>
        %dma_start3A_288 = tpu.memref_squeeze %dma_start3A_287 : memref<1x128xi32, #tpu.memory_space<vmem>> -> memref<128xi32, #tpu.memory_space<vmem>>
        %dma_start3A_289 = arith.constant 0 : i32
        %dma_start3A_290 = arith.constant 0 : i32
        %dma_start3A_291 = tpu.memref_slice %arg2[%arg0, %dma_start3A_289, %dma_start3A_290] : memref<2x10000x64xf32, #tpu.memory_space<hbm>> -> memref<1x10000x64xf32, #tpu.memory_space<hbm>>
        %dma_start3A_292 = tpu.memref_squeeze %dma_start3A_291 : memref<1x10000x64xf32, #tpu.memory_space<hbm>> -> memref<10000x64xf32, #tpu.memory_space<hbm>>
        %dma_start3A_293 = arith.constant 0 : i32
        %dma_start3A_294 = arith.constant 0 : i32
        %dma_start3A_295 = tpu.memref_slice %dma_start3A_292[%dma_start3A_293, %dma_start3A_294] : memref<10000x64xf32, #tpu.memory_space<hbm>> -> memref<10000x64xf32, #tpu.memory_space<hbm>>
        %dma_start3A_296 = tpu.memref_slice %arg32[%dma_start3A_285] : memref<4x!tpu.dma_semaphore, #tpu.memory_space<semaphore_mem>> -> memref<1x!tpu.dma_semaphore, #tpu.memory_space<semaphore_mem>>
        %dma_start3A_297 = tpu.memref_squeeze %dma_start3A_296 : memref<1x!tpu.dma_semaphore, #tpu.memory_space<semaphore_mem>> -> memref<!tpu.dma_semaphore, #tpu.memory_space<semaphore_mem>>
        tpu.enqueue_indirect_dma source(%dma_start3A_295 : memref<10000x64xf32, #tpu.memory_space<hbm>>) target(%arg16 : memref<128x64xf32, #tpu.memory_space<vmem>>) offsets(%dma_start3A_288 : memref<128xi32, #tpu.memory_space<vmem>>) semaphore(%dma_start3A_297 : memref<!tpu.dma_semaphore, #tpu.memory_space<semaphore_mem>>)
      } else {
      }
      %lt3A_261 = arith.cmpi slt, %add3A_239, %add3A_34 : i32
      %convert_element_type3A_262 = arith.extui %lt3A_261 : i1 to i32
      %cond3A_263 = arith.constant 0 : i32
      %cond3A_264 = arith.cmpi ne, %convert_element_type3A_262, %cond3A_263 : i32
      scf.if %cond3A_264 {
        %dma_wait3A_265 = arith.constant 0 : i32
        %dma_wait3A_266 = arith.constant 3 : i32
        %dma_wait3A_267 = arith.constant 0 : i32
        %dma_wait3A_268 = tpu.memref_slice %arg14[%dma_wait3A_265, %dma_wait3A_267] : memref<2x128xi32, #tpu.memory_space<vmem>> -> memref<1x128xi32, #tpu.memory_space<vmem>>
        %dma_wait3A_269 = tpu.memref_squeeze %dma_wait3A_268 : memref<1x128xi32, #tpu.memory_space<vmem>> -> memref<128xi32, #tpu.memory_space<vmem>>
        %dma_wait3A_270 = arith.constant 0 : i32
        %dma_wait3A_271 = arith.constant 0 : i32
        %dma_wait3A_272 = tpu.memref_slice %arg2[%arg0, %dma_wait3A_270, %dma_wait3A_271] : memref<2x10000x64xf32, #tpu.memory_space<hbm>> -> memref<1x10000x64xf32, #tpu.memory_space<hbm>>
        %dma_wait3A_273 = tpu.memref_squeeze %dma_wait3A_272 : memref<1x10000x64xf32, #tpu.memory_space<hbm>> -> memref<10000x64xf32, #tpu.memory_space<hbm>>
        %dma_wait3A_274 = arith.constant 0 : i32
        %dma_wait3A_275 = arith.constant 0 : i32
        %dma_wait3A_276 = tpu.memref_slice %dma_wait3A_273[%dma_wait3A_274, %dma_wait3A_275] : memref<10000x64xf32, #tpu.memory_space<hbm>> -> memref<10000x64xf32, #tpu.memory_space<hbm>>
        %dma_wait3A_277 = tpu.memref_slice %arg32[%dma_wait3A_266] : memref<4x!tpu.dma_semaphore, #tpu.memory_space<semaphore_mem>> -> memref<1x!tpu.dma_semaphore, #tpu.memory_space<semaphore_mem>>
        %dma_wait3A_278 = tpu.memref_squeeze %dma_wait3A_277 : memref<1x!tpu.dma_semaphore, #tpu.memory_space<semaphore_mem>> -> memref<!tpu.dma_semaphore, #tpu.memory_space<semaphore_mem>>
        tpu.wait_indirect_dma semaphore(%dma_wait3A_278 : memref<!tpu.dma_semaphore, #tpu.memory_space<semaphore_mem>>) src(%dma_wait3A_276 : memref<10000x64xf32, #tpu.memory_space<hbm>>) dst(%arg18 : memref<128x64xf32, #tpu.memory_space<vmem>>)
        %parallel_loop3A = arith.constant 0 : i32
        %parallel_loop3A_279 = arith.constant 128 : i32
        %parallel_loop3A_280 = arith.constant 16 : i32
        scf.for %parallel_loop3A_294 = %parallel_loop3A to %parallel_loop3A_279 step %parallel_loop3A_280  : i32 {
          %parallel_loop3A_295 = arith.constant 0 : i32
          %parallel_loop3A_296 = arith.index_cast %parallel_loop3A_295 : i32 to index
          %parallel_loop3A_297 = arith.index_cast %parallel_loop3A_294 : i32 to index
          %parallel_loop3A_298 = tpu.vector_load %arg14[%parallel_loop3A_296, %parallel_loop3A_297] {strides = array<i32>} : memref<2x128xi32, #tpu.memory_space<vmem>>, vector<16xi32>,
          %parallel_loop3A_299 = arith.constant 1 : i32
          %parallel_loop3A_300 = arith.index_cast %parallel_loop3A_299 : i32 to index
          %parallel_loop3A_301 = arith.index_cast %parallel_loop3A_294 : i32 to index
          %parallel_loop3A_302 = tpu.vector_load %arg14[%parallel_loop3A_300, %parallel_loop3A_301] {strides = array<i32>} : memref<2x128xi32, #tpu.memory_space<vmem>>, vector<16xi32>,
          %parallel_loop3A_303 = arith.index_cast %parallel_loop3A_294 : i32 to index
          %parallel_loop3A_304 = tpu.vector_load %arg26[%parallel_loop3A_303] {strides = array<i32>} : memref<128xi32, #tpu.memory_space<vmem>>, vector<16xi32>,
          tpu.vector_store %arg26[%parallel_loop3A_303], %parallel_loop3A_302 {strides = array<i32>} : memref<128xi32, #tpu.memory_space<vmem>>, vector<16xi32>,
          %parallel_loop3A_305 = tpu.vector_load_idx %arg9[%parallel_loop3A_298] : memref<10000xf32, #tpu.memory_space<vmem>>[vector<16xi32>], vector<16xf32>,
          %parallel_loop3A_306 = tpu.vector_load_idx %arg10[%parallel_loop3A_302] : memref<10000xf32, #tpu.memory_space<vmem>>[vector<16xi32>], vector<16xf32>,
          %parallel_loop3A_307 = arith.addf %parallel_loop3A_305, %parallel_loop3A_306 : vector<16xf32>
          %parallel_loop3A_308 = arith.constant 0.000000e+00 : f32
          %parallel_loop3A_309 = vector.broadcast %parallel_loop3A_308 : f32 to vector<16xf32>
          %parallel_loop3A_310 = arith.cmpf oge, %parallel_loop3A_307, %parallel_loop3A_309 : vector<16xf32>
          %parallel_loop3A_311 = arith.constant 2.000000e-01 : f32
          %parallel_loop3A_312 = vector.broadcast %parallel_loop3A_311 : f32 to vector<16xf32>
          %parallel_loop3A_313 = arith.mulf %parallel_loop3A_312, %parallel_loop3A_307 : vector<16xf32>
          %parallel_loop3A_314 = arith.select %parallel_loop3A_310, %parallel_loop3A_307, %parallel_loop3A_313 : vector<16xi1>, vector<16xf32>
          %parallel_loop3A_315 = arith.subf %parallel_loop3A_314, %get3A_28 : vector<16xf32>
          %parallel_loop3A_316 = math.exp %parallel_loop3A_315 : vector<16xf32>
          %parallel_loop3A_317 = arith.index_cast %parallel_loop3A_294 : i32 to index
          %parallel_loop3A_318 = tpu.vector_load %arg27[%parallel_loop3A_317] {strides = array<i32>} : memref<144xf32, #tpu.memory_space<vmem>>, vector<16xf32>,
          tpu.vector_store %arg27[%parallel_loop3A_317], %parallel_loop3A_316 {strides = array<i32>} : memref<144xf32, #tpu.memory_space<vmem>>, vector<16xf32>,
          %parallel_loop3A_319 = arith.constant 1 : i32
          %parallel_loop3A_320 = arith.cmpi eq, %arg0, %parallel_loop3A_319 : i32
          %parallel_loop3A_321 = arith.extui %parallel_loop3A_320 : i1 to i32
          %parallel_loop3A_322 = arith.constant 0 : i32
          %parallel_loop3A_323 = arith.cmpi ne, %parallel_loop3A_321, %parallel_loop3A_322 : i32
          scf.if %parallel_loop3A_323 {
            %parallel_loop3A_324 = vector.broadcast %parallel_loop3A_294 : i32 to vector<16xi32>
            %parallel_loop3A_325 = arith.addi %parallel_loop3A_324, %iota3A : vector<16xi32>
            tpu.vector_store_idx %arg22[%parallel_loop3A_325, %broadcast_in_dim3A_30], %parallel_loop3A_316 : memref<128x16xf32, #tpu.memory_space<vmem>>[vector<16xi32>, vector<16xi32>], vector<16xf32>,
          } else {
          }
        } {sc.loop_unroll_factor = 2 : i64, sc.parallel_access}
        %parallel_loop3A_281 = arith.constant 0 : i32
        %parallel_loop3A_282 = arith.constant 128 : i32
        %parallel_loop3A_283 = arith.constant 1 : i32
        scf.for %parallel_loop3A_294 = %parallel_loop3A_281 to %parallel_loop3A_282 step %parallel_loop3A_283  : i32 {
          %parallel_loop3A_295 = arith.index_cast %parallel_loop3A_294 : i32 to index
          %parallel_loop3A_296 = tpu.vector_load %arg27[%parallel_loop3A_295] {strides = array<i32>} : memref<144xf32, #tpu.memory_space<vmem>>, vector<16xf32>,
          %parallel_loop3A_297 = vector.extract_strided_slice %parallel_loop3A_296 {offsets = [0], sizes = [1], strides = [1]} : vector<16xf32> to vector<1xf32>
          %parallel_loop3A_298 = vector.extract %parallel_loop3A_297[0] : f32 from vector<1xf32>
          %parallel_loop3A_299 = arith.index_cast %parallel_loop3A_294 : i32 to index
          %parallel_loop3A_300 = arith.constant 0 : index
          %parallel_loop3A_301 = tpu.vector_load %arg18[%parallel_loop3A_299, %parallel_loop3A_300] {strides = array<i32>} : memref<128x64xf32, #tpu.memory_space<vmem>>, vector<16xf32>,
          %parallel_loop3A_302 = vector.broadcast %parallel_loop3A_298 : f32 to vector<16xf32>
          %parallel_loop3A_303 = arith.mulf %parallel_loop3A_301, %parallel_loop3A_302 : vector<16xf32>
          %parallel_loop3A_304 = arith.index_cast %parallel_loop3A_294 : i32 to index
          %parallel_loop3A_305 = arith.constant 0 : index
          %parallel_loop3A_306 = tpu.vector_load %arg18[%parallel_loop3A_304, %parallel_loop3A_305] {strides = array<i32>} : memref<128x64xf32, #tpu.memory_space<vmem>>, vector<16xf32>,
          tpu.vector_store %arg18[%parallel_loop3A_304, %parallel_loop3A_305], %parallel_loop3A_303 {strides = array<i32>} : memref<128x64xf32, #tpu.memory_space<vmem>>, vector<16xf32>,
          %parallel_loop3A_307 = arith.index_cast %parallel_loop3A_294 : i32 to index
          %parallel_loop3A_308 = arith.constant 16 : index
          %parallel_loop3A_309 = tpu.vector_load %arg18[%parallel_loop3A_307, %parallel_loop3A_308] {strides = array<i32>} : memref<128x64xf32, #tpu.memory_space<vmem>>, vector<16xf32>,
          %parallel_loop3A_310 = vector.broadcast %parallel_loop3A_298 : f32 to vector<16xf32>
          %parallel_loop3A_311 = arith.mulf %parallel_loop3A_309, %parallel_loop3A_310 : vector<16xf32>
          %parallel_loop3A_312 = arith.index_cast %parallel_loop3A_294 : i32 to index
          %parallel_loop3A_313 = arith.constant 16 : index
          %parallel_loop3A_314 = tpu.vector_load %arg18[%parallel_loop3A_312, %parallel_loop3A_313] {strides = array<i32>} : memref<128x64xf32, #tpu.memory_space<vmem>>, vector<16xf32>,
          tpu.vector_store %arg18[%parallel_loop3A_312, %parallel_loop3A_313], %parallel_loop3A_311 {strides = array<i32>} : memref<128x64xf32, #tpu.memory_space<vmem>>, vector<16xf32>,
          %parallel_loop3A_315 = arith.index_cast %parallel_loop3A_294 : i32 to index
          %parallel_loop3A_316 = arith.constant 32 : index
          %parallel_loop3A_317 = tpu.vector_load %arg18[%parallel_loop3A_315, %parallel_loop3A_316] {strides = array<i32>} : memref<128x64xf32, #tpu.memory_space<vmem>>, vector<16xf32>,
          %parallel_loop3A_318 = vector.broadcast %parallel_loop3A_298 : f32 to vector<16xf32>
          %parallel_loop3A_319 = arith.mulf %parallel_loop3A_317, %parallel_loop3A_318 : vector<16xf32>
          %parallel_loop3A_320 = arith.index_cast %parallel_loop3A_294 : i32 to index
          %parallel_loop3A_321 = arith.constant 32 : index
          %parallel_loop3A_322 = tpu.vector_load %arg18[%parallel_loop3A_320, %parallel_loop3A_321] {strides = array<i32>} : memref<128x64xf32, #tpu.memory_space<vmem>>, vector<16xf32>,
          tpu.vector_store %arg18[%parallel_loop3A_320, %parallel_loop3A_321], %parallel_loop3A_319 {strides = array<i32>} : memref<128x64xf32, #tpu.memory_space<vmem>>, vector<16xf32>,
          %parallel_loop3A_323 = arith.index_cast %parallel_loop3A_294 : i32 to index
          %parallel_loop3A_324 = arith.constant 48 : index
          %parallel_loop3A_325 = tpu.vector_load %arg18[%parallel_loop3A_323, %parallel_loop3A_324] {strides = array<i32>} : memref<128x64xf32, #tpu.memory_space<vmem>>, vector<16xf32>,
          %parallel_loop3A_326 = vector.broadcast %parallel_loop3A_298 : f32 to vector<16xf32>
          %parallel_loop3A_327 = arith.mulf %parallel_loop3A_325, %parallel_loop3A_326 : vector<16xf32>
          %parallel_loop3A_328 = arith.index_cast %parallel_loop3A_294 : i32 to index
          %parallel_loop3A_329 = arith.constant 48 : index
          %parallel_loop3A_330 = tpu.vector_load %arg18[%parallel_loop3A_328, %parallel_loop3A_329] {strides = array<i32>} : memref<128x64xf32, #tpu.memory_space<vmem>>, vector<16xf32>,
          tpu.vector_store %arg18[%parallel_loop3A_328, %parallel_loop3A_329], %parallel_loop3A_327 {strides = array<i32>} : memref<128x64xf32, #tpu.memory_space<vmem>>, vector<16xf32>,
        } {sc.loop_unroll_factor = 8 : i64, sc.parallel_access}
        %dma_start3A_284 = arith.constant 3 : i32
        %dma_start3A_285 = arith.constant 0 : i32
        %dma_start3A_286 = arith.constant 0 : i32
        %dma_start3A_287 = tpu.memref_slice %arg29[%dma_start3A_285, %dma_start3A_286] : memref<10000x64xf32, #tpu.memory_space<vmem_shared>> -> memref<10000x64xf32, #tpu.memory_space<vmem_shared>>
        %dma_start3A_288 = tpu.memref_slice %arg33[%dma_start3A_284] : memref<4x!tpu.dma_semaphore, #tpu.memory_space<semaphore_mem>> -> memref<1x!tpu.dma_semaphore, #tpu.memory_space<semaphore_mem>>
        %dma_start3A_289 = tpu.memref_squeeze %dma_start3A_288 : memref<1x!tpu.dma_semaphore, #tpu.memory_space<semaphore_mem>> -> memref<!tpu.dma_semaphore, #tpu.memory_space<semaphore_mem>>
        tpu.enqueue_indirect_dma source(%arg18 : memref<128x64xf32, #tpu.memory_space<vmem>>) target(%dma_start3A_287 : memref<10000x64xf32, #tpu.memory_space<vmem_shared>>) offsets(%arg26 : memref<128xi32, #tpu.memory_space<vmem>>) semaphore(%dma_start3A_289 : memref<!tpu.dma_semaphore, #tpu.memory_space<semaphore_mem>>) {add = true}
        %eq3A = arith.constant 1 : i32
        %eq3A_290 = arith.cmpi eq, %arg0, %eq3A : i32
        %convert_element_type3A_291 = arith.extui %eq3A_290 : i1 to i32
        %cond3A_292 = arith.constant 0 : i32
        %cond3A_293 = arith.cmpi ne, %convert_element_type3A_291, %cond3A_292 : i32
        scf.if %cond3A_293 {
          %dma_start3A_294 = arith.constant 3 : i32
          %dma_start3A_295 = arith.constant 0 : i32
          %dma_start3A_296 = arith.constant 0 : i32
          %dma_start3A_297 = tpu.memref_slice %arg30[%dma_start3A_295, %dma_start3A_296] : memref<10000x16xf32, #tpu.memory_space<vmem_shared>> -> memref<10000x16xf32, #tpu.memory_space<vmem_shared>>
          %dma_start3A_298 = tpu.memref_slice %arg34[%dma_start3A_294] : memref<4x!tpu.dma_semaphore, #tpu.memory_space<semaphore_mem>> -> memref<1x!tpu.dma_semaphore, #tpu.memory_space<semaphore_mem>>
          %dma_start3A_299 = tpu.memref_squeeze %dma_start3A_298 : memref<1x!tpu.dma_semaphore, #tpu.memory_space<semaphore_mem>> -> memref<!tpu.dma_semaphore, #tpu.memory_space<semaphore_mem>>
          tpu.enqueue_indirect_dma source(%arg22 : memref<128x16xf32, #tpu.memory_space<vmem>>) target(%dma_start3A_297 : memref<10000x16xf32, #tpu.memory_space<vmem_shared>>) offsets(%arg26 : memref<128xi32, #tpu.memory_space<vmem>>) semaphore(%dma_start3A_299 : memref<!tpu.dma_semaphore, #tpu.memory_space<semaphore_mem>>) {add = true}
        } else {
        }
      } else {
      }
    }
    %scan3A_141 = arith.constant 40 : i32
    %barrier3A_142 = arith.constant 0 : index
    tpu.barrier barrier_id(%barrier3A_142)
    %add3A_143 = arith.constant 0 : i32
    %add3A_144 = arith.addi %mul3A_6, %add3A_143 : i32
    "tpu.region"() ({
      %run_scoped3A = tpu.sem_alloc : memref<!tpu.dma_semaphore, #tpu.memory_space<semaphore_mem>>
      %dma_start3A_153 = arith.constant 0 : i32
      %dma_start3A_154 = tpu.memref_slice %arg7[%arg0, %add3A_144, %dma_start3A_153] : memref<2x10000x64xf32, #tpu.memory_space<hbm>> -> memref<1x125x64xf32, #tpu.memory_space<hbm>>
      %dma_start3A_155 = tpu.memref_squeeze %dma_start3A_154 : memref<1x125x64xf32, #tpu.memory_space<hbm>> -> memref<125x64xf32, #tpu.memory_space<hbm>>
      %dma_start3A_156 = arith.constant 0 : i32
      %dma_start3A_157 = tpu.memref_slice %arg29[%add3A_144, %dma_start3A_156] : memref<10000x64xf32, #tpu.memory_space<vmem_shared>> -> memref<125x64xf32, #tpu.memory_space<vmem_shared>>
      tpu.enqueue_dma source(%dma_start3A_157 : memref<125x64xf32, #tpu.memory_space<vmem_shared>>) target(%dma_start3A_155 : memref<125x64xf32, #tpu.memory_space<hbm>>) target_semaphore(%run_scoped3A : memref<!tpu.dma_semaphore, #tpu.memory_space<semaphore_mem>>)
      %dma_wait3A_158 = arith.constant 0 : i32
      %dma_wait3A_159 = tpu.memref_slice %arg7[%arg0, %add3A_144, %dma_wait3A_158] : memref<2x10000x64xf32, #tpu.memory_space<hbm>> -> memref<1x125x64xf32, #tpu.memory_space<hbm>>
      %dma_wait3A_160 = tpu.memref_squeeze %dma_wait3A_159 : memref<1x125x64xf32, #tpu.memory_space<hbm>> -> memref<125x64xf32, #tpu.memory_space<hbm>>
      %dma_wait3A_161 = arith.constant 0 : i32
      %dma_wait3A_162 = tpu.memref_slice %arg29[%add3A_144, %dma_wait3A_161] : memref<10000x64xf32, #tpu.memory_space<vmem_shared>> -> memref<125x64xf32, #tpu.memory_space<vmem_shared>>
      tpu.wait_dma2 semaphore(%run_scoped3A : memref<!tpu.dma_semaphore, #tpu.memory_space<semaphore_mem>>) src(%dma_wait3A_162 : memref<125x64xf32, #tpu.memory_space<vmem_shared>>) dst(%dma_wait3A_160 : memref<125x64xf32, #tpu.memory_space<hbm>>)
      tpu.yield
    }) : () -> ()
    "tpu.region"() ({
      %run_scoped3A = tpu.sem_alloc : memref<!tpu.dma_semaphore, #tpu.memory_space<semaphore_mem>>
      %dma_start3A_153 = arith.constant 0 : i32
      %dma_start3A_154 = tpu.memref_slice %arg8[%arg0, %add3A_144, %dma_start3A_153] : memref<2x10000x16xf32, #tpu.memory_space<hbm>> -> memref<1x125x16xf32, #tpu.memory_space<hbm>>
      %dma_start3A_155 = tpu.memref_squeeze %dma_start3A_154 : memref<1x125x16xf32, #tpu.memory_space<hbm>> -> memref<125x16xf32, #tpu.memory_space<hbm>>
      %dma_start3A_156 = arith.constant 0 : i32
      %dma_start3A_157 = tpu.memref_slice %arg30[%add3A_144, %dma_start3A_156] : memref<10000x16xf32, #tpu.memory_space<vmem_shared>> -> memref<125x16xf32, #tpu.memory_space<vmem_shared>>
      tpu.enqueue_dma source(%dma_start3A_157 : memref<125x16xf32, #tpu.memory_space<vmem_shared>>) target(%dma_start3A_155 : memref<125x16xf32, #tpu.memory_space<hbm>>) target_semaphore(%run_scoped3A : memref<!tpu.dma_semaphore, #tpu.memory_space<semaphore_mem>>)
      %dma_wait3A_158 = arith.constant 0 : i32
      %dma_wait3A_159 = tpu.memref_slice %arg8[%arg0, %add3A_144, %dma_wait3A_158] : memref<2x10000x16xf32, #tpu.memory_space<hbm>> -> memref<1x125x16xf32, #tpu.memory_space<hbm>>
      %dma_wait3A_160 = tpu.memref_squeeze %dma_wait3A_159 : memref<1x125x16xf32, #tpu.memory_space<hbm>> -> memref<125x16xf32, #tpu.memory_space<hbm>>
      %dma_wait3A_161 = arith.constant 0 : i32
      %dma_wait3A_162 = tpu.memref_slice %arg30[%add3A_144, %dma_wait3A_161] : memref<10000x16xf32, #tpu.memory_space<vmem_shared>> -> memref<125x16xf32, #tpu.memory_space<vmem_shared>>
      tpu.wait_dma2 semaphore(%run_scoped3A : memref<!tpu.dma_semaphore, #tpu.memory_space<semaphore_mem>>) src(%dma_wait3A_162 : memref<125x16xf32, #tpu.memory_space<vmem_shared>>) dst(%dma_wait3A_160 : memref<125x16xf32, #tpu.memory_space<hbm>>)
      tpu.yield
    }) : () -> ()
    %add3A_145 = arith.constant 125 : i32
    %add3A_146 = arith.addi %mul3A_6, %add3A_145 : i32
    "tpu.region"() ({
      %run_scoped3A = tpu.sem_alloc : memref<!tpu.dma_semaphore, #tpu.memory_space<semaphore_mem>>
      %dma_start3A_153 = arith.constant 0 : i32
      %dma_start3A_154 = tpu.memref_slice %arg7[%arg0, %add3A_146, %dma_start3A_153] : memref<2x10000x64xf32, #tpu.memory_space<hbm>> -> memref<1x125x64xf32, #tpu.memory_space<hbm>>
      %dma_start3A_155 = tpu.memref_squeeze %dma_start3A_154 : memref<1x125x64xf32, #tpu.memory_space<hbm>> -> memref<125x64xf32, #tpu.memory_space<hbm>>
      %dma_start3A_156 = arith.constant 0 : i32
      %dma_start3A_157 = tpu.memref_slice %arg29[%add3A_146, %dma_start3A_156] : memref<10000x64xf32, #tpu.memory_space<vmem_shared>> -> memref<125x64xf32, #tpu.memory_space<vmem_shared>>
      tpu.enqueue_dma source(%dma_start3A_157 : memref<125x64xf32, #tpu.memory_space<vmem_shared>>) target(%dma_start3A_155 : memref<125x64xf32, #tpu.memory_space<hbm>>) target_semaphore(%run_scoped3A : memref<!tpu.dma_semaphore, #tpu.memory_space<semaphore_mem>>)
      %dma_wait3A_158 = arith.constant 0 : i32
      %dma_wait3A_159 = tpu.memref_slice %arg7[%arg0, %add3A_146, %dma_wait3A_158] : memref<2x10000x64xf32, #tpu.memory_space<hbm>> -> memref<1x125x64xf32, #tpu.memory_space<hbm>>
      %dma_wait3A_160 = tpu.memref_squeeze %dma_wait3A_159 : memref<1x125x64xf32, #tpu.memory_space<hbm>> -> memref<125x64xf32, #tpu.memory_space<hbm>>
      %dma_wait3A_161 = arith.constant 0 : i32
      %dma_wait3A_162 = tpu.memref_slice %arg29[%add3A_146, %dma_wait3A_161] : memref<10000x64xf32, #tpu.memory_space<vmem_shared>> -> memref<125x64xf32, #tpu.memory_space<vmem_shared>>
      tpu.wait_dma2 semaphore(%run_scoped3A : memref<!tpu.dma_semaphore, #tpu.memory_space<semaphore_mem>>) src(%dma_wait3A_162 : memref<125x64xf32, #tpu.memory_space<vmem_shared>>) dst(%dma_wait3A_160 : memref<125x64xf32, #tpu.memory_space<hbm>>)
      tpu.yield
    }) : () -> ()
    "tpu.region"() ({
      %run_scoped3A = tpu.sem_alloc : memref<!tpu.dma_semaphore, #tpu.memory_space<semaphore_mem>>
      %dma_start3A_153 = arith.constant 0 : i32
      %dma_start3A_154 = tpu.memref_slice %arg8[%arg0, %add3A_146, %dma_start3A_153] : memref<2x10000x16xf32, #tpu.memory_space<hbm>> -> memref<1x125x16xf32, #tpu.memory_space<hbm>>
      %dma_start3A_155 = tpu.memref_squeeze %dma_start3A_154 : memref<1x125x16xf32, #tpu.memory_space<hbm>> -> memref<125x16xf32, #tpu.memory_space<hbm>>
      %dma_start3A_156 = arith.constant 0 : i32
      %dma_start3A_157 = tpu.memref_slice %arg30[%add3A_146, %dma_start3A_156] : memref<10000x16xf32, #tpu.memory_space<vmem_shared>> -> memref<125x16xf32, #tpu.memory_space<vmem_shared>>
      tpu.enqueue_dma source(%dma_start3A_157 : memref<125x16xf32, #tpu.memory_space<vmem_shared>>) target(%dma_start3A_155 : memref<125x16xf32, #tpu.memory_space<hbm>>) target_semaphore(%run_scoped3A : memref<!tpu.dma_semaphore, #tpu.memory_space<semaphore_mem>>)
      %dma_wait3A_158 = arith.constant 0 : i32
      %dma_wait3A_159 = tpu.memref_slice %arg8[%arg0, %add3A_146, %dma_wait3A_158] : memref<2x10000x16xf32, #tpu.memory_space<hbm>> -> memref<1x125x16xf32, #tpu.memory_space<hbm>>
      %dma_wait3A_160 = tpu.memref_squeeze %dma_wait3A_159 : memref<1x125x16xf32, #tpu.memory_space<hbm>> -> memref<125x16xf32, #tpu.memory_space<hbm>>
      %dma_wait3A_161 = arith.constant 0 : i32
      %dma_wait3A_162 = tpu.memref_slice %arg30[%add3A_146, %dma_wait3A_161] : memref<10000x16xf32, #tpu.memory_space<vmem_shared>> -> memref<125x16xf32, #tpu.memory_space<vmem_shared>>
      tpu.wait_dma2 semaphore(%run_scoped3A : memref<!tpu.dma_semaphore, #tpu.memory_space<semaphore_mem>>) src(%dma_wait3A_162 : memref<125x16xf32, #tpu.memory_space<vmem_shared>>) dst(%dma_wait3A_160 : memref<125x16xf32, #tpu.memory_space<hbm>>)
      tpu.yield
    }) : () -> ()
    %add3A_147 = arith.constant 250 : i32
    %add3A_148 = arith.addi %mul3A_6, %add3A_147 : i32
    "tpu.region"() ({
      %run_scoped3A = tpu.sem_alloc : memref<!tpu.dma_semaphore, #tpu.memory_space<semaphore_mem>>
      %dma_start3A_153 = arith.constant 0 : i32
      %dma_start3A_154 = tpu.memref_slice %arg7[%arg0, %add3A_148, %dma_start3A_153] : memref<2x10000x64xf32, #tpu.memory_space<hbm>> -> memref<1x125x64xf32, #tpu.memory_space<hbm>>
      %dma_start3A_155 = tpu.memref_squeeze %dma_start3A_154 : memref<1x125x64xf32, #tpu.memory_space<hbm>> -> memref<125x64xf32, #tpu.memory_space<hbm>>
      %dma_start3A_156 = arith.constant 0 : i32
      %dma_start3A_157 = tpu.memref_slice %arg29[%add3A_148, %dma_start3A_156] : memref<10000x64xf32, #tpu.memory_space<vmem_shared>> -> memref<125x64xf32, #tpu.memory_space<vmem_shared>>
      tpu.enqueue_dma source(%dma_start3A_157 : memref<125x64xf32, #tpu.memory_space<vmem_shared>>) target(%dma_start3A_155 : memref<125x64xf32, #tpu.memory_space<hbm>>) target_semaphore(%run_scoped3A : memref<!tpu.dma_semaphore, #tpu.memory_space<semaphore_mem>>)
      %dma_wait3A_158 = arith.constant 0 : i32
      %dma_wait3A_159 = tpu.memref_slice %arg7[%arg0, %add3A_148, %dma_wait3A_158] : memref<2x10000x64xf32, #tpu.memory_space<hbm>> -> memref<1x125x64xf32, #tpu.memory_space<hbm>>
      %dma_wait3A_160 = tpu.memref_squeeze %dma_wait3A_159 : memref<1x125x64xf32, #tpu.memory_space<hbm>> -> memref<125x64xf32, #tpu.memory_space<hbm>>
      %dma_wait3A_161 = arith.constant 0 : i32
      %dma_wait3A_162 = tpu.memref_slice %arg29[%add3A_148, %dma_wait3A_161] : memref<10000x64xf32, #tpu.memory_space<vmem_shared>> -> memref<125x64xf32, #tpu.memory_space<vmem_shared>>
      tpu.wait_dma2 semaphore(%run_scoped3A : memref<!tpu.dma_semaphore, #tpu.memory_space<semaphore_mem>>) src(%dma_wait3A_162 : memref<125x64xf32, #tpu.memory_space<vmem_shared>>) dst(%dma_wait3A_160 : memref<125x64xf32, #tpu.memory_space<hbm>>)
      tpu.yield
    }) : () -> ()
    "tpu.region"() ({
      %run_scoped3A = tpu.sem_alloc : memref<!tpu.dma_semaphore, #tpu.memory_space<semaphore_mem>>
      %dma_start3A_153 = arith.constant 0 : i32
      %dma_start3A_154 = tpu.memref_slice %arg8[%arg0, %add3A_148, %dma_start3A_153] : memref<2x10000x16xf32, #tpu.memory_space<hbm>> -> memref<1x125x16xf32, #tpu.memory_space<hbm>>
      %dma_start3A_155 = tpu.memref_squeeze %dma_start3A_154 : memref<1x125x16xf32, #tpu.memory_space<hbm>> -> memref<125x16xf32, #tpu.memory_space<hbm>>
      %dma_start3A_156 = arith.constant 0 : i32
      %dma_start3A_157 = tpu.memref_slice %arg30[%add3A_148, %dma_start3A_156] : memref<10000x16xf32, #tpu.memory_space<vmem_shared>> -> memref<125x16xf32, #tpu.memory_space<vmem_shared>>
      tpu.enqueue_dma source(%dma_start3A_157 : memref<125x16xf32, #tpu.memory_space<vmem_shared>>) target(%dma_start3A_155 : memref<125x16xf32, #tpu.memory_space<hbm>>) target_semaphore(%run_scoped3A : memref<!tpu.dma_semaphore, #tpu.memory_space<semaphore_mem>>)
      %dma_wait3A_158 = arith.constant 0 : i32
      %dma_wait3A_159 = tpu.memref_slice %arg8[%arg0, %add3A_148, %dma_wait3A_158] : memref<2x10000x16xf32, #tpu.memory_space<hbm>> -> memref<1x125x16xf32, #tpu.memory_space<hbm>>
      %dma_wait3A_160 = tpu.memref_squeeze %dma_wait3A_159 : memref<1x125x16xf32, #tpu.memory_space<hbm>> -> memref<125x16xf32, #tpu.memory_space<hbm>>
      %dma_wait3A_161 = arith.constant 0 : i32
      %dma_wait3A_162 = tpu.memref_slice %arg30[%add3A_148, %dma_wait3A_161] : memref<10000x16xf32, #tpu.memory_space<vmem_shared>> -> memref<125x16xf32, #tpu.memory_space<vmem_shared>>
      tpu.wait_dma2 semaphore(%run_scoped3A : memref<!tpu.dma_semaphore, #tpu.memory_space<semaphore_mem>>) src(%dma_wait3A_162 : memref<125x16xf32, #tpu.memory_space<vmem_shared>>) dst(%dma_wait3A_160 : memref<125x16xf32, #tpu.memory_space<hbm>>)
      tpu.yield
    }) : () -> ()
    %add3A_149 = arith.constant 375 : i32
    %add3A_150 = arith.addi %mul3A_6, %add3A_149 : i32
    "tpu.region"() ({
      %run_scoped3A = tpu.sem_alloc : memref<!tpu.dma_semaphore, #tpu.memory_space<semaphore_mem>>
      %dma_start3A_153 = arith.constant 0 : i32
      %dma_start3A_154 = tpu.memref_slice %arg7[%arg0, %add3A_150, %dma_start3A_153] : memref<2x10000x64xf32, #tpu.memory_space<hbm>> -> memref<1x125x64xf32, #tpu.memory_space<hbm>>
      %dma_start3A_155 = tpu.memref_squeeze %dma_start3A_154 : memref<1x125x64xf32, #tpu.memory_space<hbm>> -> memref<125x64xf32, #tpu.memory_space<hbm>>
      %dma_start3A_156 = arith.constant 0 : i32
      %dma_start3A_157 = tpu.memref_slice %arg29[%add3A_150, %dma_start3A_156] : memref<10000x64xf32, #tpu.memory_space<vmem_shared>> -> memref<125x64xf32, #tpu.memory_space<vmem_shared>>
      tpu.enqueue_dma source(%dma_start3A_157 : memref<125x64xf32, #tpu.memory_space<vmem_shared>>) target(%dma_start3A_155 : memref<125x64xf32, #tpu.memory_space<hbm>>) target_semaphore(%run_scoped3A : memref<!tpu.dma_semaphore, #tpu.memory_space<semaphore_mem>>)
      %dma_wait3A_158 = arith.constant 0 : i32
      %dma_wait3A_159 = tpu.memref_slice %arg7[%arg0, %add3A_150, %dma_wait3A_158] : memref<2x10000x64xf32, #tpu.memory_space<hbm>> -> memref<1x125x64xf32, #tpu.memory_space<hbm>>
      %dma_wait3A_160 = tpu.memref_squeeze %dma_wait3A_159 : memref<1x125x64xf32, #tpu.memory_space<hbm>> -> memref<125x64xf32, #tpu.memory_space<hbm>>
      %dma_wait3A_161 = arith.constant 0 : i32
      %dma_wait3A_162 = tpu.memref_slice %arg29[%add3A_150, %dma_wait3A_161] : memref<10000x64xf32, #tpu.memory_space<vmem_shared>> -> memref<125x64xf32, #tpu.memory_space<vmem_shared>>
      tpu.wait_dma2 semaphore(%run_scoped3A : memref<!tpu.dma_semaphore, #tpu.memory_space<semaphore_mem>>) src(%dma_wait3A_162 : memref<125x64xf32, #tpu.memory_space<vmem_shared>>) dst(%dma_wait3A_160 : memref<125x64xf32, #tpu.memory_space<hbm>>)
      tpu.yield
    }) : () -> ()
    "tpu.region"() ({
      %run_scoped3A = tpu.sem_alloc : memref<!tpu.dma_semaphore, #tpu.memory_space<semaphore_mem>>
      %dma_start3A_153 = arith.constant 0 : i32
      %dma_start3A_154 = tpu.memref_slice %arg8[%arg0, %add3A_150, %dma_start3A_153] : memref<2x10000x16xf32, #tpu.memory_space<hbm>> -> memref<1x125x16xf32, #tpu.memory_space<hbm>>
      %dma_start3A_155 = tpu.memref_squeeze %dma_start3A_154 : memref<1x125x16xf32, #tpu.memory_space<hbm>> -> memref<125x16xf32, #tpu.memory_space<hbm>>
      %dma_start3A_156 = arith.constant 0 : i32
      %dma_start3A_157 = tpu.memref_slice %arg30[%add3A_150, %dma_start3A_156] : memref<10000x16xf32, #tpu.memory_space<vmem_shared>> -> memref<125x16xf32, #tpu.memory_space<vmem_shared>>
      tpu.enqueue_dma source(%dma_start3A_157 : memref<125x16xf32, #tpu.memory_space<vmem_shared>>) target(%dma_start3A_155 : memref<125x16xf32, #tpu.memory_space<hbm>>) target_semaphore(%run_scoped3A : memref<!tpu.dma_semaphore, #tpu.memory_space<semaphore_mem>>)
      %dma_wait3A_158 = arith.constant 0 : i32
      %dma_wait3A_159 = tpu.memref_slice %arg8[%arg0, %add3A_150, %dma_wait3A_158] : memref<2x10000x16xf32, #tpu.memory_space<hbm>> -> memref<1x125x16xf32, #tpu.memory_space<hbm>>
      %dma_wait3A_160 = tpu.memref_squeeze %dma_wait3A_159 : memref<1x125x16xf32, #tpu.memory_space<hbm>> -> memref<125x16xf32, #tpu.memory_space<hbm>>
      %dma_wait3A_161 = arith.constant 0 : i32
      %dma_wait3A_162 = tpu.memref_slice %arg30[%add3A_150, %dma_wait3A_161] : memref<10000x16xf32, #tpu.memory_space<vmem_shared>> -> memref<125x16xf32, #tpu.memory_space<vmem_shared>>
      tpu.wait_dma2 semaphore(%run_scoped3A : memref<!tpu.dma_semaphore, #tpu.memory_space<semaphore_mem>>) src(%dma_wait3A_162 : memref<125x16xf32, #tpu.memory_space<vmem_shared>>) dst(%dma_wait3A_160 : memref<125x16xf32, #tpu.memory_space<hbm>>)
      tpu.yield
    }) : () -> ()
    %add3A_151 = arith.constant 500 : i32
    %add3A_152 = arith.addi %mul3A_6, %add3A_151 : i32
    "tpu.region"() ({
      %run_scoped3A = tpu.sem_alloc : memref<!tpu.dma_semaphore, #tpu.memory_space<semaphore_mem>>
      %dma_start3A_153 = arith.constant 0 : i32
      %dma_start3A_154 = tpu.memref_slice %arg7[%arg0, %add3A_152, %dma_start3A_153] : memref<2x10000x64xf32, #tpu.memory_space<hbm>> -> memref<1x125x64xf32, #tpu.memory_space<hbm>>
      %dma_start3A_155 = tpu.memref_squeeze %dma_start3A_154 : memref<1x125x64xf32, #tpu.memory_space<hbm>> -> memref<125x64xf32, #tpu.memory_space<hbm>>
      %dma_start3A_156 = arith.constant 0 : i32
      %dma_start3A_157 = tpu.memref_slice %arg29[%add3A_152, %dma_start3A_156] : memref<10000x64xf32, #tpu.memory_space<vmem_shared>> -> memref<125x64xf32, #tpu.memory_space<vmem_shared>>
      tpu.enqueue_dma source(%dma_start3A_157 : memref<125x64xf32, #tpu.memory_space<vmem_shared>>) target(%dma_start3A_155 : memref<125x64xf32, #tpu.memory_space<hbm>>) target_semaphore(%run_scoped3A : memref<!tpu.dma_semaphore, #tpu.memory_space<semaphore_mem>>)
      %dma_wait3A_158 = arith.constant 0 : i32
      %dma_wait3A_159 = tpu.memref_slice %arg7[%arg0, %add3A_152, %dma_wait3A_158] : memref<2x10000x64xf32, #tpu.memory_space<hbm>> -> memref<1x125x64xf32, #tpu.memory_space<hbm>>
      %dma_wait3A_160 = tpu.memref_squeeze %dma_wait3A_159 : memref<1x125x64xf32, #tpu.memory_space<hbm>> -> memref<125x64xf32, #tpu.memory_space<hbm>>
      %dma_wait3A_161 = arith.constant 0 : i32
      %dma_wait3A_162 = tpu.memref_slice %arg29[%add3A_152, %dma_wait3A_161] : memref<10000x64xf32, #tpu.memory_space<vmem_shared>> -> memref<125x64xf32, #tpu.memory_space<vmem_shared>>
      tpu.wait_dma2 semaphore(%run_scoped3A : memref<!tpu.dma_semaphore, #tpu.memory_space<semaphore_mem>>) src(%dma_wait3A_162 : memref<125x64xf32, #tpu.memory_space<vmem_shared>>) dst(%dma_wait3A_160 : memref<125x64xf32, #tpu.memory_space<hbm>>)
      tpu.yield
    }) : () -> ()
    "tpu.region"() ({
      %run_scoped3A = tpu.sem_alloc : memref<!tpu.dma_semaphore, #tpu.memory_space<semaphore_mem>>
      %dma_start3A_153 = arith.constant 0 : i32
      %dma_start3A_154 = tpu.memref_slice %arg8[%arg0, %add3A_152, %dma_start3A_153] : memref<2x10000x16xf32, #tpu.memory_space<hbm>> -> memref<1x125x16xf32, #tpu.memory_space<hbm>>
      %dma_start3A_155 = tpu.memref_squeeze %dma_start3A_154 : memref<1x125x16xf32, #tpu.memory_space<hbm>> -> memref<125x16xf32, #tpu.memory_space<hbm>>
      %dma_start3A_156 = arith.constant 0 : i32
      %dma_start3A_157 = tpu.memref_slice %arg30[%add3A_152, %dma_start3A_156] : memref<10000x16xf32, #tpu.memory_space<vmem_shared>> -> memref<125x16xf32, #tpu.memory_space<vmem_shared>>
      tpu.enqueue_dma source(%dma_start3A_157 : memref<125x16xf32, #tpu.memory_space<vmem_shared>>) target(%dma_start3A_155 : memref<125x16xf32, #tpu.memory_space<hbm>>) target_semaphore(%run_scoped3A : memref<!tpu.dma_semaphore, #tpu.memory_space<semaphore_mem>>)
      %dma_wait3A_158 = arith.constant 0 : i32
      %dma_wait3A_159 = tpu.memref_slice %arg8[%arg0, %add3A_152, %dma_wait3A_158] : memref<2x10000x16xf32, #tpu.memory_space<hbm>> -> memref<1x125x16xf32, #tpu.memory_space<hbm>>
      %dma_wait3A_160 = tpu.memref_squeeze %dma_wait3A_159 : memref<1x125x16xf32, #tpu.memory_space<hbm>> -> memref<125x16xf32, #tpu.memory_space<hbm>>
      %dma_wait3A_161 = arith.constant 0 : i32
      %dma_wait3A_162 = tpu.memref_slice %arg30[%add3A_152, %dma_wait3A_161] : memref<10000x16xf32, #tpu.memory_space<vmem_shared>> -> memref<125x16xf32, #tpu.memory_space<vmem_shared>>
      tpu.wait_dma2 semaphore(%run_scoped3A : memref<!tpu.dma_semaphore, #tpu.memory_space<semaphore_mem>>) src(%dma_wait3A_162 : memref<125x16xf32, #tpu.memory_space<vmem_shared>>) dst(%dma_wait3A_160 : memref<125x16xf32, #tpu.memory_space<hbm>>)
      tpu.yield
    }) : () -> ()
    return
  }
}

module attributes {stable_mosaic.version = 14 : i64} {
  func.func @_pre_body(%arg0: i32, %arg1: memref<1000x128xf32, #tpu.memory_space<vmem>>, %arg2: memref<128x128xf32, #tpu.memory_space<vmem>>, %arg3: memref<1x128xf32, #tpu.memory_space<vmem>>, %arg4: memref<1x128xf32, #tpu.memory_space<vmem>>, %arg5: memref<2x1000x64xf32, #tpu.memory_space<vmem>>, %arg6: memref<1000x1xf32, #tpu.memory_space<vmem>>, %arg7: memref<1000x1xf32, #tpu.memory_space<vmem>>, %arg8: memref<1x16xf32, #tpu.memory_space<vmem>>, %arg9: memref<1x2xf32, #tpu.memory_space<vmem>>) attributes {dimension_semantics = [#tpu.dimension_semantics<arbitrary>], iteration_bounds = array<i64: 10>, scalar_prefetch = 0 : i64, scratch_operands = 1 : i64, tpu.core_type = #tpu.core_type<tc>, window_params = [{transform_indices = @transform_0, window_bounds = array<i64: 1000, 128>}, {pipeline_mode = #tpu.pipeline_mode<synchronous>, transform_indices = @transform_1, window_bounds = array<i64: 128, 128>}, {pipeline_mode = #tpu.pipeline_mode<synchronous>, transform_indices = @transform_2, window_bounds = array<i64: 1, 128>}, {pipeline_mode = #tpu.pipeline_mode<synchronous>, transform_indices = @transform_3, window_bounds = array<i64: 1, 128>}, {transform_indices = @transform_4, window_bounds = array<i64: 2, 1000, 64>}, {transform_indices = @transform_5, window_bounds = array<i64: 1000, 1>}, {transform_indices = @transform_6, window_bounds = array<i64: 1000, 1>}, {pipeline_mode = #tpu.pipeline_mode<synchronous>, transform_indices = @transform_7, window_bounds = array<i64: 1, 16>}]} {
    %get3A = arith.constant 0 : index
    %get3A_0 = arith.constant 0 : index
    %get3A_1 = vector.load %arg1[%get3A, %get3A_0] : memref<1000x128xf32, #tpu.memory_space<vmem>>, vector<1000x128xf32>
    %get3A_2 = arith.constant 0 : index
    %get3A_3 = arith.constant 0 : index
    %get3A_4 = vector.load %arg2[%get3A_2, %get3A_3] : memref<128x128xf32, #tpu.memory_space<vmem>>, vector<128x128xf32>
    %dot_general3A = arith.constant dense<0.000000e+00> : vector<1000x128xf32>
    %dot_general3A_5 = tpu.matmul %get3A_1, %get3A_4, %dot_general3A {dimension_numbers = #tpu.dot_dimension_numbers<[1], [0], [0], [1], [0, 0, 1, 1], [], []>, transpose_lhs_hint = false} : vector<1000x128xf32>, vector<128x128xf32>, vector<1000x128xf32> -> vector<1000x128xf32>
    %get3A_6 = arith.constant 0 : index
    %get3A_7 = arith.constant 0 : index
    %get3A_8 = vector.load %arg3[%get3A_6, %get3A_7] : memref<1x128xf32, #tpu.memory_space<vmem>>, vector<1x128xf32>
    %get3A_9 = arith.constant 0 : index
    %get3A_10 = arith.constant 0 : index
    %get3A_11 = vector.load %arg4[%get3A_9, %get3A_10] : memref<1x128xf32, #tpu.memory_space<vmem>>, vector<1x128xf32>
    %concatenate3A = tpu.concatenate %get3A_8, %get3A_11 in 0 : vector<1x128xf32>, vector<1x128xf32> -> vector<2x128xf32>
    %dot_general3A_12 = arith.constant dense<0.000000e+00> : vector<1000x2xf32>
    %dot_general3A_13 = tpu.matmul %dot_general3A_5, %concatenate3A, %dot_general3A_12 {dimension_numbers = #tpu.dot_dimension_numbers<[1], [1], [0], [0], [0, 0, 1, 0], [], []>, transpose_lhs_hint = false} : vector<1000x128xf32>, vector<2x128xf32>, vector<1000x2xf32> -> vector<1000x2xf32>
    %slice3A = vector.extract_strided_slice %dot_general3A_5 {offsets = [0, 0], sizes = [1000, 64], strides = [1, 1]} : vector<1000x128xf32> to vector<1000x64xf32>
    %swap3A = arith.constant 0 : index
    %swap3A_14 = arith.constant 0 : index
    %swap3A_15 = arith.constant 0 : index
    %swap3A_16 = vector.load %arg5[%swap3A, %swap3A_14, %swap3A_15] : memref<2x1000x64xf32, #tpu.memory_space<vmem>>, vector<1x1000x64xf32>
    %swap3A_17 = vector.shape_cast %swap3A_16 : vector<1x1000x64xf32> to vector<1000x64xf32>
    %swap3A_18 = vector.shape_cast %slice3A : vector<1000x64xf32> to vector<1x1000x64xf32>
    tpu.vector_store %arg5[%swap3A, %swap3A_14, %swap3A_15], %swap3A_18 {strides = array<i32>} : memref<2x1000x64xf32, #tpu.memory_space<vmem>>, vector<1x1000x64xf32>,
    %slice3A_19 = vector.extract_strided_slice %dot_general3A_5 {offsets = [0, 64], sizes = [1000, 64], strides = [1, 1]} : vector<1000x128xf32> to vector<1000x64xf32>
    %swap3A_20 = arith.constant 1 : index
    %swap3A_21 = arith.constant 0 : index
    %swap3A_22 = arith.constant 0 : index
    %swap3A_23 = vector.load %arg5[%swap3A_20, %swap3A_21, %swap3A_22] : memref<2x1000x64xf32, #tpu.memory_space<vmem>>, vector<1x1000x64xf32>
    %swap3A_24 = vector.shape_cast %swap3A_23 : vector<1x1000x64xf32> to vector<1000x64xf32>
    %swap3A_25 = vector.shape_cast %slice3A_19 : vector<1000x64xf32> to vector<1x1000x64xf32>
    tpu.vector_store %arg5[%swap3A_20, %swap3A_21, %swap3A_22], %swap3A_25 {strides = array<i32>} : memref<2x1000x64xf32, #tpu.memory_space<vmem>>, vector<1x1000x64xf32>,
    %slice3A_26 = vector.extract_strided_slice %dot_general3A_13 {offsets = [0, 0], sizes = [1000, 1], strides = [1, 1]} : vector<1000x2xf32> to vector<1000x1xf32>
    %swap3A_27 = arith.constant 0 : index
    %swap3A_28 = arith.constant 0 : index
    %swap3A_29 = vector.load %arg6[%swap3A_27, %swap3A_28] : memref<1000x1xf32, #tpu.memory_space<vmem>>, vector<1000x1xf32>
    tpu.vector_store %arg6[%swap3A_27, %swap3A_28], %slice3A_26 {strides = array<i32>} : memref<1000x1xf32, #tpu.memory_space<vmem>>, vector<1000x1xf32>,
    %slice3A_30 = vector.extract_strided_slice %dot_general3A_13 {offsets = [0, 1], sizes = [1000, 1], strides = [1, 1]} : vector<1000x2xf32> to vector<1000x1xf32>
    %swap3A_31 = arith.constant 0 : index
    %swap3A_32 = arith.constant 0 : index
    %swap3A_33 = vector.load %arg7[%swap3A_31, %swap3A_32] : memref<1000x1xf32, #tpu.memory_space<vmem>>, vector<1000x1xf32>
    tpu.vector_store %arg7[%swap3A_31, %swap3A_32], %slice3A_30 {strides = array<i32>} : memref<1000x1xf32, #tpu.memory_space<vmem>>, vector<1000x1xf32>,
    %reduce_max3A = arith.constant dense<0xFF800000> : vector<2xf32>
    %reduce_max3A_34 = vector.multi_reduction <maximumf>, %dot_general3A_13, %reduce_max3A [0] : vector<1000x2xf32> to vector<2xf32>
    %broadcast_in_dim3A = vector.shape_cast %reduce_max3A_34 : vector<2xf32> to vector<1x2xf32>
    %eq3A = arith.constant 0 : i32
    %eq3A_35 = arith.cmpi eq, %arg0, %eq3A : i32
    %convert_element_type3A = arith.extui %eq3A_35 : i1 to i32
    %cond3A = arith.constant 0 : i32
    %cond3A_36 = arith.cmpi ne, %convert_element_type3A, %cond3A : i32
    scf.if %cond3A_36 {
      %swap3A_46 = arith.constant 0 : index
      %swap3A_47 = arith.constant 0 : index
      %swap3A_48 = vector.load %arg9[%swap3A_46, %swap3A_47] : memref<1x2xf32, #tpu.memory_space<vmem>>, vector<1x2xf32>
      tpu.vector_store %arg9[%swap3A_46, %swap3A_47], %broadcast_in_dim3A {strides = array<i32>} : memref<1x2xf32, #tpu.memory_space<vmem>>, vector<1x2xf32>,
    } else {
    }
    %ne3A = arith.constant 0 : i32
    %ne3A_37 = arith.cmpi ne, %arg0, %ne3A : i32
    %convert_element_type3A_38 = arith.extui %ne3A_37 : i1 to i32
    %cond3A_39 = arith.constant 0 : i32
    %cond3A_40 = arith.cmpi ne, %convert_element_type3A_38, %cond3A_39 : i32
    scf.if %cond3A_40 {
      %get3A_46 = arith.constant 0 : index
      %get3A_47 = arith.constant 0 : index
      %get3A_48 = vector.load %arg9[%get3A_46, %get3A_47] : memref<1x2xf32, #tpu.memory_space<vmem>>, vector<1x2xf32>
      %max3A = arith.maximumf %get3A_48, %broadcast_in_dim3A : vector<1x2xf32>
      %swap3A_49 = arith.constant 0 : index
      %swap3A_50 = arith.constant 0 : index
      %swap3A_51 = vector.load %arg9[%swap3A_49, %swap3A_50] : memref<1x2xf32, #tpu.memory_space<vmem>>, vector<1x2xf32>
      tpu.vector_store %arg9[%swap3A_49, %swap3A_50], %max3A {strides = array<i32>} : memref<1x2xf32, #tpu.memory_space<vmem>>, vector<1x2xf32>,
    } else {
    }
    %eq3A_41 = arith.constant 9 : i32
    %eq3A_42 = arith.cmpi eq, %arg0, %eq3A_41 : i32
    %convert_element_type3A_43 = arith.extui %eq3A_42 : i1 to i32
    %cond3A_44 = arith.constant 0 : i32
    %cond3A_45 = arith.cmpi ne, %convert_element_type3A_43, %cond3A_44 : i32
    scf.if %cond3A_45 {
      %get3A_46 = arith.constant 0 : index
      %get3A_47 = arith.constant 0 : index
      %get3A_48 = vector.load %arg9[%get3A_46, %get3A_47] : memref<1x2xf32, #tpu.memory_space<vmem>>, vector<1x1xf32>
      %get3A_49 = vector.extract %get3A_48[0, 0] : f32 from vector<1x1xf32>
      %get3A_50 = arith.constant 0 : index
      %get3A_51 = arith.constant 1 : index
      %get3A_52 = vector.load %arg9[%get3A_50, %get3A_51] : memref<1x2xf32, #tpu.memory_space<vmem>>, vector<1x1xf32>
      %get3A_53 = vector.extract %get3A_52[0, 0] : f32 from vector<1x1xf32>
      %add3A = arith.addf %get3A_49, %get3A_53 : f32
      %max3A = arith.constant 0.000000e+00 : f32
      %max3A_54 = arith.maximumf %add3A, %max3A : f32
      %broadcast_in_dim3A_55 = vector.broadcast %max3A_54 : f32 to vector<1x16xf32>
      %swap3A_56 = arith.constant 0 : index
      %swap3A_57 = arith.constant 0 : index
      %swap3A_58 = vector.load %arg8[%swap3A_56, %swap3A_57] : memref<1x16xf32, #tpu.memory_space<vmem>>, vector<1x16xf32>
      tpu.vector_store %arg8[%swap3A_56, %swap3A_57], %broadcast_in_dim3A_55 {strides = array<i32>} : memref<1x16xf32, #tpu.memory_space<vmem>>, vector<1x16xf32>,
    } else {
    }
    return
  }
  func.func @transform_0(%arg0: i32) -> (i32, i32) {
    %c0_i32 = arith.constant 0 : i32
    %c0_i32_0 = arith.constant 0 : i32
    return %arg0, %c0_i32 : i32, i32
  }
  func.func @transform_1(%arg0: i32) -> (i32, i32) {
    %c0_i32 = arith.constant 0 : i32
    %c0_i32_0 = arith.constant 0 : i32
    %c0_i32_1 = arith.constant 0 : i32
    return %c0_i32, %c0_i32_0 : i32, i32
  }
  func.func @transform_2(%arg0: i32) -> (i32, i32) {
    %c0_i32 = arith.constant 0 : i32
    %c0_i32_0 = arith.constant 0 : i32
    %c0_i32_1 = arith.constant 0 : i32
    return %c0_i32, %c0_i32_0 : i32, i32
  }
  func.func @transform_3(%arg0: i32) -> (i32, i32) {
    %c0_i32 = arith.constant 0 : i32
    %c0_i32_0 = arith.constant 0 : i32
    %c0_i32_1 = arith.constant 0 : i32
    return %c0_i32, %c0_i32_0 : i32, i32
  }
  func.func @transform_4(%arg0: i32) -> (i32, i32, i32) {
    %c0_i32 = arith.constant 0 : i32
    %c0_i32_0 = arith.constant 0 : i32
    %c0_i32_1 = arith.constant 0 : i32
    return %c0_i32, %arg0, %c0_i32_0 : i32, i32, i32
  }
  func.func @transform_5(%arg0: i32) -> (i32, i32) {
    %c0_i32 = arith.constant 0 : i32
    %c0_i32_0 = arith.constant 0 : i32
    return %arg0, %c0_i32 : i32, i32
  }
  func.func @transform_6(%arg0: i32) -> (i32, i32) {
    %c0_i32 = arith.constant 0 : i32
    %c0_i32_0 = arith.constant 0 : i32
    return %arg0, %c0_i32 : i32, i32
  }
  func.func @transform_7(%arg0: i32) -> (i32, i32) {
    %c0_i32 = arith.constant 0 : i32
    %c0_i32_0 = arith.constant 0 : i32
    %c0_i32_1 = arith.constant 0 : i32
    return %c0_i32, %c0_i32_0 : i32, i32
  }
}

module attributes {stable_mosaic.version = 14 : i64} {
  func.func @_post_body(%arg0: i32, %arg1: memref<2x1000x64xf32, #tpu.memory_space<vmem>>, %arg2: memref<2x1000x16xf32, #tpu.memory_space<vmem>>, %arg3: memref<1x128xf32, #tpu.memory_space<vmem>>, %arg4: memref<128x128xf32, #tpu.memory_space<vmem>>, %arg5: memref<1x128xf32, #tpu.memory_space<vmem>>, %arg6: memref<1000x128xf32, #tpu.memory_space<vmem>>) attributes {dimension_semantics = [#tpu.dimension_semantics<arbitrary>], iteration_bounds = array<i64: 10>, scalar_prefetch = 0 : i64, scratch_operands = 0 : i64, tpu.core_type = #tpu.core_type<tc>, window_params = [{transform_indices = @transform_0, window_bounds = array<i64: 2, 1000, 64>}, {transform_indices = @transform_1, window_bounds = array<i64: 2, 1000, 16>}, {pipeline_mode = #tpu.pipeline_mode<synchronous>, transform_indices = @transform_2, window_bounds = array<i64: 1, 128>}, {pipeline_mode = #tpu.pipeline_mode<synchronous>, transform_indices = @transform_3, window_bounds = array<i64: 128, 128>}, {pipeline_mode = #tpu.pipeline_mode<synchronous>, transform_indices = @transform_4, window_bounds = array<i64: 1, 128>}, {transform_indices = @transform_5, window_bounds = array<i64: 1000, 128>}]} {
    %get3A = arith.constant 0 : index
    %get3A_0 = arith.constant 0 : index
    %get3A_1 = arith.constant 0 : index
    %get3A_2 = vector.load %arg2[%get3A, %get3A_0, %get3A_1] : memref<2x1000x16xf32, #tpu.memory_space<vmem>>, vector<1x1000x16xf32>
    %get3A_3 = vector.shape_cast %get3A_2 : vector<1x1000x16xf32> to vector<1000x16xf32>
    %get3A_4 = arith.constant 1 : index
    %get3A_5 = arith.constant 0 : index
    %get3A_6 = arith.constant 0 : index
    %get3A_7 = vector.load %arg2[%get3A_4, %get3A_5, %get3A_6] : memref<2x1000x16xf32, #tpu.memory_space<vmem>>, vector<1x1000x16xf32>
    %get3A_8 = vector.shape_cast %get3A_7 : vector<1x1000x16xf32> to vector<1000x16xf32>
    %add3A = arith.addf %get3A_3, %get3A_8 : vector<1000x16xf32>
    %reduce_sum3A = arith.constant dense<0.000000e+00> : vector<1000xf32>
    %reduce_sum3A_9 = vector.multi_reduction <add>, %add3A, %reduce_sum3A [1] : vector<1000x16xf32> to vector<1000xf32>
    %broadcast_in_dim3A = vector.shape_cast %reduce_sum3A_9 : vector<1000xf32> to vector<1000x1xf32>
    %add3A_10 = arith.constant 1.000000e-16 : f32
    %add3A_11 = vector.broadcast %add3A_10 : f32 to vector<1000x1xf32>
    %add3A_12 = arith.addf %broadcast_in_dim3A, %add3A_11 : vector<1000x1xf32>
    %get3A_13 = arith.constant 0 : index
    %get3A_14 = arith.constant 0 : index
    %get3A_15 = arith.constant 0 : index
    %get3A_16 = vector.load %arg1[%get3A_13, %get3A_14, %get3A_15] : memref<2x1000x64xf32, #tpu.memory_space<vmem>>, vector<1x1000x64xf32>
    %get3A_17 = vector.shape_cast %get3A_16 : vector<1x1000x64xf32> to vector<1000x64xf32>
    %div3A = vector.broadcast %add3A_12 : vector<1000x1xf32> to vector<1000x64xf32>
    %div3A_18 = arith.divf %get3A_17, %div3A : vector<1000x64xf32>
    %get3A_19 = arith.constant 0 : index
    %get3A_20 = arith.constant 0 : index
    %get3A_21 = vector.load %arg3[%get3A_19, %get3A_20] : memref<1x128xf32, #tpu.memory_space<vmem>>, vector<1x64xf32>
    %add3A_22 = vector.broadcast %get3A_21 : vector<1x64xf32> to vector<1000x64xf32>
    %add3A_23 = arith.addf %div3A_18, %add3A_22 : vector<1000x64xf32>
    %max3A = arith.constant 0.000000e+00 : f32
    %max3A_24 = vector.broadcast %max3A : f32 to vector<1000x64xf32>
    %max3A_25 = arith.maximumf %add3A_23, %max3A_24 : vector<1000x64xf32>
    %get3A_26 = arith.constant 1 : index
    %get3A_27 = arith.constant 0 : index
    %get3A_28 = arith.constant 0 : index
    %get3A_29 = vector.load %arg1[%get3A_26, %get3A_27, %get3A_28] : memref<2x1000x64xf32, #tpu.memory_space<vmem>>, vector<1x1000x64xf32>
    %get3A_30 = vector.shape_cast %get3A_29 : vector<1x1000x64xf32> to vector<1000x64xf32>
    %div3A_31 = vector.broadcast %add3A_12 : vector<1000x1xf32> to vector<1000x64xf32>
    %div3A_32 = arith.divf %get3A_30, %div3A_31 : vector<1000x64xf32>
    %get3A_33 = arith.constant 0 : index
    %get3A_34 = arith.constant 64 : index
    %get3A_35 = vector.load %arg3[%get3A_33, %get3A_34] : memref<1x128xf32, #tpu.memory_space<vmem>>, vector<1x64xf32>
    %add3A_36 = vector.broadcast %get3A_35 : vector<1x64xf32> to vector<1000x64xf32>
    %add3A_37 = arith.addf %div3A_32, %add3A_36 : vector<1000x64xf32>
    %max3A_38 = arith.constant 0.000000e+00 : f32
    %max3A_39 = vector.broadcast %max3A_38 : f32 to vector<1000x64xf32>
    %max3A_40 = arith.maximumf %add3A_37, %max3A_39 : vector<1000x64xf32>
    %get3A_41 = arith.constant 0 : index
    %get3A_42 = arith.constant 0 : index
    %get3A_43 = vector.load %arg4[%get3A_41, %get3A_42] : memref<128x128xf32, #tpu.memory_space<vmem>>, vector<64x128xf32>
    %dot_general3A = arith.constant dense<0.000000e+00> : vector<1000x128xf32>
    %dot_general3A_44 = tpu.matmul %max3A_25, %get3A_43, %dot_general3A {dimension_numbers = #tpu.dot_dimension_numbers<[1], [0], [0], [1], [0, 0, 1, 1], [], []>, transpose_lhs_hint = false} : vector<1000x64xf32>, vector<64x128xf32>, vector<1000x128xf32> -> vector<1000x128xf32>
    %get3A_45 = arith.constant 64 : index
    %get3A_46 = arith.constant 0 : index
    %get3A_47 = vector.load %arg4[%get3A_45, %get3A_46] : memref<128x128xf32, #tpu.memory_space<vmem>>, vector<64x128xf32>
    %dot_general3A_48 = arith.constant dense<0.000000e+00> : vector<1000x128xf32>
    %dot_general3A_49 = tpu.matmul %max3A_40, %get3A_47, %dot_general3A_48 {dimension_numbers = #tpu.dot_dimension_numbers<[1], [0], [0], [1], [0, 0, 1, 1], [], []>, transpose_lhs_hint = false} : vector<1000x64xf32>, vector<64x128xf32>, vector<1000x128xf32> -> vector<1000x128xf32>
    %add3A_50 = arith.addf %dot_general3A_44, %dot_general3A_49 : vector<1000x128xf32>
    %get3A_51 = arith.constant 0 : index
    %get3A_52 = arith.constant 0 : index
    %get3A_53 = vector.load %arg5[%get3A_51, %get3A_52] : memref<1x128xf32, #tpu.memory_space<vmem>>, vector<1x128xf32>
    %add3A_54 = vector.broadcast %get3A_53 : vector<1x128xf32> to vector<1000x128xf32>
    %add3A_55 = arith.addf %add3A_50, %add3A_54 : vector<1000x128xf32>
    %max3A_56 = arith.constant 0.000000e+00 : f32
    %max3A_57 = vector.broadcast %max3A_56 : f32 to vector<1000x128xf32>
    %max3A_58 = arith.maximumf %add3A_55, %max3A_57 : vector<1000x128xf32>
    %swap3A = arith.constant 0 : index
    %swap3A_59 = arith.constant 0 : index
    %swap3A_60 = vector.load %arg6[%swap3A, %swap3A_59] : memref<1000x128xf32, #tpu.memory_space<vmem>>, vector<1000x128xf32>
    tpu.vector_store %arg6[%swap3A, %swap3A_59], %max3A_58 {strides = array<i32>} : memref<1000x128xf32, #tpu.memory_space<vmem>>, vector<1000x128xf32>,
    return
  }
  func.func @transform_0(%arg0: i32) -> (i32, i32, i32) {
    %c0_i32 = arith.constant 0 : i32
    %c0_i32_0 = arith.constant 0 : i32
    %c0_i32_1 = arith.constant 0 : i32
    return %c0_i32, %arg0, %c0_i32_0 : i32, i32, i32
  }
  func.func @transform_1(%arg0: i32) -> (i32, i32, i32) {
    %c0_i32 = arith.constant 0 : i32
    %c0_i32_0 = arith.constant 0 : i32
    %c0_i32_1 = arith.constant 0 : i32
    return %c0_i32, %arg0, %c0_i32_0 : i32, i32, i32
  }
  func.func @transform_2(%arg0: i32) -> (i32, i32) {
    %c0_i32 = arith.constant 0 : i32
    %c0_i32_0 = arith.constant 0 : i32
    %c0_i32_1 = arith.constant 0 : i32
    return %c0_i32, %c0_i32_0 : i32, i32
  }
  func.func @transform_3(%arg0: i32) -> (i32, i32) {
    %c0_i32 = arith.constant 0 : i32
    %c0_i32_0 = arith.constant 0 : i32
    %c0_i32_1 = arith.constant 0 : i32
    return %c0_i32, %c0_i32_0 : i32, i32
  }
  func.func @transform_4(%arg0: i32) -> (i32, i32) {
    %c0_i32 = arith.constant 0 : i32
    %c0_i32_0 = arith.constant 0 : i32
    %c0_i32_1 = arith.constant 0 : i32
    return %c0_i32, %c0_i32_0 : i32, i32
  }
  func.func @transform_5(%arg0: i32) -> (i32, i32) {
    %c0_i32 = arith.constant 0 : i32
    %c0_i32_0 = arith.constant 0 : i32
    return %arg0, %c0_i32 : i32, i32
  }
}

</mosaic_0001>

<sc_bundles>
// kernel: kernel.5.cloned.1.call-start
scs
__scs_entry_jumppad:
0x0: {  	(pc) =	sbr.rel $0x88, $3  }
0x1: {  	(tag) =	ssettag $0x0;
	lr =	simm.s32 $0x1  }
0x2: {  	[smem:$0x3F99] =	sst lr;
	_ =	strace $0xD0000000  }
0x3: {  	_ = 	snop  }
0x4: {  	_ = 	snop  }
0x5: {  	_ = 	snop  }
0x6: {  	_ = 	snop  }
0x7: {  	_ = 	snop  }
__scs_overlays_trampoline_lowered:
0x8: {  	[smem:$0x3FA8] =	sst s0  }
0x9: {  	[smem:$0x3FA9] =	sst s1  }
0xa: {  	[smem:$0x3FAA] =	sst s2  }
0xb: {  	[smem:$0x3FAB] =	sst s3  }
0xc: {  	[smem:$0x3FAC] =	sst s4  }
0xd: {  	[smem:$0x3FAD] =	sst s5  }
0xe: {  	[smem:$0x3FAE] =	sst s6  }
0xf: {  	[smem:$0x3FAF] =	sst s7  }
0x10: {  	[smem:$0x3FB0] =	sst s8  }
0x11: {  	[smem:$0x3FB1] =	sst s9;
	s0 =	simm.s32 @!p0 $0x0  }
0x12: {  	s1 =	sld [smem:$0x3F97];
	s0 =	simm.s32 @p0 $0x1  }
0x13: {  	[smem:$0x3FB2] =	sst s0;
	s0 =	simm.s32 @!p1 $0x0  }
0x14: {  	s2 =	sld [smem:$0x3F96];
	s0 =	simm.s32 @p1 $0x1  }
0x15: {  	[smem:$0x3FB3] =	sst s0;
	s0 =	simm.s32 @!p2 $0x0  }
0x16: {  	s3 =	sld [smem:$0x3FDB];
	s0 =	simm.s32 @p2 $0x1  }
0x17: {  	s4 =	simm.s32 $0x1BF5;
	[smem:$0x3FB5] =	sst s0  }
0x18: {  	s0 =	sld [smem:$0x3F98];
	_ =	swait.ge [sflag:s4], $0x0  }
0x19: {  	s7 =	sld [smem:$0x3F99]  }
0x1a: {  	s8 =	sadd.s32 $0xFFFFE003, lr  }
0x1b: {  	s9 =	sadd.s32 $0xFFFFFEF7, lr;
	s5 =	simm.s32 $0xFFFFFFFF;
	p2 =	slt.u32 s8, $0xFFFFF086  }
0x1c: {  	p1 =	slt.u32 s9, $0xF7A;
	s5 =	simm.s32 @!p2 $0x0  }
0x1d: {  	s5 =	simm.s32 @p1 $0x1;
	p0 =	seq.s32 s7, s2  }
0x1e: {  	s7 =	smul.u32 @!p0 $0xF7A, s2;
	p2 =	seq.s32 @!p0 s5, $0x0  }
0x1f: {  	s9 =	smul.u32 $0xF7A, s1;
	s8 =	simm.s32 @!p0 $0x1BF5;
	p2 =	por !p2, p0  }
0x20: {  	[sflag:s8] =	ssyncset.s32 @!p0 $0xFFFFF086;
	s6 =	sadd.s32 @!p0 s3, s7;
	s7 =	simm.s32 @!p0 $0x108  }
0x21: {  	s3 =	sadd.s32 s3, s9;
	s6 =	sadd.s32 @!p0 $0x88, s6;
	s7 =	simm.s32 @p2 $0x1082  }
0x22: {  	[simem:s7], [sflag:s8] =	dma.local @!p0 [hbm:s6], $0xF7A  }
0x23: {  	s9 =	sor.u32 $0xD0000000, s2;
	s6 =	simm.s32 $0x108;
	_ =	swait.ge @!p0 [sflag:s8], $0x0  }
0x24: {  	s3 =	sadd.s32 $0x88, s3;
	s6 =	simm.s32 @!p1 $0x1082;
	[sflag:s4] =	ssyncset.s32 $0xFFFFF086  }
0x25: {  	[simem:s6], [sflag:s4] =	dma.local [hbm:s3], $0xF7A  }
0x26: {  	[smem:$0x3F99] =	sst s1;
	(tag) =	ssettag s2;
	_ =	strace s9  }
0x27: {  	s1 =	sld [smem:$0x3FA9]  }
0x28: {  	s2 =	sld [smem:$0x3FAA]  }
0x29: {  	s4 =	sld [smem:$0x3FAC]  }
0x2a: {  	p0 =	seq.s32 s5, $0x0;
	s5 =	sld [smem:$0x3FAD]  }
0x2b: {  	s6 =	sld [smem:$0x3FAE]  }
0x2c: {  	s7 =	sld [smem:$0x3FAF]  }
0x2d: {  	s3 =	simm.s32 $0x108;
	s8 =	sld [smem:$0x3FB0]  }
0x2e: {  	s3 =	simm.s32 @!p0 $0x1082;
	s9 =	sld [smem:$0x3FB1]  }
0x2f: {  	lr =	sadd.s32 s0, s3;
	s0 =	sld [smem:$0x3FA8]  }
0x30: {  	s3 =	sld [smem:$0x3FAB]  }
0x31: {  	[smem:$0x3FB4] =	sst s10  }
0x32: {  	s10 =	sld [smem:$0x3FB2];
	_ =	sdelay $0x3  }
0x33: {  	p0 =	seq.s32 s10, $0x1;
	s10 =	sld [smem:$0x3FB4];
	_ =	sdelay $0x3  }
0x34: {  	[smem:$0x3FB4] =	sst s10  }
0x35: {  	s10 =	sld [smem:$0x3FB3];
	_ =	sdelay $0x3  }
0x36: {  	p1 =	seq.s32 s10, $0x1;
	s10 =	sld [smem:$0x3FB4];
	_ =	sdelay $0x3  }
0x37: {  	[smem:$0x3FB4] =	sst s10  }
0x38: {  	s10 =	sld [smem:$0x3FB5]  }
0x39: {  	_ = 	snop;
	(pc) =	sbr.ind lr, $3  }
0x3a: {  	_ = 	snop  }
0x3b: {  	_ = 	snop  }
0x3c: {  	p2 =	seq.s32 s10, $0x1;
	s10 =	sld [smem:$0x3FB4]  }
0x3d: {  	_ =	shalt  }
0x3e: {  	_ =	shalt  }
0x3f: {  	_ =	shalt  }
0x40: {  	_ =	shalt  }
0x41: {  	_ =	shalt  }
0x42: {  	_ =	shalt  }
0x43: {  	_ =	shalt  }
0x44: {  	_ =	shalt  }
0x45: {  	_ =	shalt  }
0x46: {  	_ =	shalt  }
0x47: {  	_ =	shalt  }
0x48: {  	_ =	shalt  }
0x49: {  	_ =	shalt  }
0x4a: {  	_ =	shalt  }
0x4b: {  	_ =	shalt  }
0x4c: {  	_ =	shalt  }
0x4d: {  	_ =	shalt  }
0x4e: {  	_ =	shalt  }
0x4f: {  	_ =	shalt  }
0x50: {  	_ =	shalt  }
0x51: {  	_ =	shalt  }
0x52: {  	_ =	shalt  }
0x53: {  	_ =	shalt  }
0x54: {  	_ =	shalt  }
0x55: {  	_ =	shalt  }
0x56: {  	_ =	shalt  }
0x57: {  	_ =	shalt  }
0x58: {  	_ =	shalt  }
0x59: {  	_ =	shalt  }
0x5a: {  	_ =	shalt  }
0x5b: {  	_ =	shalt  }
0x5c: {  	_ =	shalt  }
0x5d: {  	_ =	shalt  }
0x5e: {  	_ =	shalt  }
0x5f: {  	_ =	shalt  }
0x60: {  	_ =	shalt  }
0x61: {  	_ =	shalt  }
0x62: {  	_ =	shalt  }
0x63: {  	_ =	shalt  }
0x64: {  	_ =	shalt  }
0x65: {  	_ =	shalt  }
0x66: {  	_ =	shalt  }
0x67: {  	_ =	shalt  }
0x68: {  	_ =	shalt  }
0x69: {  	_ =	shalt  }
0x6a: {  	_ =	shalt  }
0x6b: {  	_ =	shalt  }
0x6c: {  	_ =	shalt  }
0x6d: {  	_ =	shalt  }
0x6e: {  	_ =	shalt  }
0x6f: {  	_ =	shalt  }
0x70: {  	_ =	shalt  }
0x71: {  	_ =	shalt  }
0x72: {  	_ =	shalt  }
0x73: {  	_ =	shalt  }
0x74: {  	_ =	shalt  }
0x75: {  	_ =	shalt  }
0x76: {  	_ =	shalt  }
0x77: {  	_ =	shalt  }
0x78: {  	_ =	shalt  }
0x79: {  	_ =	shalt  }
0x7a: {  	_ =	shalt  }
0x7b: {  	_ =	shalt  }
0x7c: {  	_ =	shalt  }
0x7d: {  	_ =	shalt  }
0x7e: {  	_ =	shalt  }
0x7f: {  	_ =	shalt  }
0x80: {  	_ =	shalt  }
0x81: {  	_ =	shalt  }
0x82: {  	_ =	shalt  }
0x83: {  	_ =	shalt  }
0x84: {  	_ =	shalt  }
0x85: {  	_ =	shalt  }
0x86: {  	_ =	shalt  }
0x87: {  	_ =	shalt  }
.Lfunc_end0:
.L_simem_size_0:
called_computation_lowered:
.L_overlay_start_0:
0x88: {  	s2 =	sld [smem:$0x3FD9]  }
0x89: {  	s3 =	sld [smem:$0x3FFE];
	_ =	sdelay $0x1  }
0x8a: {  	s1 =	srdreg.scid  }
0x8b: {  	s0 =	sand.u32 $0x1, s1  }
0x8c: {  	s17 =	sshll.u32 s0, $0xA;
	s2 =	sadd.s32 s3, s2  }
0x8d: {  	s2 =	sadd.s32 s2, s17  }
0x8e: {  	[smem:$0x3FC0] =	sst s2  }
0x8f: {  	_ = 	snop  }
0x90: {  	s2 =	sld [smem:$0x3FD0];
	(tm) =	ssettm $0x1  }
0x91: {  	s18 =	sld [smem:$0x3FFB];
	_ =	sdelay $0x3  }
0x92: {  	_ =	strace s18  }
0x93: {  	s3 =	sld [smem:$0x3FFC];
	_ =	sdelay $0x3  }
0x94: {  	_ =	strace s3  }
0x95: {  	s3 =	sld [smem:$0x3FFD];
	_ =	sdelay $0x3  }
0x96: {  	_ =	strace s3  }
0x97: {  	_ =	strace $0x8FFFFFFF  }
0x98: {  	s19 =	sld [smem:$0x3FDB];
	_ =	sdelay $0x1  }
0x99: {  	s4 =	simm.s32 $_scs_section_size  }
0x9a: {  	s5 =	simm.s32 $_size__tile_overlayer_lowered;
	s6 =	simm.s32 $_tile_overlayer_lowered  }
0x9b: {  	s22 =	simm.s32 $0x1BFF;
	s21 =	sshll.u32 s6, $0x1;
	s3 =	sadd.s32 s4, s19  }
0x9c: {  	s7 =	simm.s32 $0x0;
	s20 =	sshll.u32 s5, $0x1;
	s5 =	sadd.s32 s21, s3  }
0x9d: {  	[timem:s7], [sflag:s22] =	dma.local [hbm:s5], s20  }
0x9e: {  	_ =	swait.ge [sflag:s22], s20  }
0x9f: {  	s4 =	ssub.s32 $0x0, s20;
	[sflag:s22] =	ssyncset.done $0x0  }
0xa0: {  	[sflag:s22] =	ssyncadd.s32 s4;
	_ =	sdelay $0x1  }
0xa1: {  	s23 =	simm.s32 $0x1B8B  }
0xa2: {  	_ =	swait.ge [sflag:s23], $0x1  }
0xa3: {  	[sflag:s23] =	ssyncset.done $0x0  }
0xa4: {  	s25 =	simm.s32 $0x1B8E;
	s24 =	sld [smem:$0x3FFE];
	[sflag:s23] =	ssyncadd.s32 $0xFFFFFFFF  }
0xa5: {  	s26 =	simm.s32 $execute0_lowered;
	[smem:$0x3FD2] =	sst s25  }
0xa6: {  	s5 =	sshll.u32 s26, $0x1;
	_ =	strace $0x80000046;
	[dreg:$0x1] =	wrdreg $0xFFFFFFFF  }
0xa7: {  	s28 =	simm.s32 $_size_execute0_lowered;
	s3 =	sadd.s32 s3, s5;
	[dreg:$0x0] =	wrdreg $0x0  }
0xa8: {  	s5 =	sshll.u32 s28, $0x1;
	[dreg:$0x2] =	wrdreg s3  }
0xa9: {  	[dreg:$0x3] =	wrdreg s5  }
0xaa: {  	[dreg:$0x4] =	wrdreg $0xC0  }
0xab: {  	_ =	task [dreg:s7], $0x5FFFF  }
0xac: {  	[dreg:$0x1] =	wrdreg $0xFFFFFFFF  }
0xad: {  	[dreg:$0x0] =	wrdreg $0x60  }
0xae: {  	[dreg:$0x2] =	wrdreg s2  }
0xaf: {  	[dreg:$0x3] =	wrdreg s24  }
0xb0: {  	[dreg:$0x4] =	wrdreg $0xF4C00  }
0xb1: {  	[dreg:$0x5] =	wrdreg $0x191000  }
0xb2: {  	[dreg:$0x6] =	wrdreg $0x9  }
0xb3: {  	_ =	task.clear_ibuf [dreg:s7], $0x7FFFF;
	_ =	strace $0x90000046  }
0xb4: {  	s29 =	simm.s32 $0x9;
	_ =	strace $0x80000048  }
0xb5: {  	_ =	swait.ge [sflag:s29], $0x1  }
0xb6: {  	[sflag:s29] =	ssyncadd.s32 $0xFFFFFFFF  }
0xb7: {  	_ =	strace $0x90000048  }
0xb8: {  	_ =	sfence  }
0xb9: {  	s30 =	sld [smem:$0x0];
	_ =	sdelay $0x2  }
0xba: {  	s31 =	sshll.u32 s1, $0xD;
	s1 =	sshrl.u32 s1, $0x2  }
0xbb: {  	s3 =	sand.u32 $0x4000, s31;
	s1 =	sadd.s32 s1, s30  }
0xbc: {  	s0 =	sor.u32 s3, s0;
	s1 =	sshll.u32 s1, $0x11  }
0xbd: {  	s0 =	sor.u32 s1, s0  }
0xbe: {  	s0 =	sadd.s32 $0x8F2B, s0  }
0xbf: {  	[sflag:s0] =	ssyncadd.remote.s32 $0x1  }
0xc0: {  	_ =	sfence.sel $0xFFFF  }
0xc1: {  	[dreg:$0x0] =	wrdreg $0xFFFFFFFF;
	(pc) =	sbr.abs _section_cstart, $3  }
0xc2: {  	[dreg:$0x1] =	wrdreg $0xFFFFFFFF  }
0xc3: {  	_ =	task.clear_ibuf [dreg:s7], $0x2FFFF;
	_ =	strace $0x9FFFFFFF  }
0xc4: {  	(tm) =	ssettm $0x7FFFFFFF  }
0xc5: {  	_ =	shalt  }
tec
execute0_lowered:
.L_overlay_start_1:
0x0: {  	(tag) =	ssettag $0x1  }
0x1: {  	s3 =	rddreg [dreg:$0x0]  }
0x2: {  	s4 =	rddreg [dreg:$0x1]  }
0x3: {  	s0 =	srdreg.scid;
	s1 =	simm.s32 $0x0;
	s23 =	stileid.u32  }
0x4: {  	s30 =	simm.s32 $0x9D;
	s28 =	simm.s32 $0x8;
	s2 =	sand.u32 $0x1, s0  }
0x5: {  	[smem:$0x7FF] =	sst s1;
	s5 =	smul.u32 $0x271, s23;
	s6 =	sadd.s32 $0x1F800, s4  }
0x6: {  	s7 =	sadd.s32 $0x15A00, s4;
	s10 =	smul.u32 $0x2710, s23;
	s0 =	ssub.s32 $0x2, s2  }
0x7: {  	p0 =	slt.u32 s23, $0x4;
	s14 =	smul.u32 $0x9C400, s2;
	s8 =	sshrl.u32 s0, $0x1  }
0x8: {  	s9 =	sadd.s32 $0x7D, s5;
	s12 =	sadd.s32 $0xFA, s5;
	s20 =	sadd.s32 $0x177, s5  }
0x9: {  	s5 =	sadd.s32 $0x1F4, s5;
	s0 =	ssub.s32 s0, s8;
	s8 =	smul.u32 $0x9C40, s23  }
0xa: {  	s11 =	sshll.u32 s9, $0x6;
	s9 =	sshll.u32 s9, $0x4;
	s13 =	sshll.u32 s12, $0x6  }
0xb: {  	s15 =	sshll.u32 s12, $0x4;
	s16 =	sshll.u32 s20, $0x6;
	s17 =	sshll.u32 s20, $0x4  }
0xc: {  	s18 =	sshll.u32 s5, $0x6;
	s21 =	sshrl.u32 s14, $0x3;
	s20 =	smul.u32 $0x27100, s2  }
0xd: {  	s3 =	sadd.s32 s3, s21;
	s25 =	sadd.s32 s14, s11;
	s29 =	sadd.s32 s14, s13  }
0xe: {  	s19 =	sadd.s32 s8, s14;
	s24 =	sadd.s32 s10, s20;
	s21 =	sadd.s32 s20, s9  }
0xf: {  	s22 =	sshrl.u32 s19, $0x3;
	s19 =	sshrl.u32 s25, $0x3;
	s26 =	sshrl.u32 s21, $0x3  }
0x10: {  	s21 =	sshrl.u32 s29, $0x3;
	s12 =	sadd.s32 s6, s22;
	s19 =	sadd.s32 s6, s19  }
0x11: {  	s22 =	sadd.s32 s14, s16;
	s14 =	sadd.s32 s14, s18;
	[dreg:$0x5] =	wrdreg s12  }
0x12: {  	s21 =	sadd.s32 s6, s21;
	[dreg:$0x6] =	wrdreg s19;
	s31 =	sshrl.u32 s22, $0x3  }
0x13: {  	[dreg:$0x7] =	wrdreg s21;
	s14 =	sshrl.u32 s14, $0x3;
	s21 =	sadd.s32 s6, s31  }
0x14: {  	s12 =	sshrl.u32 s24, $0x3;
	s6 =	sadd.s32 s6, s14;
	[dreg:$0x8] =	wrdreg s21  }
0x15: {  	s30 =	simm.s32 @!p0 $0x9C;
	s12 =	sadd.s32 s7, s12;
	[dreg:$0x9] =	wrdreg s6  }
0x16: {  	s5 =	sshll.u32 s5, $0x4;
	s14 =	sadd.s32 s20, s15;
	[dreg:$0xa] =	wrdreg s12  }
0x17: {  	s22 =	sadd.s32 s20, s17;
	s6 =	sshrl.u32 s14, $0x3;
	s12 =	rddreg [dreg:$0x2]  }
0x18: {  	s24 =	sadd.s32 s20, s5;
	s14 =	rddreg [dreg:$0x3];
	s6 =	sadd.s32 s7, s6  }
0x19: {  	s21 =	sadd.s32 s7, s26;
	[dreg:$0xc] =	wrdreg s6;
	s6 =	sshrl.u32 s22, $0x3  }
0x1a: {  	s25 =	sshrl.u32 s24, $0x3;
	[dreg:$0xb] =	wrdreg s21;
	s6 =	sadd.s32 s7, s6  }
0x1b: {  	p0 =	sne.s32 s2, $0x0;
	[dreg:$0xd] =	wrdreg s6;
	s6 =	sadd.s32 s7, s25  }
0x1c: {  	s29 =	sadd.s32 $0x1A00, s4;
	s31 =	sadd.s32 $0x1400, s4;
	[dreg:$0xe] =	wrdreg s6  }
0x1d: {  	s26 =	sshll.u32 s23, $0x4;
	_ =	strace $0x80000047;
	[dreg:$0xf] =	wrdreg s29  }
0x1e: {  	s6 =	sadd.s32 s26, s4;
	s4 =	sadd.s32 $0x4F600, s4;
	[dreg:$0x10] =	wrdreg s31  }
0x1f: {  	p1 =	seq.s32 s2, $0x0;
	s13 =	sadd.s32 s13, s12;
	[dreg:$0x11] =	wrdreg s4  }
0x20: {  	s0 =	smax.u32 s0, $0x1;
	s15 =	sadd.s32 s15, s14;
	[dreg:$0x16] =	wrdreg s13  }
0x21: {  	s19 =	sadd.s32 s8, s12;
	s20 =	sadd.s32 s16, s12;
	[dreg:$0x17] =	wrdreg s15  }
0x22: {  	s24 =	sadd.s32 s10, s14;
	s21 =	sadd.s32 s17, s14;
	[dreg:$0x18] =	wrdreg s20  }
0x23: {  	s11 =	sadd.s32 s11, s12;
	s22 =	sadd.s32 s18, s12;
	[dreg:$0x19] =	wrdreg s21  }
0x24: {  	s8 =	simm.s32 $0x11;
	s25 =	sadd.s32 s5, s14;
	[dreg:$0x1a] =	wrdreg s22  }
0x25: {  	s16 =	simm.s32 $0x6;
	s7 =	sadd.s32 $0xFFFFFFFF, s30;
	[dreg:$0x1b] =	wrdreg s25  }
0x26: {  	s5 =	simm.s32 $0x0;
	s26 =	sadd.s32 s9, s14;
	[dreg:$0x1e] =	wrdreg s0  }
0x27: {  	s9 =	simm.s32 $0x2710;
	s13 =	sadd.s32 $0x2000, s6;
	[dreg:$0x12] =	wrdreg s19  }
.Ltmp0:
0x28: {  	s29 =	sadd.s32 $0x2100, s6;
	[dreg:$0x13] =	wrdreg s24;
	(pc) =	sbr.rel .LBB2_1-.Ltmp0, $4  }
0x29: {  	s31 =	sadd.s32 $0x2200, s6;
	s6 =	sadd.s32 $0xFFFFFFFE, s30;
	[dreg:$0x14] =	wrdreg s11  }
0x2a: {  	s15 =	simm.s32 $0x80;
	s0 =	simm.s32 $0x5;
	[dreg:$0x15] =	wrdreg s26  }
0x2b: {  	s21 =	simm.s32 $0xD;
	s22 =	simm.s32 $0x7;
	[dreg:$0x1c] =	wrdreg s29  }
0x2c: {  	v0 =	vimm.f32 $0.0e+00;
	s20 =	simm.s32 $0xE;
	s25 =	simm.s32 $0x10;
	[dreg:$0x1d] =	wrdreg s31  }
.LBB2_42:
0x2d: {  	s4 =	stileid.u32;
	[bflag:$0x0] =	sbarrier.arrive $0xFFFF  }
0x2e: {  	s4 =	sshll.u32 s4, $0x6;
	s19 =	rddreg [dreg:$0x12]  }
0x2f: {  	s10 =	rddreg [dreg:$0x5];
	s4 =	sor.u32 $0x1C11, s4;
	s5 =	sshrl.u32 s19, $0x3  }
0x30: {  	[hbm:s10], [sflag:s4] =	dma.local [spmem:s5], $0x3E8  }
0x31: {  	_ =	swait.ge [sflag:s8], $0x3E8  }
0x32: {  	[sflag:s8] =	ssyncset.done $0x0;
	s24 =	rddreg [dreg:$0x13]  }
0x33: {  	s31 =	rddreg [dreg:$0xa];
	[sflag:s8] =	ssyncadd.s32 $0xFFFFFC18;
	s29 =	sshrl.u32 s24, $0x3  }
0x34: {  	[hbm:s31], [sflag:s4] =	dma.local [spmem:s29], $0xFA  }
0x35: {  	_ =	swait.ge [sflag:s8], $0xFA  }
0x36: {  	[sflag:s8] =	ssyncset.done $0x0;
	s11 =	rddreg [dreg:$0x14]  }
0x37: {  	s17 =	rddreg [dreg:$0x6];
	[sflag:s8] =	ssyncadd.s32 $0xFFFFFF06;
	s10 =	sshrl.u32 s11, $0x3  }
0x38: {  	[hbm:s17], [sflag:s4] =	dma.local [spmem:s10], $0x3E8  }
0x39: {  	_ =	swait.ge [sflag:s8], $0x3E8  }
0x3a: {  	[sflag:s8] =	ssyncset.done $0x0;
	s26 =	rddreg [dreg:$0x15]  }
0x3b: {  	s23 =	rddreg [dreg:$0xb];
	[sflag:s8] =	ssyncadd.s32 $0xFFFFFC18;
	s18 =	sshrl.u32 s26, $0x3  }
0x3c: {  	[hbm:s23], [sflag:s4] =	dma.local [spmem:s18], $0xFA  }
0x3d: {  	_ =	swait.ge [sflag:s8], $0xFA  }
0x3e: {  	[sflag:s8] =	ssyncset.done $0x0;
	s29 =	rddreg [dreg:$0x16]  }
0x3f: {  	s31 =	rddreg [dreg:$0x7];
	[sflag:s8] =	ssyncadd.s32 $0xFFFFFF06;
	s5 =	sshrl.u32 s29, $0x3  }
0x40: {  	[hbm:s31], [sflag:s4] =	dma.local [spmem:s5], $0x3E8  }
0x41: {  	_ =	swait.ge [sflag:s8], $0x3E8  }
0x42: {  	[sflag:s8] =	ssyncset.done $0x0;
	s10 =	rddreg [dreg:$0x17]  }
0x43: {  	s17 =	rddreg [dreg:$0xc];
	[sflag:s8] =	ssyncadd.s32 $0xFFFFFC18;
	s5 =	sshrl.u32 s10, $0x3  }
0x44: {  	[hbm:s17], [sflag:s4] =	dma.local [spmem:s5], $0xFA  }
0x45: {  	_ =	swait.ge [sflag:s8], $0xFA  }
0x46: {  	[sflag:s8] =	ssyncset.done $0x0;
	s18 =	rddreg [dreg:$0x18]  }
0x47: {  	s23 =	rddreg [dreg:$0x8];
	[sflag:s8] =	ssyncadd.s32 $0xFFFFFF06;
	s5 =	sshrl.u32 s18, $0x3  }
0x48: {  	[hbm:s23], [sflag:s4] =	dma.local [spmem:s5], $0x3E8  }
0x49: {  	_ =	swait.ge [sflag:s8], $0x3E8  }
0x4a: {  	[sflag:s8] =	ssyncset.done $0x0;
	s29 =	rddreg [dreg:$0x19]  }
0x4b: {  	s31 =	rddreg [dreg:$0xd];
	[sflag:s8] =	ssyncadd.s32 $0xFFFFFC18;
	s5 =	sshrl.u32 s29, $0x3  }
0x4c: {  	[hbm:s31], [sflag:s4] =	dma.local [spmem:s5], $0xFA  }
0x4d: {  	_ =	swait.ge [sflag:s8], $0xFA  }
0x4e: {  	[sflag:s8] =	ssyncset.done $0x0;
	s10 =	rddreg [dreg:$0x1a]  }
0x4f: {  	s17 =	rddreg [dreg:$0x9];
	[sflag:s8] =	ssyncadd.s32 $0xFFFFFF06;
	s5 =	sshrl.u32 s10, $0x3  }
0x50: {  	[hbm:s17], [sflag:s4] =	dma.local [spmem:s5], $0x3E8  }
0x51: {  	_ =	swait.ge [sflag:s8], $0x3E8  }
0x52: {  	[sflag:s8] =	ssyncset.done $0x0;
	s18 =	rddreg [dreg:$0x1b]  }
0x53: {  	s23 =	rddreg [dreg:$0xe];
	[sflag:s8] =	ssyncadd.s32 $0xFFFFFC18;
	s5 =	sshrl.u32 s18, $0x3  }
0x54: {  	[hbm:s23], [sflag:s4] =	dma.local [spmem:s5], $0xFA  }
0x55: {  	_ =	swait.ge [sflag:s8], $0xFA  }
0x56: {  	s29 =	rddreg [dreg:$0x1f]  }
0x57: {  	s31 =	rddreg [dreg:$0x1e];
	s5 =	sadd.s32 $0x1, s29  }
0x58: {  	p2 =	sne.s32 s5, s31  }
.Ltmp1:
0x59: {  	_ = 	snop;
	(pc) =	sbr.rel @!p2 .LBB2_43-.Ltmp1, $3  }
0x5a: {  	_ =	sdelay $0x1  }
0x5b: {  	[sflag:s8] =	ssyncset.done $0x0  }
0x5c: {  	[sflag:s8] =	ssyncadd.s32 $0xFFFFFF06  }
.LBB2_1:
0x5d: {  	[dreg:$0x1f] =	wrdreg s5  }
0x5e: {  	s4 =	rddreg [dreg:$0xf]  }
0x5f: {  	[tilespmem:s1], [sflag:$0x11] =	stream.linear.gather [hbm4b:s4+s1], $0x2710, $0x38;
	[tilespmem:$0x1B810] =	vst v63  }
0x60: {  	_ =	swait.ge [sflag:s8], $0x2710  }
0x61: {  	[sflag:s8] =	ssyncset.done $0x0  }
0x62: {  	s23 =	rddreg [dreg:$0x10];
	[sflag:s8] =	ssyncadd.s32 $0xFFFFD8F0  }
0x63: {  	[tilespmem:s9], [sflag:$0x11] =	stream.linear.gather [hbm4b:s23+s1], $0x2710, $0x38;
	[tilespmem:$0x1B810] =	vst v63  }
0x64: {  	_ =	swait.ge [sflag:s8], $0x2710  }
0x65: {  	[sflag:s8] =	ssyncset.done $0x0  }
0x66: {  	s31 =	simm.s32 $0xF4B0;
	s29 =	rddreg [dreg:$0x11];
	[sflag:s8] =	ssyncadd.s32 $0xFFFFD8F0  }
0x67: {  	[tilespmem:s31], [sflag:$0x11] =	stream.linear.gather [hbm4b:s29+s1], $0x10, $0x38;
	[tilespmem:$0x1B810] =	vst v63  }
0x68: {  	_ =	swait.ge [sflag:s8], $0x10  }
0x69: {  	[sflag:s8] =	ssyncset.done $0x0  }
0x6a: {  	s4 =	simm.s32 $0x5240;
	[sflag:s8] =	ssyncadd.s32 $0xFFFFFFF0  }
0x6b: {  	[tilespmem:s4+$0xFFFFFFE0] =	vst v0  }
0x6c: {  	[tilespmem:s4+$0xFFFFFFF0] =	vst v0  }
0x6d: {  	[tilespmem:s4+$0x0] =	vst v0  }
0x6e: {  	s10 =	simm.s32 $0x0;
	s5 =	simm.s32 $0x40;
	[tilespmem:s4+$0x10] =	vst v0  }
.LBB2_2:
0x6f: {  	p2 =	sne.s32 s5, $0x1FC0;
	[tilespmem:s10+$0xEA20] =	vst v0  }
0x70: {  	[tilespmem:s10+$0xD220] =	vst v0  }
0x71: {  	[tilespmem:s10+$0xDA20] =	vst v0  }
.Ltmp2:
0x72: {  	s4 =	sadd.s32 $0x40, s4;
	[tilespmem:s10+$0xE220] =	vst v0;
	(pc) =	sbr.rel @p2 .LBB2_2-.Ltmp2, $4  }
0x73: {  	[tilespmem:s4+$0xFFFFFFE0] =	vst v0  }
0x74: {  	[tilespmem:s4+$0xFFFFFFF0] =	vst v0  }
0x75: {  	[tilespmem:s4+$0x0] =	vst v0  }
0x76: {  	s10 =	sshra.s32 s5, $0x2;
	s5 =	sadd.s32 $0x40, s5;
	[tilespmem:s4+$0x10] =	vst v0  }
0x77: {  	[tilespmem:s10+$0xEA20] =	vst v0  }
0x78: {  	[tilespmem:s10+$0xD220] =	vst v0  }
0x79: {  	[tilespmem:s10+$0xDA20] =	vst v0  }
0x7a: {  	[tilespmem:s10+$0xE220] =	vst v0;
	s5 =	simm.s32 $0x5220  }
0x7b: {  	[spmem:s19] =	stream.linear.scatter [tilespmem:s5], [sflag:$0x11], $0x1F40, $0x38;
	[tilespmem:$0x1B810] =	vst v63  }
0x7c: {  	_ =	swait.ge [sflag:s8], $0x1F40  }
0x7d: {  	[sflag:s8] =	ssyncset.done $0x0  }
0x7e: {  	s19 =	simm.s32 $0xD220;
	[sflag:s8] =	ssyncadd.s32 $0xFFFFE0C0  }
0x7f: {  	[spmem:s24] =	stream.linear.scatter [tilespmem:s19], [sflag:$0x11], $0x7D0, $0x38;
	[tilespmem:$0x1B810] =	vst v63  }
0x80: {  	_ =	swait.ge [sflag:s8], $0x7D0  }
0x81: {  	[sflag:s8] =	ssyncset.done $0x0  }
0x82: {  	[sflag:s8] =	ssyncadd.s32 $0xFFFFF830  }
0x83: {  	[spmem:s11] =	stream.linear.scatter [tilespmem:s5], [sflag:$0x11], $0x1F40, $0x38;
	[tilespmem:$0x1B810] =	vst v63  }
0x84: {  	_ =	swait.ge [sflag:s8], $0x1F40  }
0x85: {  	[sflag:s8] =	ssyncset.done $0x0  }
0x86: {  	[sflag:s8] =	ssyncadd.s32 $0xFFFFE0C0  }
0x87: {  	[spmem:s26] =	stream.linear.scatter [tilespmem:s19], [sflag:$0x11], $0x7D0, $0x38;
	[tilespmem:$0x1B810] =	vst v63  }
0x88: {  	_ =	swait.ge [sflag:s8], $0x7D0  }
0x89: {  	[sflag:s8] =	ssyncset.done $0x0  }
0x8a: {  	s4 =	rddreg [dreg:$0x16];
	[sflag:s8] =	ssyncadd.s32 $0xFFFFF830  }
0x8b: {  	[spmem:s4] =	stream.linear.scatter [tilespmem:s5], [sflag:$0x11], $0x1F40, $0x38;
	[tilespmem:$0x1B810] =	vst v63  }
0x8c: {  	_ =	swait.ge [sflag:s8], $0x1F40  }
0x8d: {  	[sflag:s8] =	ssyncset.done $0x0  }
0x8e: {  	s23 =	rddreg [dreg:$0x17];
	[sflag:s8] =	ssyncadd.s32 $0xFFFFE0C0  }
0x8f: {  	[spmem:s23] =	stream.linear.scatter [tilespmem:s19], [sflag:$0x11], $0x7D0, $0x38;
	[tilespmem:$0x1B810] =	vst v63  }
0x90: {  	_ =	swait.ge [sflag:s8], $0x7D0  }
0x91: {  	[sflag:s8] =	ssyncset.done $0x0  }
0x92: {  	s24 =	rddreg [dreg:$0x18];
	[sflag:s8] =	ssyncadd.s32 $0xFFFFF830  }
0x93: {  	[spmem:s24] =	stream.linear.scatter [tilespmem:s5], [sflag:$0x11], $0x1F40, $0x38;
	[tilespmem:$0x1B810] =	vst v63  }
0x94: {  	_ =	swait.ge [sflag:s8], $0x1F40  }
0x95: {  	[sflag:s8] =	ssyncset.done $0x0  }
0x96: {  	s26 =	rddreg [dreg:$0x19];
	[sflag:s8] =	ssyncadd.s32 $0xFFFFE0C0  }
0x97: {  	[spmem:s26] =	stream.linear.scatter [tilespmem:s19], [sflag:$0x11], $0x7D0, $0x38;
	[tilespmem:$0x1B810] =	vst v63  }
0x98: {  	_ =	swait.ge [sflag:s8], $0x7D0  }
0x99: {  	[sflag:s8] =	ssyncset.done $0x0  }
0x9a: {  	s29 =	rddreg [dreg:$0x1a];
	[sflag:s8] =	ssyncadd.s32 $0xFFFFF830  }
0x9b: {  	[spmem:s29] =	stream.linear.scatter [tilespmem:s5], [sflag:$0x11], $0x1F40, $0x38;
	[tilespmem:$0x1B810] =	vst v63  }
0x9c: {  	_ =	swait.ge [sflag:s8], $0x1F40  }
0x9d: {  	[sflag:s8] =	ssyncset.done $0x0  }
0x9e: {  	s31 =	rddreg [dreg:$0x1b];
	[sflag:s8] =	ssyncadd.s32 $0xFFFFE0C0  }
0x9f: {  	[spmem:s31] =	stream.linear.scatter [tilespmem:s19], [sflag:$0x11], $0x7D0, $0x38;
	[tilespmem:$0x1B810] =	vst v63  }
0xa0: {  	_ =	swait.ge [sflag:s8], $0x7D0  }
0xa1: {  	[sflag:s8] =	ssyncset.done $0x0  }
0xa2: {  	[sflag:s8] =	ssyncadd.s32 $0xFFFFF830  }
0xa3: {  	s11 =	simm.s32 $0x4E200;
	s19 =	simm.s32 $0x4E20;
	[bflag:$0x0] =	sbarrier.arrive $0xFFFF  }
0xa4: {  	v1 =	vld [tilespmem:$0xF4B0];
	[tilespmem:s19], [sflag:$0x1] =	stream.strided.gather [hbm4b:s13+s15], $0x100, s11, s15, $0x38  }
0xa5: {  	s17 =	simm.s32 $0x4F20;
	s23 =	rddreg [dreg:$0x1c]  }
0xa6: {  	[tilespmem:s17], [sflag:$0x2] =	stream.strided.gather [hbm4b:s23+s15], $0x100, s11, s15, $0x38;
	[tilespmem:$0x1B810] =	vst v63  }
0xa7: {  	s18 =	simm.s32 $0x5020;
	s26 =	simm.s32 $0x1;
	s24 =	rddreg [dreg:$0x1d]  }
0xa8: {  	[tilespmem:s18], [sflag:$0x3] =	stream.strided.gather [hbm4b:s24+s15], $0x100, s11, s15, $0x38;
	[tilespmem:$0x1B810] =	vst v63  }
0xa9: {  	_ =	swait.ge [sflag:s26], $0x100  }
0xaa: {  	[sflag:s26] =	ssyncset.done $0x0  }
0xab: {  	[sflag:s26] =	ssyncadd.s32 $0xFFFFFF00  }
0xac: {  	[tilespmem:s5], [sflag:$0x5] =	stream.indirect.gather [hbm4b:s3+s15], $0x40, s19, s15, $0xb8;
	[tilespmem:$0x1B810] =	vst v63  }
.Ltmp3:
0xad: {  	s29 =	simm.s32 $0x2;
	(pc) =	sbr.rel .LBB2_4-.Ltmp3, $4  }
0xae: {  	_ =	swait.ge [sflag:s29], $0x100  }
0xaf: {  	[sflag:s29] =	ssyncset.done $0x0  }
0xb0: {  	s31 =	simm.s32 $0x7220;
	s26 =	simm.s32 $0x0;
	[sflag:s29] =	ssyncadd.s32 $0xFFFFFF00  }
0xb1: {  	[tilespmem:s31], [sflag:$0x6] =	stream.indirect.gather [hbm4b:s3+s15], $0x40, s17, s15, $0xb8;
	[tilespmem:$0x1B810] =	vst v63  }
.LBB2_40:
0xb2: {  	[tilespmem:s11+$0x90] =	vst v10;
	v4 =	vmul.f32 v6, v4  }
0xb3: {  	[tilespmem:s11+$0xA0] =	vst v11;
	v5 =	vmul.f32 v2, v5  }
0xb4: {  	v63 =	vmul.f32 v7, v2;
	[tilespmem:s11+$0xB0] =	vst v4  }
0xb5: {  	v2 =	vmul.f32 v8, v2;
	[tilespmem:s11+$0xC0] =	vst v5  }
0xb6: {  	v3 =	vmul.f32 v3, v9;
	[tilespmem:s11+$0xD0] =	vst v63  }
0xb7: {  	[tilespmem:s11+$0xE0] =	vst v2  }
0xb8: {  	s4 =	simm.s32 $0xF3A0;
	s5 =	simm.s32 $0xB220;
	[tilespmem:s11+$0xFFFFFF00] =	vst v3  }
0xb9: {  	[spmem:s12] =	stream.indirect.scatter.add.f32 [tilespmem:s5], [sflag:$0xC], $0x40, s4, s15, $0xb8;
	[tilespmem:$0x1B810] =	vst v63  }
0xba: {  	s10 =	simm.s32 @!p1 $0xEA20;
	s4 =	simm.s32 @!p1 $0x80;
	s5 =	simm.s32 @!p1 $0xF3A0  }
0xbb: {  	[spmem:s14] =	stream.indirect.scatter.add.f32 @!p1 [tilespmem:s10], [sflag:$0x10], $0x10, s5, s4, $0xb8;
	[tilespmem:$0x1B810] =	vst v63  }
.LBB2_41:
0xbc: {  	s26 =	sadd.s32 $0x1, s26  }
0xbd: {  	p2 =	sne.s32 s26, $0x28  }
.Ltmp4:
0xbe: {  	_ = 	snop;
	(pc) =	sbr.rel @!p2 .LBB2_42-.Ltmp4, $1  }
0xbf: {  	_ =	sdelay $0x3  }
.LBB2_4:
0xc0: {  	p5 =	seq.s32 s26, $0x0  }
0xc1: {  	s4 =	simm.s32 @!p5 $0xB  }
0xc2: {  	p2 =	sne.s32 @!p5 s2, $0x0;
	_ =	swait.ge @!p5 [sflag:s4], $0x2000  }
0xc3: {  	s11 =	sshll.u32 s26, $0x2;
	p3 =	por p2, p5;
	[sflag:s4] =	ssyncset.done @!p5 $0x0  }
0xc4: {  	s5 =	sor.u32 $0x3, s11;
	[sflag:s4] =	ssyncadd.s32 @!p5 $0xFFFFE000;
	s4 =	simm.s32 @!p3 $0xF  }
0xc5: {  	p2 =	sge.u32 s5, s30;
	_ =	swait.ge @!p3 [sflag:s4], $0x800  }
0xc6: {  	s5 =	smin.u32 @!p2 s5, $0x9C;
	s10 =	simm.s32 @!p2 $0x4E200;
	[sflag:s4] =	ssyncset.done @!p3 $0x0  }
0xc7: {  	s18 =	simm.s32 @!p2 $0x5120;
	s5 =	sshll.u32 @!p2 s5, $0x8;
	[sflag:s4] =	ssyncadd.s32 @!p3 $0xFFFFF800  }
0xc8: {  	s4 =	sadd.s32 @!p2 s5, s13;
	s5 =	simm.s32 @!p2 $0x80;
	p3 =	sge.u32 s11, s6  }
0xc9: {  	[tilespmem:s18], [sflag:$0x4] =	stream.strided.gather @!p2 [hbm4b:s4+s5], $0x100, s10, s5, $0x38;
	[tilespmem:$0x1B810] =	vst v63  }
0xca: {  	s4 =	simm.s32 @!p3 $0x3  }
0xcb: {  	p4 =	sge.u32 s11, s30;
	_ =	swait.ge @!p3 [sflag:s4], $0x100  }
0xcc: {  	s5 =	simm.s32 @!p3 $0x5020;
	s10 =	simm.s32 @!p3 $0x9220;
	[sflag:s4] =	ssyncset.done @!p3 $0x0  }
.Ltmp5:
0xcd: {  	[sflag:s4] =	ssyncadd.s32 @!p3 $0xFFFFFF00;
	s4 =	simm.s32 @!p3 $0x80;
	(pc) =	sbr.rel @p4 .LBB2_44-.Ltmp5, $4  }
0xce: {  	[tilespmem:s10], [sflag:$0x7] =	stream.indirect.gather @!p3 [hbm4b:s3+s4], $0x40, s5, s4, $0xb8;
	[tilespmem:$0x1B810] =	vst v63  }
0xcf: {  	s4 =	simm.s32 @!p4 $0x0  }
0xd0: {  	s4 =	simm.s32 @p4 $0x1  }
0xd1: {  	[smem:$0x7FD] =	sst s4  }
0xd2: {  	_ =	swait.ge [sflag:s0], $0x2000  }
0xd3: {  	[sflag:s0] =	ssyncset.done $0x0  }
0xd4: {  	s4 =	simm.s32 $0x4EB0;
	[sflag:s0] =	ssyncadd.s32 $0xFFFFE000  }
0xd5: {  	v2 =	vld [tilespmem:s4+$0xFFFFFF70]  }
0xd6: {  	v3 =	vld [tilespmem:s4+$0xFFFFFFF0];
	_ =	sdelay $0x3  }
0xd7: {  	v4 =	vld [tilespmem:s4+$0x0]  }
0xd8: {  	s5 =	simm.s32 $0xF230;
	v5 =	vld [tilespmem:s4+$0xFFFFFF80]  }
0xd9: {  	[tilespmem:s5+$0xFFFFFFF0] =	vst v3  }
0xda: {  	v2 =	vld.idx.msk [tilespmem:v2+s1+$0x0], $0xffff  }
0xdb: {  	v3 =	vld.idx.msk [tilespmem:v3+s9+$0x0], $0xffff  }
0xdc: {  	s19 =	simm.s32 $0x4ED0  }
0xdd: {  	v6 =	vld [tilespmem:s19+$0xFFFFFF70]  }
0xde: {  	v7 =	vld [tilespmem:s19+$0xFFFFFFF0];
	[tilespmem:s5+$0x0] =	vst v4  }
0xdf: {  	v4 =	vld.idx.msk [tilespmem:v4+s9+$0x0], $0xffff  }
0xe0: {  	v2 =	vadd.f32 v3, v2;
	v3 =	vld.idx.msk [tilespmem:v5+s1+$0x0], $0xffff  }
0xe1: {  	v8 =	vld [tilespmem:s19+$0x0]  }
0xe2: {  	v9 =	vld [tilespmem:s19+$0xFFFFFF80];
	v5 =	vmul.f32 $2.000000030e-01, v2  }
0xe3: {  	vm0 =	vge.f32 v2, $0.0e+00  }
0xe4: {  	s23 =	simm.s32 $0xF250;
	v2 =	vsel vm0, v2, v5  }
0xe5: {  	[tilespmem:s23+$0xFFFFFFF0] =	vst v7;
	v2 =	vsub.f32 v2, v1;
	v3 =	vadd.f32 v4, v3  }
0xe6: {  	v5 =	vld.idx.msk [tilespmem:v6+s1+$0x0], $0xffff  }
0xe7: {  	v4 =	vld.idx.msk [tilespmem:v7+s9+$0x0], $0xffff;
	v2 =	vmul.f32 $1.442695020e+00, v2;
	v7 =	vmul.f32 $2.000000030e-01, v3  }
0xe8: {  	[tilespmem:s23+$0x0] =	vst v8;
	vm13 =	vge.f32 v3, $0.0e+00  }
0xe9: {  	v6 =	vld.idx.msk [tilespmem:v8+s9+$0x0], $0xffff;
	(erf) = vpow2.f32 v2;
	v2 =	vsel vm13, v3, v7  }
0xea: {  	v8 =	vld.idx.msk [tilespmem:v9+s1+$0x0], $0xffff;
	v7 =	vsub.f32 v2, v1  }
0xeb: {  	s24 =	simm.s32 $0x4EF0  }
0xec: {  	v9 =	vld [tilespmem:s24+$0xFFFFFF70];
	v5 =	vadd.f32 v4, v5;
	v4 =	vmul.f32 $1.442695020e+00, v7  }
0xed: {  	v10 =	vld [tilespmem:s24+$0xFFFFFFF0]  }
0xee: {  	v11 =	vld [tilespmem:s24+$0x0];
	(erf) = vpow2.f32 v4  }
0xef: {  	s18 =	simm.s32 $0x0;
	v14 =	vadd.f32 v6, v8;
	v6 =	vld [tilespmem:s24+$0xFFFFFF80];
	v7 =	vlaneseq.u32 @!p0  }
0xf0: {  	v12 =	vmov @!p0 s18;
	v13 =	vmul.f32 $2.000000030e-01, v5;
	v4 =	vmul.u32 @!p0 $0x10, v7  }
0xf1: {  	s4 =	simm.s32 $0x10;
	vm14 =	vge.f32 v5, $0.0e+00;
	v7 =	vshll.u32 @!p0 v12, $0x4  }
0xf2: {  	s10 =	simm.s32 $0xF270;
	v5 =	vsel vm14, v5, v13;
	v13 =	vmov @!p0 s4;
	v7 =	vor.u32 @!p0 v4, v7  }
0xf3: {  	[tilespmem:s10+$0xFFFFFFF0] =	vst v10;
	v12 =	vmul.f32 $2.000000030e-01, v14;
	v15 =	vsub.f32 v5, v1;
	v5 =	vshll.u32 @!p0 v13, $0x4  }
0xf4: {  	s5 =	simm.s32 $0x20;
	vm15 =	vge.f32 v14, $0.0e+00;
	v8 =	vld.idx.msk [tilespmem:v9+s1+$0x0], $0xffff;
	v5 =	vor.u32 @!p0 v4, v5  }
0xf5: {  	s29 =	simm.s32 $0x40;
	s31 =	simm.s32 @!p0 $0xD220;
	v3 =	vmov @!p0 s5;
	s24 =	simm.s32 $0xF430;
	[tilespmem:s10+$0x0] =	vst v11;
	v9 =	vld.idx.msk [tilespmem:v10+s9+$0x0], $0xffff;
	v13 =	vsel vm15, v14, v12;
	v10 =	vpop (erf)  }
0xf6: {  	s19 =	simm.s32 $0xF430;
	v2 =	vmov @!p0 s29;
	v11 =	vld.idx.msk [tilespmem:v11+s9+$0x0], $0xffff;
	s4 =	simm.s32 $0x4F10;
	v12 =	vmul.f32 $1.442695020e+00, v15;
	v13 =	vsub.f32 v13, v1;
	[tilespmem:s24+$0xFFFFFFF0] =	vst v10  }
.LBB2_6:
0xf7: {  	v14 =	vld.idx.msk [tilespmem:v6+s1+$0x0], $0xffff;
	[tilespmem:v7+s31+$0x0] =	vst.idx.msk @!p0 $0xffff, v10;
	s24 =	sadd.s32 $0x20, s24;
	v6 =	vpop (erf);
	s17 =	smov.u32 s29;
	s29 =	sadd.s32 $0x20, s29  }
0xf8: {  	v10 =	vld [tilespmem:s4+$0xFFFFFF70];
	v7 =	vmov @!p0 s29;
	p4 =	slt.u32 s29, $0x60;
	v13 =	vmul.f32 $1.442695020e+00, v13;
	(erf) = vpow2.f32 v12;
	[tilespmem:s19+$0x0] =	vst v6;
	s19 =	smov.u32 s24  }
0xf9: {  	v12 =	vld [tilespmem:s4+$0xFFFFFFF0];
	[tilespmem:v5+s31+$0x0] =	vst.idx.msk @!p0 $0xffff, v6  }
0xfa: {  	v15 =	vld [tilespmem:s4+$0x0];
	(erf) = vpow2.f32 v13  }
0xfb: {  	v5 =	vadd.f32 v9, v8;
	v6 =	vld [tilespmem:s4+$0xFFFFFF80];
	_ =	sdelay $0x1  }
0xfc: {  	s10 =	sadd.s32 $0x20, s10;
	s23 =	sadd.s32 $0x30, s18;
	s18 =	smov.u32 s5;
	v9 =	vshll.u32 @!p0 v3, $0x4;
	v3 =	vmovc v2;
	v2 =	vmovc v7;
	v8 =	vmul.f32 $2.000000030e-01, v5;
	v11 =	vadd.f32 v11, v14  }
.Ltmp6:
0xfd: {  	s5 =	smov.u32 s17;
	v7 =	vor.u32 @!p0 v4, v9;
	v9 =	vmov @!p0 s23;
	vm0 =	vge.f32 v5, $0.0e+00;
	[tilespmem:s10+$0xFFFFFFF0] =	vst v12;
	(pc) =	sbr.rel @p4 .LBB2_6-.Ltmp6, $4  }
0xfe: {  	v9 =	vshll.u32 @!p0 v9, $0x4;
	v5 =	vsel vm0, v5, v8;
	v13 =	vmul.f32 $2.000000030e-01, v11;
	[tilespmem:s10+$0x0] =	vst v15  }
0xff: {  	vm0 =	vge.f32 v11, $0.0e+00;
	v14 =	vsub.f32 v5, v1;
	v5 =	vor.u32 @!p0 v4, v9;
	v8 =	vld.idx.msk [tilespmem:v10+s1+$0x0], $0xffff  }
0x100: {  	v13 =	vsel vm0, v11, v13;
	v9 =	vld.idx.msk [tilespmem:v12+s9+$0x0], $0xffff;
	v10 =	vpop (erf)  }
0x101: {  	s4 =	sadd.s32 $0x20, s4;
	v12 =	vmul.f32 $1.442695020e+00, v14;
	v13 =	vsub.f32 v13, v1;
	v11 =	vld.idx.msk [tilespmem:v15+s9+$0x0], $0xffff;
	[tilespmem:s24+$0xFFFFFFF0] =	vst v10  }
0x102: {  	_ =	sdelay $0x3  }
0x103: {  	v4 =	vld.idx.msk [tilespmem:v6+s1+$0x0], $0xffff;
	_ =	sdelay $0x2  }
0x104: {  	v6 =	vadd.f32 v9, v8;
	_ =	sdelay $0x1  }
0x105: {  	v8 =	vmul.f32 $2.000000030e-01, v6;
	v4 =	vadd.f32 v11, v4  }
0x106: {  	vm0 =	vge.f32 v6, $0.0e+00  }
0x107: {  	v6 =	vsel vm0, v6, v8;
	v8 =	vmul.f32 $2.000000030e-01, v4  }
0x108: {  	(erf) = vpow2.f32 v12;
	vm15 =	vge.f32 v4, $0.0e+00  }
0x109: {  	v9 =	vmul.f32 $1.442695020e+00, v13;
	v6 =	vsub.f32 v6, v1;
	v4 =	vsel vm15, v4, v8  }
0x10a: {  	v4 =	vsub.f32 v4, v1  }
0x10b: {  	(erf) = vpow2.f32 v9;
	v6 =	vmul.f32 $1.442695020e+00, v6  }
0x10c: {  	v8 =	vlaneseq.u32 @!p0;
	v4 =	vmul.f32 $1.442695020e+00, v4  }
0x10d: {  	v8 =	vmul.u32 @!p0 $0x10, v8;
	(erf) = vpow2.f32 v6  }
0x10e: {  	v3 =	vshll.u32 @!p0 v3, $0x4;
	s4 =	sadd.s32 $0x30, s18  }
0x10f: {  	v3 =	vor.u32 @!p0 v8, v3;
	v6 =	vmov @!p0 s4;
	(erf) = vpow2.f32 v4  }
0x110: {  	[tilespmem:v7+s31+$0x0] =	vst.idx.msk @!p0 $0xffff, v10;
	v6 =	vshll.u32 @!p0 v6, $0x4;
	v4 =	vpop (erf)  }
0x111: {  	v6 =	vor.u32 @!p0 v8, v6;
	[tilespmem:s19+$0x0] =	vst v4  }
0x112: {  	s24 =	sadd.s32 $0x20, s24;
	v2 =	vshll.u32 @!p0 v2, $0x4;
	s5 =	sadd.s32 $0x30, s5;
	v7 =	vpop (erf);
	[tilespmem:v5+s31+$0x0] =	vst.idx.msk @!p0 $0xffff, v4  }
0x113: {  	s10 =	simm.s32 @!p0 $0xD220;
	v2 =	vor.u32 @!p0 v8, v2;
	[tilespmem:s24+$0xFFFFFFF0] =	vst v7;
	v4 =	vmov @!p0 s5  }
0x114: {  	v5 =	vpop (erf);
	[tilespmem:v3+s10+$0x0] =	vst.idx.msk @!p0 $0xffff, v7;
	v3 =	vshll.u32 @!p0 v4, $0x4  }
0x115: {  	[tilespmem:s24+$0x0] =	vst v5;
	v3 =	vor.u32 @!p0 v8, v3  }
0x116: {  	s4 =	sadd.s32 $0x20, s24;
	[tilespmem:v6+s10+$0x0] =	vst.idx.msk @!p0 $0xffff, v5;
	v4 =	vpop (erf)  }
0x117: {  	[tilespmem:s4+$0xFFFFFFF0] =	vst v4  }
0x118: {  	[tilespmem:v2+s10+$0x0] =	vst.idx.msk @!p0 $0xffff, v4;
	v2 =	vpop (erf)  }
0x119: {  	[tilespmem:s4+$0x0] =	vst v2  }
0x11a: {  	s31 =	simm.s32 $0xF424;
	[tilespmem:v3+s10+$0x0] =	vst.idx.msk @!p0 $0xffff, v2  }
0x11b: {  	s18 =	simm.s32 $0x5320;
	v2 =	vld.msk [tilespmem:s31+$0x3 ss:$0x0], $0xffff  }
0x11c: {  	v5 =	vld [tilespmem:s18+$0xF0]  }
0x11d: {  	v3 =	vld.msk [tilespmem:s31+$0xFFFFFFFC ss:$0x0], $0xffff  }
0x11e: {  	v6 =	vld.msk [tilespmem:s31+$0xFFFFFFFD ss:$0x0], $0xffff  }
0x11f: {  	v7 =	vld.msk [tilespmem:s31+$0xFFFFFFFE ss:$0x0], $0xffff  }
0x120: {  	v8 =	vld.msk [tilespmem:s31+$0xFFFFFFFF ss:$0x0], $0xffff  }
0x121: {  	v9 =	vld.msk [tilespmem:s31+$0x0 ss:$0x0], $0xffff  }
0x122: {  	v10 =	vld.msk [tilespmem:s31+$0x1 ss:$0x0], $0xffff  }
0x123: {  	v4 =	vld.msk [tilespmem:s31+$0x2 ss:$0x0], $0xffff  }
0x124: {  	v11 =	vld [tilespmem:s18+$0xFFFFFF10]  }
0x125: {  	v49 =	vld [tilespmem:s18+$0xFFFFFF20]  }
0x126: {  	v50 =	vld [tilespmem:s18+$0xFFFFFF30]  }
0x127: {  	v14 =	vld [tilespmem:s18+$0xFFFFFF40]  }
0x128: {  	v15 =	vld [tilespmem:s18+$0xFFFFFF50];
	v5 =	vmul.f32 v5, v2  }
0x129: {  	v16 =	vld [tilespmem:s18+$0xFFFFFF60];
	v11 =	vmul.f32 v11, v3  }
0x12a: {  	v51 =	vld [tilespmem:s18+$0xFFFFFF70];
	[tilespmem:s18+$0xF0] =	vst v5;
	v5 =	vmul.f32 v49, v3  }
0x12b: {  	v52 =	vld [tilespmem:s18+$0xFFFFFF80];
	[tilespmem:s18+$0xFFFFFF10] =	vst v11;
	v11 =	vmul.f32 v50, v3  }
0x12c: {  	v53 =	vld [tilespmem:s18+$0xFFFFFF90];
	[tilespmem:s18+$0xFFFFFF20] =	vst v5;
	v5 =	vmul.f32 v6, v14  }
0x12d: {  	v54 =	vld [tilespmem:s18+$0xFFFFFFA0];
	[tilespmem:s18+$0xFFFFFF30] =	vst v11;
	v11 =	vmul.f32 v15, v6  }
0x12e: {  	v55 =	vld [tilespmem:s18+$0xFFFFFFB0];
	[tilespmem:s18+$0xFFFFFF40] =	vst v5;
	v5 =	vmul.f32 v16, v6  }
0x12f: {  	[tilespmem:s18+$0xFFFFFF50] =	vst v11;
	v6 =	vmul.f32 v51, v6;
	v11 =	vld [tilespmem:s18+$0xFFFFFFC0]  }
0x130: {  	v56 =	vld [tilespmem:s18+$0xFFFFFFD0];
	[tilespmem:s18+$0xFFFFFF60] =	vst v5;
	v5 =	vmul.f32 v7, v52  }
0x131: {  	v57 =	vld [tilespmem:s18+$0xFFFFFFE0];
	[tilespmem:s18+$0xFFFFFF70] =	vst v6;
	v6 =	vmul.f32 v53, v7  }
0x132: {  	v58 =	vld [tilespmem:s18+$0xFFFFFFF0];
	[tilespmem:s18+$0xFFFFFF80] =	vst v5;
	v5 =	vmul.f32 v54, v7  }
0x133: {  	[tilespmem:s18+$0xFFFFFF90] =	vst v6;
	v6 =	vmul.f32 v55, v7;
	v7 =	vld [tilespmem:s18+$0x0]  }
0x134: {  	[tilespmem:s18+$0xFFFFFFA0] =	vst v5;
	v5 =	vmul.f32 v8, v11;
	v11 =	vld [tilespmem:s18+$0x10]  }
0x135: {  	v59 =	vld [tilespmem:s18+$0x20];
	[tilespmem:s18+$0xFFFFFFB0] =	vst v6;
	v6 =	vmul.f32 v56, v8  }
0x136: {  	v60 =	vld [tilespmem:s18+$0x30];
	[tilespmem:s18+$0xFFFFFFC0] =	vst v5;
	v5 =	vmul.f32 v57, v8  }
0x137: {  	[tilespmem:s18+$0xFFFFFFD0] =	vst v6;
	v6 =	vmul.f32 v58, v8;
	v8 =	vld [tilespmem:s18+$0x40]  }
0x138: {  	[tilespmem:s18+$0xFFFFFFE0] =	vst v5;
	v5 =	vmul.f32 v9, v7;
	v7 =	vld [tilespmem:s18+$0x50]  }
0x139: {  	[tilespmem:s18+$0xFFFFFFF0] =	vst v6;
	v6 =	vmul.f32 v11, v9;
	v11 =	vld [tilespmem:s18+$0x60]  }
0x13a: {  	v61 =	vld [tilespmem:s18+$0x70];
	[tilespmem:s18+$0x0] =	vst v5;
	v5 =	vmul.f32 v59, v9  }
0x13b: {  	[tilespmem:s18+$0x10] =	vst v6;
	v6 =	vmul.f32 v60, v9;
	v9 =	vld [tilespmem:s18+$0x80]  }
0x13c: {  	v62 =	vld [tilespmem:s18+$0x90];
	[tilespmem:s18+$0x20] =	vst v5;
	v5 =	vmul.f32 v10, v8  }
0x13d: {  	v63 =	vld [tilespmem:s18+$0xA0];
	[tilespmem:s18+$0x30] =	vst v6;
	v7 =	vmul.f32 v7, v10  }
0x13e: {  	v6 =	vld [tilespmem:s18+$0xB0];
	[tilespmem:s18+$0x40] =	vst v5;
	v8 =	vmul.f32 v11, v10  }
0x13f: {  	v10 =	vmul.f32 v61, v10;
	v5 =	vld [tilespmem:s18+$0xC0];
	[tilespmem:s18+$0x50] =	vst v7  }
0x140: {  	v7 =	vld [tilespmem:s18+$0xD0];
	[tilespmem:s18+$0x60] =	vst v8;
	v11 =	vmul.f32 v4, v9  }
0x141: {  	[tilespmem:s18+$0x70] =	vst v10;
	v8 =	vld [tilespmem:s18+$0xE0];
	v10 =	vmul.f32 v62, v4  }
0x142: {  	s29 =	simm.s32 $0x5320;
	s5 =	simm.s32 $0x0;
	s24 =	simm.s32 $0xF42C;
	v9 =	vld [tilespmem:s18+$0xFFFFFF00];
	[tilespmem:s18+$0x80] =	vst v11;
	v11 =	vmul.f32 v63, v4  }
.LBB2_8:
0x143: {  	v12 =	vld.msk [tilespmem:s24+$0x3 ss:$0x0], $0xffff;
	s5 =	sadd.s32 $0x8, s5;
	[tilespmem:s18+$0x90] =	vst v10;
	v4 =	vmul.f32 v6, v4;
	s29 =	sadd.s32 $0x200, s29  }
0x144: {  	v6 =	vld [tilespmem:s29+$0xF0];
	p6 =	slt.u32 s5, $0x78;
	[tilespmem:s18+$0xA0] =	vst v11;
	v5 =	vmul.f32 v2, v5  }
0x145: {  	v10 =	vld.msk [tilespmem:s24+$0xFFFFFFFC ss:$0x0], $0xffff;
	[tilespmem:s18+$0xB0] =	vst v4;
	v4 =	vmul.f32 v7, v2  }
0x146: {  	v7 =	vld.msk [tilespmem:s24+$0xFFFFFFFD ss:$0x0], $0xffff;
	[tilespmem:s18+$0xC0] =	vst v5;
	v11 =	vmul.f32 v8, v2  }
0x147: {  	v5 =	vld.msk [tilespmem:s24+$0xFFFFFFFE ss:$0x0], $0xffff;
	v3 =	vmul.f32 v3, v9;
	[tilespmem:s18+$0xD0] =	vst v4  }
0x148: {  	v8 =	vld.msk [tilespmem:s24+$0xFFFFFFFF ss:$0x0], $0xffff;
	[tilespmem:s18+$0xE0] =	vst v11  }
0x149: {  	v2 =	vmov v12;
	v9 =	vld.msk [tilespmem:s24+$0x0 ss:$0x0], $0xffff;
	v6 =	vmul.f32 v6, v12;
	[tilespmem:s18+$0xFFFFFF00] =	vst v3;
	s18 =	smov.u32 s29  }
0x14a: {  	v11 =	vld.msk [tilespmem:s24+$0x1 ss:$0x0], $0xffff  }
0x14b: {  	v4 =	vld.msk [tilespmem:s24+$0x2 ss:$0x0], $0xffff;
	[tilespmem:s29+$0xF0] =	vst v6;
	v3 =	vmov v10  }
0x14c: {  	v6 =	vld [tilespmem:s29+$0xFFFFFF10]  }
0x14d: {  	v10 =	vld [tilespmem:s29+$0xFFFFFF20]  }
0x14e: {  	v12 =	vld [tilespmem:s29+$0xFFFFFF30]  }
0x14f: {  	v13 =	vld [tilespmem:s29+$0xFFFFFF40]  }
0x150: {  	v14 =	vld [tilespmem:s29+$0xFFFFFF50]  }
0x151: {  	v6 =	vmul.f32 v6, v3;
	v15 =	vld [tilespmem:s29+$0xFFFFFF60]  }
0x152: {  	v10 =	vmul.f32 v10, v3;
	v16 =	vld [tilespmem:s29+$0xFFFFFF70]  }
0x153: {  	[tilespmem:s29+$0xFFFFFF10] =	vst v6;
	v6 =	vmul.f32 v12, v3;
	v12 =	vld [tilespmem:s29+$0xFFFFFF80]  }
0x154: {  	[tilespmem:s29+$0xFFFFFF20] =	vst v10;
	v10 =	vmul.f32 v7, v13;
	v13 =	vld [tilespmem:s29+$0xFFFFFF90]  }
0x155: {  	[tilespmem:s29+$0xFFFFFF30] =	vst v6;
	v6 =	vmul.f32 v14, v7;
	v14 =	vld [tilespmem:s29+$0xFFFFFFA0]  }
0x156: {  	[tilespmem:s29+$0xFFFFFF40] =	vst v10;
	v10 =	vmul.f32 v15, v7;
	v15 =	vld [tilespmem:s29+$0xFFFFFFB0]  }
0x157: {  	[tilespmem:s29+$0xFFFFFF50] =	vst v6;
	v6 =	vmul.f32 v16, v7;
	v7 =	vld [tilespmem:s29+$0xFFFFFFC0]  }
0x158: {  	[tilespmem:s29+$0xFFFFFF60] =	vst v10;
	v10 =	vmul.f32 v5, v12;
	v12 =	vld [tilespmem:s29+$0xFFFFFFD0]  }
0x159: {  	[tilespmem:s29+$0xFFFFFF70] =	vst v6;
	v6 =	vmul.f32 v13, v5;
	v13 =	vld [tilespmem:s29+$0xFFFFFFE0]  }
0x15a: {  	[tilespmem:s29+$0xFFFFFF80] =	vst v10;
	v10 =	vmul.f32 v14, v5;
	v14 =	vld [tilespmem:s29+$0xFFFFFFF0]  }
0x15b: {  	[tilespmem:s29+$0xFFFFFF90] =	vst v6;
	v5 =	vmul.f32 v15, v5;
	v6 =	vld [tilespmem:s29+$0x0]  }
0x15c: {  	[tilespmem:s29+$0xFFFFFFA0] =	vst v10;
	v7 =	vmul.f32 v8, v7;
	v10 =	vld [tilespmem:s29+$0x10]  }
0x15d: {  	[tilespmem:s29+$0xFFFFFFB0] =	vst v5;
	v5 =	vmul.f32 v12, v8;
	v12 =	vld [tilespmem:s29+$0x20]  }
0x15e: {  	[tilespmem:s29+$0xFFFFFFC0] =	vst v7;
	v7 =	vmul.f32 v13, v8;
	v13 =	vld [tilespmem:s29+$0x30]  }
0x15f: {  	[tilespmem:s29+$0xFFFFFFD0] =	vst v5;
	v5 =	vmul.f32 v14, v8;
	v8 =	vld [tilespmem:s29+$0x40]  }
0x160: {  	[tilespmem:s29+$0xFFFFFFE0] =	vst v7;
	v6 =	vmul.f32 v9, v6;
	v7 =	vld [tilespmem:s29+$0x50]  }
0x161: {  	[tilespmem:s29+$0xFFFFFFF0] =	vst v5;
	v5 =	vmul.f32 v10, v9;
	v10 =	vld [tilespmem:s29+$0x60]  }
0x162: {  	[tilespmem:s29+$0x0] =	vst v6;
	v6 =	vmul.f32 v12, v9;
	v12 =	vld [tilespmem:s29+$0x70]  }
0x163: {  	[tilespmem:s29+$0x10] =	vst v5;
	v5 =	vmul.f32 v13, v9;
	v9 =	vld [tilespmem:s29+$0x80]  }
0x164: {  	[tilespmem:s29+$0x20] =	vst v6;
	v6 =	vmul.f32 v11, v8;
	v8 =	vld [tilespmem:s29+$0x90]  }
0x165: {  	[tilespmem:s29+$0x30] =	vst v5;
	v5 =	vmul.f32 v7, v11;
	v13 =	vld [tilespmem:s29+$0xA0]  }
.Ltmp7:
0x166: {  	[tilespmem:s29+$0x40] =	vst v6;
	v7 =	vmul.f32 v10, v11;
	v6 =	vld [tilespmem:s29+$0xB0];
	(pc) =	sbr.rel @p6 .LBB2_8-.Ltmp7, $4  }
0x167: {  	[tilespmem:s29+$0x50] =	vst v5;
	v10 =	vmul.f32 v12, v11;
	v5 =	vld [tilespmem:s29+$0xC0]  }
0x168: {  	[tilespmem:s29+$0x60] =	vst v7;
	v11 =	vmul.f32 v4, v9;
	v7 =	vld [tilespmem:s29+$0xD0]  }
0x169: {  	[tilespmem:s29+$0x70] =	vst v10;
	v10 =	vmul.f32 v8, v4;
	v8 =	vld [tilespmem:s29+$0xE0]  }
0x16a: {  	s24 =	sadd.s32 $0x8, s24;
	v9 =	vld [tilespmem:s29+$0xFFFFFF00];
	[tilespmem:s29+$0x80] =	vst v11;
	v11 =	vmul.f32 v13, v4  }
0x16b: {  	[tilespmem:s18+$0x90] =	vst v10;
	v4 =	vmul.f32 v6, v4  }
0x16c: {  	[tilespmem:s18+$0xA0] =	vst v11;
	v5 =	vmul.f32 v2, v5  }
0x16d: {  	[tilespmem:s18+$0xB0] =	vst v4;
	v63 =	vmul.f32 v7, v2  }
.Ltmp8:
0x16e: {  	[tilespmem:s18+$0xC0] =	vst v5;
	v2 =	vmul.f32 v8, v2;
	(pc) =	sbr.rel @!p1 .LBB2_11-.Ltmp8, $4  }
0x16f: {  	v3 =	vmul.f32 v3, v9;
	[tilespmem:s18+$0xD0] =	vst v63  }
0x170: {  	[tilespmem:s18+$0xE0] =	vst v2  }
0x171: {  	s4 =	simm.s32 $0x5220;
	s5 =	simm.s32 $0xF220;
	[tilespmem:s18+$0xFFFFFF00] =	vst v3  }
0x172: {  	[spmem:s12] =	stream.indirect.scatter.add.f32 [tilespmem:s4], [sflag:$0x9], $0x40, s5, s15, $0xb8;
	[tilespmem:$0x1B810] =	vst v63  }
0x173: {  	s4 =	simm.s32 $0xD220  }
0x174: {  	[spmem:s14] =	stream.indirect.scatter.add.f32 [tilespmem:s4], [sflag:$0xD], $0x10, s5, s15, $0xb8;
	[tilespmem:$0x1B810] =	vst v63  }
.Ltmp9:
0x175: {  	_ = 	snop;
	(pc) =	sbr.rel .LBB2_14-.Ltmp9, $4  }
0x176: {  	s4 =	simm.s32 @!p5 $0xC  }
0x177: {  	_ =	swait.ge @!p5 [sflag:s4], $0x2000  }
0x178: {  	[sflag:s4] =	ssyncset.done @!p5 $0x0  }
0x179: {  	[sflag:s4] =	ssyncadd.s32 @!p5 $0xFFFFE000  }
.LBB2_44:
0x17a: {  	p4 =	seq.s32 @!p5 s2, $0x0  }
0x17b: {  	p4 =	por p5, p4  }
.Ltmp10:
0x17c: {  	_ = 	snop;
	(pc) =	sbr.rel @p4 .LBB2_14-.Ltmp10, $4  }
.Ltmp11:
0x17d: {  	s4 =	simm.s32 @!p5 $0xC;
	(pc) =	sbr.rel @!p4 .LBB2_13-.Ltmp11, $4  }
0x17e: {  	_ =	swait.ge @!p5 [sflag:s4], $0x2000  }
0x17f: {  	[sflag:s4] =	ssyncset.done @!p5 $0x0  }
0x180: {  	[sflag:s4] =	ssyncadd.s32 @!p5 $0xFFFFE000  }
0x181: {  	_ = 	snop  }
.LBB2_11:
.Ltmp12:
0x182: {  	(pc) =	sbr.rel @p5 .LBB2_14-.Ltmp12, $1  }
0x183: {  	_ =	sdelay $0x3  }
0x184: {  	s4 =	simm.s32 $0xC  }
0x185: {  	_ =	swait.ge [sflag:s4], $0x2000  }
0x186: {  	[sflag:s4] =	ssyncset.done $0x0  }
0x187: {  	[sflag:s4] =	ssyncadd.s32 $0xFFFFE000  }
.LBB2_13:
0x188: {  	_ =	swait.ge [sflag:s25], $0x800  }
0x189: {  	[sflag:s25] =	ssyncset.done $0x0  }
0x18a: {  	[sflag:s25] =	ssyncadd.s32 $0xFFFFF800  }
.LBB2_14:
0x18b: {  	s4 =	sadd.s32 $0x4, s11  }
0x18c: {  	p6 =	sge.u32 s4, s30  }
0x18d: {  	s4 =	smin.u32 @!p6 s4, $0x9C  }
0x18e: {  	s5 =	simm.s32 @!p6 $0x80;
	s4 =	sshll.u32 @!p6 s4, $0x8  }
0x18f: {  	s10 =	simm.s32 @!p6 $0x4E200;
	s17 =	simm.s32 @!p6 $0x4E20;
	s4 =	sadd.s32 @!p6 s4, s13  }
0x190: {  	[tilespmem:s17], [sflag:$0x1] =	stream.strided.gather @!p6 [hbm4b:s4+s5], $0x100, s10, s5, $0x38;
	[tilespmem:$0x1B810] =	vst v63  }
0x191: {  	s4 =	simm.s32 @!p2 $0x4  }
0x192: {  	p4 =	sge.u32 s11, s7;
	_ =	swait.ge @!p2 [sflag:s4], $0x100  }
0x193: {  	s5 =	simm.s32 @!p2 $0x5120;
	s10 =	simm.s32 @!p2 $0xB220;
	[sflag:s4] =	ssyncset.done @!p2 $0x0  }
.Ltmp13:
0x194: {  	[sflag:s4] =	ssyncadd.s32 @!p2 $0xFFFFFF00;
	s4 =	simm.s32 @!p2 $0x80;
	(pc) =	sbr.rel @p4 .LBB2_23-.Ltmp13, $4  }
0x195: {  	[tilespmem:s10], [sflag:$0x8] =	stream.indirect.gather @!p2 [hbm4b:s3+s4], $0x40, s5, s4, $0xb8;
	[tilespmem:$0x1B810] =	vst v63  }
0x196: {  	s4 =	simm.s32 @!p4 $0x0  }
0x197: {  	s4 =	simm.s32 @p4 $0x1  }
0x198: {  	[smem:$0x7FC] =	sst s4  }
0x199: {  	_ =	swait.ge [sflag:s16], $0x2000  }
0x19a: {  	[sflag:s16] =	ssyncset.done $0x0  }
0x19b: {  	s4 =	simm.s32 $0x4FB0;
	[sflag:s16] =	ssyncadd.s32 $0xFFFFE000  }
0x19c: {  	v2 =	vld [tilespmem:s4+$0xFFFFFF70]  }
0x19d: {  	v3 =	vld [tilespmem:s4+$0xFFFFFFF0];
	_ =	sdelay $0x3  }
0x19e: {  	v4 =	vld [tilespmem:s4+$0x0]  }
0x19f: {  	s5 =	simm.s32 $0xF2B0;
	v5 =	vld [tilespmem:s4+$0xFFFFFF80]  }
0x1a0: {  	[tilespmem:s5+$0xFFFFFFF0] =	vst v3  }
0x1a1: {  	v2 =	vld.idx.msk [tilespmem:v2+s1+$0x0], $0xffff  }
0x1a2: {  	v3 =	vld.idx.msk [tilespmem:v3+s9+$0x0], $0xffff  }
0x1a3: {  	s19 =	simm.s32 $0x4FD0  }
0x1a4: {  	v6 =	vld [tilespmem:s19+$0xFFFFFF70]  }
0x1a5: {  	v7 =	vld [tilespmem:s19+$0xFFFFFFF0];
	[tilespmem:s5+$0x0] =	vst v4  }
0x1a6: {  	v4 =	vld.idx.msk [tilespmem:v4+s9+$0x0], $0xffff  }
0x1a7: {  	v2 =	vadd.f32 v3, v2;
	v3 =	vld.idx.msk [tilespmem:v5+s1+$0x0], $0xffff  }
0x1a8: {  	v8 =	vld [tilespmem:s19+$0x0]  }
0x1a9: {  	v9 =	vld [tilespmem:s19+$0xFFFFFF80];
	v5 =	vmul.f32 $2.000000030e-01, v2  }
0x1aa: {  	vm0 =	vge.f32 v2, $0.0e+00  }
0x1ab: {  	s23 =	simm.s32 $0xF2D0;
	v2 =	vsel vm0, v2, v5  }
0x1ac: {  	[tilespmem:s23+$0xFFFFFFF0] =	vst v7;
	v2 =	vsub.f32 v2, v1;
	v3 =	vadd.f32 v4, v3  }
0x1ad: {  	v5 =	vld.idx.msk [tilespmem:v6+s1+$0x0], $0xffff  }
0x1ae: {  	v4 =	vld.idx.msk [tilespmem:v7+s9+$0x0], $0xffff;
	v2 =	vmul.f32 $1.442695020e+00, v2;
	v7 =	vmul.f32 $2.000000030e-01, v3  }
0x1af: {  	[tilespmem:s23+$0x0] =	vst v8;
	vm13 =	vge.f32 v3, $0.0e+00  }
0x1b0: {  	v6 =	vld.idx.msk [tilespmem:v8+s9+$0x0], $0xffff;
	(erf) = vpow2.f32 v2;
	v2 =	vsel vm13, v3, v7  }
0x1b1: {  	v8 =	vld.idx.msk [tilespmem:v9+s1+$0x0], $0xffff;
	v7 =	vsub.f32 v2, v1  }
0x1b2: {  	s24 =	simm.s32 $0x4FF0  }
0x1b3: {  	v9 =	vld [tilespmem:s24+$0xFFFFFF70];
	v5 =	vadd.f32 v4, v5;
	v4 =	vmul.f32 $1.442695020e+00, v7  }
0x1b4: {  	v10 =	vld [tilespmem:s24+$0xFFFFFFF0]  }
0x1b5: {  	v11 =	vld [tilespmem:s24+$0x0];
	(erf) = vpow2.f32 v4  }
0x1b6: {  	s18 =	simm.s32 $0x0;
	v14 =	vadd.f32 v6, v8;
	v6 =	vld [tilespmem:s24+$0xFFFFFF80];
	v7 =	vlaneseq.u32 @!p1  }
0x1b7: {  	v12 =	vmov @!p1 s18;
	v13 =	vmul.f32 $2.000000030e-01, v5;
	v4 =	vmul.u32 @!p1 $0x10, v7  }
0x1b8: {  	s4 =	simm.s32 $0x10;
	vm14 =	vge.f32 v5, $0.0e+00;
	v7 =	vshll.u32 @!p1 v12, $0x4  }
0x1b9: {  	s10 =	simm.s32 $0xF2F0;
	v5 =	vsel vm14, v5, v13;
	v13 =	vmov @!p1 s4;
	v7 =	vor.u32 @!p1 v4, v7  }
0x1ba: {  	[tilespmem:s10+$0xFFFFFFF0] =	vst v10;
	v12 =	vmul.f32 $2.000000030e-01, v14;
	v15 =	vsub.f32 v5, v1;
	v5 =	vshll.u32 @!p1 v13, $0x4  }
0x1bb: {  	s5 =	simm.s32 $0x20;
	vm15 =	vge.f32 v14, $0.0e+00;
	v8 =	vld.idx.msk [tilespmem:v9+s1+$0x0], $0xffff;
	v5 =	vor.u32 @!p1 v4, v5  }
0x1bc: {  	s29 =	simm.s32 $0x40;
	s31 =	simm.s32 @!p1 $0xDA20;
	v3 =	vmov @!p1 s5;
	s24 =	simm.s32 $0xF430;
	[tilespmem:s10+$0x0] =	vst v11;
	v9 =	vld.idx.msk [tilespmem:v10+s9+$0x0], $0xffff;
	v13 =	vsel vm15, v14, v12;
	v10 =	vpop (erf)  }
0x1bd: {  	s19 =	simm.s32 $0xF430;
	v2 =	vmov @!p1 s29;
	v11 =	vld.idx.msk [tilespmem:v11+s9+$0x0], $0xffff;
	s4 =	simm.s32 $0x5010;
	v12 =	vmul.f32 $1.442695020e+00, v15;
	v13 =	vsub.f32 v13, v1;
	[tilespmem:s24+$0xFFFFFFF0] =	vst v10  }
.LBB2_16:
0x1be: {  	v14 =	vld.idx.msk [tilespmem:v6+s1+$0x0], $0xffff;
	[tilespmem:v7+s31+$0x0] =	vst.idx.msk @!p1 $0xffff, v10;
	s24 =	sadd.s32 $0x20, s24;
	v6 =	vpop (erf);
	s17 =	smov.u32 s29;
	s29 =	sadd.s32 $0x20, s29  }
0x1bf: {  	v10 =	vld [tilespmem:s4+$0xFFFFFF70];
	v7 =	vmov @!p1 s29;
	p4 =	slt.u32 s29, $0x60;
	v13 =	vmul.f32 $1.442695020e+00, v13;
	(erf) = vpow2.f32 v12;
	[tilespmem:s19+$0x0] =	vst v6;
	s19 =	smov.u32 s24  }
0x1c0: {  	v12 =	vld [tilespmem:s4+$0xFFFFFFF0];
	[tilespmem:v5+s31+$0x0] =	vst.idx.msk @!p1 $0xffff, v6  }
0x1c1: {  	v15 =	vld [tilespmem:s4+$0x0];
	(erf) = vpow2.f32 v13  }
0x1c2: {  	v5 =	vadd.f32 v9, v8;
	v6 =	vld [tilespmem:s4+$0xFFFFFF80];
	_ =	sdelay $0x1  }
0x1c3: {  	s10 =	sadd.s32 $0x20, s10;
	s23 =	sadd.s32 $0x30, s18;
	s18 =	smov.u32 s5;
	v9 =	vshll.u32 @!p1 v3, $0x4;
	v3 =	vmovc v2;
	v2 =	vmovc v7;
	v8 =	vmul.f32 $2.000000030e-01, v5;
	v11 =	vadd.f32 v11, v14  }
.Ltmp14:
0x1c4: {  	s5 =	smov.u32 s17;
	v7 =	vor.u32 @!p1 v4, v9;
	v9 =	vmov @!p1 s23;
	vm0 =	vge.f32 v5, $0.0e+00;
	[tilespmem:s10+$0xFFFFFFF0] =	vst v12;
	(pc) =	sbr.rel @p4 .LBB2_16-.Ltmp14, $4  }
0x1c5: {  	v9 =	vshll.u32 @!p1 v9, $0x4;
	v5 =	vsel vm0, v5, v8;
	v13 =	vmul.f32 $2.000000030e-01, v11;
	[tilespmem:s10+$0x0] =	vst v15  }
0x1c6: {  	vm0 =	vge.f32 v11, $0.0e+00;
	v14 =	vsub.f32 v5, v1;
	v5 =	vor.u32 @!p1 v4, v9;
	v8 =	vld.idx.msk [tilespmem:v10+s1+$0x0], $0xffff  }
0x1c7: {  	v13 =	vsel vm0, v11, v13;
	v9 =	vld.idx.msk [tilespmem:v12+s9+$0x0], $0xffff;
	v10 =	vpop (erf)  }
0x1c8: {  	s4 =	sadd.s32 $0x20, s4;
	v12 =	vmul.f32 $1.442695020e+00, v14;
	v13 =	vsub.f32 v13, v1;
	v11 =	vld.idx.msk [tilespmem:v15+s9+$0x0], $0xffff;
	[tilespmem:s24+$0xFFFFFFF0] =	vst v10  }
0x1c9: {  	_ =	sdelay $0x3  }
0x1ca: {  	v4 =	vld.idx.msk [tilespmem:v6+s1+$0x0], $0xffff;
	_ =	sdelay $0x2  }
0x1cb: {  	v6 =	vadd.f32 v9, v8;
	_ =	sdelay $0x1  }
0x1cc: {  	v8 =	vmul.f32 $2.000000030e-01, v6;
	v4 =	vadd.f32 v11, v4  }
0x1cd: {  	vm0 =	vge.f32 v6, $0.0e+00  }
0x1ce: {  	v6 =	vsel vm0, v6, v8;
	v8 =	vmul.f32 $2.000000030e-01, v4  }
0x1cf: {  	(erf) = vpow2.f32 v12;
	vm15 =	vge.f32 v4, $0.0e+00  }
0x1d0: {  	v9 =	vmul.f32 $1.442695020e+00, v13;
	v6 =	vsub.f32 v6, v1;
	v4 =	vsel vm15, v4, v8  }
0x1d1: {  	v4 =	vsub.f32 v4, v1  }
0x1d2: {  	(erf) = vpow2.f32 v9;
	v6 =	vmul.f32 $1.442695020e+00, v6  }
0x1d3: {  	v8 =	vlaneseq.u32 @!p1;
	v4 =	vmul.f32 $1.442695020e+00, v4  }
0x1d4: {  	v8 =	vmul.u32 @!p1 $0x10, v8;
	(erf) = vpow2.f32 v6  }
0x1d5: {  	v3 =	vshll.u32 @!p1 v3, $0x4;
	s4 =	sadd.s32 $0x30, s18  }
0x1d6: {  	v3 =	vor.u32 @!p1 v8, v3;
	v6 =	vmov @!p1 s4;
	(erf) = vpow2.f32 v4  }
0x1d7: {  	[tilespmem:v7+s31+$0x0] =	vst.idx.msk @!p1 $0xffff, v10;
	v6 =	vshll.u32 @!p1 v6, $0x4;
	v4 =	vpop (erf)  }
0x1d8: {  	v6 =	vor.u32 @!p1 v8, v6;
	[tilespmem:s19+$0x0] =	vst v4  }
0x1d9: {  	s24 =	sadd.s32 $0x20, s24;
	v2 =	vshll.u32 @!p1 v2, $0x4;
	s5 =	sadd.s32 $0x30, s5;
	v7 =	vpop (erf);
	[tilespmem:v5+s31+$0x0] =	vst.idx.msk @!p1 $0xffff, v4  }
0x1da: {  	s10 =	simm.s32 @!p1 $0xDA20;
	v2 =	vor.u32 @!p1 v8, v2;
	[tilespmem:s24+$0xFFFFFFF0] =	vst v7;
	v4 =	vmov @!p1 s5  }
0x1db: {  	v5 =	vpop (erf);
	[tilespmem:v3+s10+$0x0] =	vst.idx.msk @!p1 $0xffff, v7;
	v3 =	vshll.u32 @!p1 v4, $0x4  }
0x1dc: {  	[tilespmem:s24+$0x0] =	vst v5;
	v3 =	vor.u32 @!p1 v8, v3  }
0x1dd: {  	s4 =	sadd.s32 $0x20, s24;
	[tilespmem:v6+s10+$0x0] =	vst.idx.msk @!p1 $0xffff, v5;
	v4 =	vpop (erf)  }
0x1de: {  	[tilespmem:s4+$0xFFFFFFF0] =	vst v4  }
0x1df: {  	[tilespmem:v2+s10+$0x0] =	vst.idx.msk @!p1 $0xffff, v4;
	v2 =	vpop (erf)  }
0x1e0: {  	[tilespmem:s4+$0x0] =	vst v2  }
0x1e1: {  	s31 =	simm.s32 $0xF424;
	[tilespmem:v3+s10+$0x0] =	vst.idx.msk @!p1 $0xffff, v2  }
0x1e2: {  	s18 =	simm.s32 $0x7320;
	v2 =	vld.msk [tilespmem:s31+$0x3 ss:$0x0], $0xffff  }
0x1e3: {  	v5 =	vld [tilespmem:s18+$0xF0]  }
0x1e4: {  	v3 =	vld.msk [tilespmem:s31+$0xFFFFFFFC ss:$0x0], $0xffff  }
0x1e5: {  	v6 =	vld.msk [tilespmem:s31+$0xFFFFFFFD ss:$0x0], $0xffff  }
0x1e6: {  	v7 =	vld.msk [tilespmem:s31+$0xFFFFFFFE ss:$0x0], $0xffff  }
0x1e7: {  	v8 =	vld.msk [tilespmem:s31+$0xFFFFFFFF ss:$0x0], $0xffff  }
0x1e8: {  	v9 =	vld.msk [tilespmem:s31+$0x0 ss:$0x0], $0xffff  }
0x1e9: {  	v10 =	vld.msk [tilespmem:s31+$0x1 ss:$0x0], $0xffff  }
0x1ea: {  	v4 =	vld.msk [tilespmem:s31+$0x2 ss:$0x0], $0xffff  }
0x1eb: {  	v11 =	vld [tilespmem:s18+$0xFFFFFF10]  }
0x1ec: {  	v49 =	vld [tilespmem:s18+$0xFFFFFF20]  }
0x1ed: {  	v50 =	vld [tilespmem:s18+$0xFFFFFF30]  }
0x1ee: {  	v14 =	vld [tilespmem:s18+$0xFFFFFF40]  }
0x1ef: {  	v15 =	vld [tilespmem:s18+$0xFFFFFF50];
	v5 =	vmul.f32 v5, v2  }
0x1f0: {  	v16 =	vld [tilespmem:s18+$0xFFFFFF60];
	v11 =	vmul.f32 v11, v3  }
0x1f1: {  	v51 =	vld [tilespmem:s18+$0xFFFFFF70];
	[tilespmem:s18+$0xF0] =	vst v5;
	v5 =	vmul.f32 v49, v3  }
0x1f2: {  	v52 =	vld [tilespmem:s18+$0xFFFFFF80];
	[tilespmem:s18+$0xFFFFFF10] =	vst v11;
	v11 =	vmul.f32 v50, v3  }
0x1f3: {  	v53 =	vld [tilespmem:s18+$0xFFFFFF90];
	[tilespmem:s18+$0xFFFFFF20] =	vst v5;
	v5 =	vmul.f32 v6, v14  }
0x1f4: {  	v54 =	vld [tilespmem:s18+$0xFFFFFFA0];
	[tilespmem:s18+$0xFFFFFF30] =	vst v11;
	v11 =	vmul.f32 v15, v6  }
0x1f5: {  	v55 =	vld [tilespmem:s18+$0xFFFFFFB0];
	[tilespmem:s18+$0xFFFFFF40] =	vst v5;
	v5 =	vmul.f32 v16, v6  }
0x1f6: {  	[tilespmem:s18+$0xFFFFFF50] =	vst v11;
	v6 =	vmul.f32 v51, v6;
	v11 =	vld [tilespmem:s18+$0xFFFFFFC0]  }
0x1f7: {  	v56 =	vld [tilespmem:s18+$0xFFFFFFD0];
	[tilespmem:s18+$0xFFFFFF60] =	vst v5;
	v5 =	vmul.f32 v7, v52  }
0x1f8: {  	v57 =	vld [tilespmem:s18+$0xFFFFFFE0];
	[tilespmem:s18+$0xFFFFFF70] =	vst v6;
	v6 =	vmul.f32 v53, v7  }
0x1f9: {  	v58 =	vld [tilespmem:s18+$0xFFFFFFF0];
	[tilespmem:s18+$0xFFFFFF80] =	vst v5;
	v5 =	vmul.f32 v54, v7  }
0x1fa: {  	[tilespmem:s18+$0xFFFFFF90] =	vst v6;
	v6 =	vmul.f32 v55, v7;
	v7 =	vld [tilespmem:s18+$0x0]  }
0x1fb: {  	[tilespmem:s18+$0xFFFFFFA0] =	vst v5;
	v5 =	vmul.f32 v8, v11;
	v11 =	vld [tilespmem:s18+$0x10]  }
0x1fc: {  	v59 =	vld [tilespmem:s18+$0x20];
	[tilespmem:s18+$0xFFFFFFB0] =	vst v6;
	v6 =	vmul.f32 v56, v8  }
0x1fd: {  	v60 =	vld [tilespmem:s18+$0x30];
	[tilespmem:s18+$0xFFFFFFC0] =	vst v5;
	v5 =	vmul.f32 v57, v8  }
0x1fe: {  	[tilespmem:s18+$0xFFFFFFD0] =	vst v6;
	v6 =	vmul.f32 v58, v8;
	v8 =	vld [tilespmem:s18+$0x40]  }
0x1ff: {  	[tilespmem:s18+$0xFFFFFFE0] =	vst v5;
	v5 =	vmul.f32 v9, v7;
	v7 =	vld [tilespmem:s18+$0x50]  }
0x200: {  	[tilespmem:s18+$0xFFFFFFF0] =	vst v6;
	v6 =	vmul.f32 v11, v9;
	v11 =	vld [tilespmem:s18+$0x60]  }
0x201: {  	v61 =	vld [tilespmem:s18+$0x70];
	[tilespmem:s18+$0x0] =	vst v5;
	v5 =	vmul.f32 v59, v9  }
0x202: {  	[tilespmem:s18+$0x10] =	vst v6;
	v6 =	vmul.f32 v60, v9;
	v9 =	vld [tilespmem:s18+$0x80]  }
0x203: {  	v62 =	vld [tilespmem:s18+$0x90];
	[tilespmem:s18+$0x20] =	vst v5;
	v5 =	vmul.f32 v10, v8  }
0x204: {  	v63 =	vld [tilespmem:s18+$0xA0];
	[tilespmem:s18+$0x30] =	vst v6;
	v7 =	vmul.f32 v7, v10  }
0x205: {  	v6 =	vld [tilespmem:s18+$0xB0];
	[tilespmem:s18+$0x40] =	vst v5;
	v8 =	vmul.f32 v11, v10  }
0x206: {  	v10 =	vmul.f32 v61, v10;
	v5 =	vld [tilespmem:s18+$0xC0];
	[tilespmem:s18+$0x50] =	vst v7  }
0x207: {  	v7 =	vld [tilespmem:s18+$0xD0];
	[tilespmem:s18+$0x60] =	vst v8;
	v11 =	vmul.f32 v4, v9  }
0x208: {  	[tilespmem:s18+$0x70] =	vst v10;
	v8 =	vld [tilespmem:s18+$0xE0];
	v10 =	vmul.f32 v62, v4  }
0x209: {  	s29 =	simm.s32 $0x7320;
	s5 =	simm.s32 $0x0;
	s24 =	simm.s32 $0xF42C;
	v9 =	vld [tilespmem:s18+$0xFFFFFF00];
	[tilespmem:s18+$0x80] =	vst v11;
	v11 =	vmul.f32 v63, v4  }
.LBB2_18:
0x20a: {  	v12 =	vld.msk [tilespmem:s24+$0x3 ss:$0x0], $0xffff;
	s5 =	sadd.s32 $0x8, s5;
	[tilespmem:s18+$0x90] =	vst v10;
	v4 =	vmul.f32 v6, v4;
	s29 =	sadd.s32 $0x200, s29  }
0x20b: {  	v6 =	vld [tilespmem:s29+$0xF0];
	p4 =	slt.u32 s5, $0x78;
	[tilespmem:s18+$0xA0] =	vst v11;
	v5 =	vmul.f32 v2, v5  }
0x20c: {  	v10 =	vld.msk [tilespmem:s24+$0xFFFFFFFC ss:$0x0], $0xffff;
	[tilespmem:s18+$0xB0] =	vst v4;
	v4 =	vmul.f32 v7, v2  }
0x20d: {  	v7 =	vld.msk [tilespmem:s24+$0xFFFFFFFD ss:$0x0], $0xffff;
	[tilespmem:s18+$0xC0] =	vst v5;
	v11 =	vmul.f32 v8, v2  }
0x20e: {  	v5 =	vld.msk [tilespmem:s24+$0xFFFFFFFE ss:$0x0], $0xffff;
	v3 =	vmul.f32 v3, v9;
	[tilespmem:s18+$0xD0] =	vst v4  }
0x20f: {  	v8 =	vld.msk [tilespmem:s24+$0xFFFFFFFF ss:$0x0], $0xffff;
	[tilespmem:s18+$0xE0] =	vst v11  }
0x210: {  	v2 =	vmov v12;
	v9 =	vld.msk [tilespmem:s24+$0x0 ss:$0x0], $0xffff;
	v6 =	vmul.f32 v6, v12;
	[tilespmem:s18+$0xFFFFFF00] =	vst v3;
	s18 =	smov.u32 s29  }
0x211: {  	v11 =	vld.msk [tilespmem:s24+$0x1 ss:$0x0], $0xffff  }
0x212: {  	v4 =	vld.msk [tilespmem:s24+$0x2 ss:$0x0], $0xffff;
	[tilespmem:s29+$0xF0] =	vst v6;
	v3 =	vmov v10  }
0x213: {  	v6 =	vld [tilespmem:s29+$0xFFFFFF10]  }
0x214: {  	v10 =	vld [tilespmem:s29+$0xFFFFFF20]  }
0x215: {  	v12 =	vld [tilespmem:s29+$0xFFFFFF30]  }
0x216: {  	v13 =	vld [tilespmem:s29+$0xFFFFFF40]  }
0x217: {  	v14 =	vld [tilespmem:s29+$0xFFFFFF50]  }
0x218: {  	v6 =	vmul.f32 v6, v3;
	v15 =	vld [tilespmem:s29+$0xFFFFFF60]  }
0x219: {  	v10 =	vmul.f32 v10, v3;
	v16 =	vld [tilespmem:s29+$0xFFFFFF70]  }
0x21a: {  	[tilespmem:s29+$0xFFFFFF10] =	vst v6;
	v6 =	vmul.f32 v12, v3;
	v12 =	vld [tilespmem:s29+$0xFFFFFF80]  }
0x21b: {  	[tilespmem:s29+$0xFFFFFF20] =	vst v10;
	v10 =	vmul.f32 v7, v13;
	v13 =	vld [tilespmem:s29+$0xFFFFFF90]  }
0x21c: {  	[tilespmem:s29+$0xFFFFFF30] =	vst v6;
	v6 =	vmul.f32 v14, v7;
	v14 =	vld [tilespmem:s29+$0xFFFFFFA0]  }
0x21d: {  	[tilespmem:s29+$0xFFFFFF40] =	vst v10;
	v10 =	vmul.f32 v15, v7;
	v15 =	vld [tilespmem:s29+$0xFFFFFFB0]  }
0x21e: {  	[tilespmem:s29+$0xFFFFFF50] =	vst v6;
	v6 =	vmul.f32 v16, v7;
	v7 =	vld [tilespmem:s29+$0xFFFFFFC0]  }
0x21f: {  	[tilespmem:s29+$0xFFFFFF60] =	vst v10;
	v10 =	vmul.f32 v5, v12;
	v12 =	vld [tilespmem:s29+$0xFFFFFFD0]  }
0x220: {  	[tilespmem:s29+$0xFFFFFF70] =	vst v6;
	v6 =	vmul.f32 v13, v5;
	v13 =	vld [tilespmem:s29+$0xFFFFFFE0]  }
0x221: {  	[tilespmem:s29+$0xFFFFFF80] =	vst v10;
	v10 =	vmul.f32 v14, v5;
	v14 =	vld [tilespmem:s29+$0xFFFFFFF0]  }
0x222: {  	[tilespmem:s29+$0xFFFFFF90] =	vst v6;
	v5 =	vmul.f32 v15, v5;
	v6 =	vld [tilespmem:s29+$0x0]  }
0x223: {  	[tilespmem:s29+$0xFFFFFFA0] =	vst v10;
	v7 =	vmul.f32 v8, v7;
	v10 =	vld [tilespmem:s29+$0x10]  }
0x224: {  	[tilespmem:s29+$0xFFFFFFB0] =	vst v5;
	v5 =	vmul.f32 v12, v8;
	v12 =	vld [tilespmem:s29+$0x20]  }
0x225: {  	[tilespmem:s29+$0xFFFFFFC0] =	vst v7;
	v7 =	vmul.f32 v13, v8;
	v13 =	vld [tilespmem:s29+$0x30]  }
0x226: {  	[tilespmem:s29+$0xFFFFFFD0] =	vst v5;
	v5 =	vmul.f32 v14, v8;
	v8 =	vld [tilespmem:s29+$0x40]  }
0x227: {  	[tilespmem:s29+$0xFFFFFFE0] =	vst v7;
	v6 =	vmul.f32 v9, v6;
	v7 =	vld [tilespmem:s29+$0x50]  }
0x228: {  	[tilespmem:s29+$0xFFFFFFF0] =	vst v5;
	v5 =	vmul.f32 v10, v9;
	v10 =	vld [tilespmem:s29+$0x60]  }
0x229: {  	[tilespmem:s29+$0x0] =	vst v6;
	v6 =	vmul.f32 v12, v9;
	v12 =	vld [tilespmem:s29+$0x70]  }
0x22a: {  	[tilespmem:s29+$0x10] =	vst v5;
	v5 =	vmul.f32 v13, v9;
	v9 =	vld [tilespmem:s29+$0x80]  }
0x22b: {  	[tilespmem:s29+$0x20] =	vst v6;
	v6 =	vmul.f32 v11, v8;
	v8 =	vld [tilespmem:s29+$0x90]  }
0x22c: {  	[tilespmem:s29+$0x30] =	vst v5;
	v5 =	vmul.f32 v7, v11;
	v13 =	vld [tilespmem:s29+$0xA0]  }
.Ltmp15:
0x22d: {  	[tilespmem:s29+$0x40] =	vst v6;
	v7 =	vmul.f32 v10, v11;
	v6 =	vld [tilespmem:s29+$0xB0];
	(pc) =	sbr.rel @p4 .LBB2_18-.Ltmp15, $4  }
0x22e: {  	[tilespmem:s29+$0x50] =	vst v5;
	v10 =	vmul.f32 v12, v11;
	v5 =	vld [tilespmem:s29+$0xC0]  }
0x22f: {  	[tilespmem:s29+$0x60] =	vst v7;
	v11 =	vmul.f32 v4, v9;
	v7 =	vld [tilespmem:s29+$0xD0]  }
0x230: {  	[tilespmem:s29+$0x70] =	vst v10;
	v10 =	vmul.f32 v8, v4;
	v8 =	vld [tilespmem:s29+$0xE0]  }
0x231: {  	s24 =	sadd.s32 $0x8, s24;
	v9 =	vld [tilespmem:s29+$0xFFFFFF00];
	[tilespmem:s29+$0x80] =	vst v11;
	v11 =	vmul.f32 v13, v4  }
0x232: {  	[tilespmem:s18+$0x90] =	vst v10;
	v4 =	vmul.f32 v6, v4  }
0x233: {  	[tilespmem:s18+$0xA0] =	vst v11;
	v5 =	vmul.f32 v2, v5  }
0x234: {  	[tilespmem:s18+$0xB0] =	vst v4;
	v63 =	vmul.f32 v7, v2  }
0x235: {  	[tilespmem:s18+$0xC0] =	vst v5;
	v2 =	vmul.f32 v8, v2  }
.Ltmp16:
0x236: {  	v3 =	vmul.f32 v3, v9;
	[tilespmem:s18+$0xD0] =	vst v63;
	(pc) =	sbr.rel @!p1 .LBB2_22-.Ltmp16, $4  }
0x237: {  	[tilespmem:s18+$0xE0] =	vst v2  }
0x238: {  	s4 =	simm.s32 $0x7220;
	s5 =	simm.s32 $0xF2A0;
	[tilespmem:s18+$0xFFFFFF00] =	vst v3  }
0x239: {  	[spmem:s12] =	stream.indirect.scatter.add.f32 [tilespmem:s4], [sflag:$0xA], $0x40, s5, s15, $0xb8;
	[tilespmem:$0x1B810] =	vst v63  }
0x23a: {  	s4 =	simm.s32 $0xF2A0  }
0x23b: {  	s4 =	sld [smem:$0x7FD];
	_ =	sdelay $0x2  }
0x23c: {  	p4 =	seq.s32 s4, $0x1  }
.Ltmp17:
0x23d: {  	_ = 	snop;
	(pc) =	sbr.rel @p4 .LBB2_25-.Ltmp17, $1  }
0x23e: {  	_ =	sdelay $0x3  }
.Ltmp18:
0x23f: {  	(pc) =	sbr.rel .LBB2_24-.Ltmp18, $4  }
0x240: {  	s4 =	simm.s32 $0x9  }
0x241: {  	_ =	swait.ge [sflag:s4], $0x2000  }
0x242: {  	[sflag:s4] =	ssyncset.done $0x0  }
0x243: {  	[sflag:s4] =	ssyncadd.s32 $0xFFFFE000  }
.LBB2_23:
0x244: {  	p4 =	slt.u32 s11, s30  }
0x245: {  	p5 =	sne.s32 @p4 s2, $0x0  }
0x246: {  	p5 =	por !p4, p5  }
.Ltmp19:
0x247: {  	_ = 	snop;
	(pc) =	sbr.rel @p5 .LBB2_25-.Ltmp19, $4  }
0x248: {  	s4 =	simm.s32 @p4 $0x9  }
0x249: {  	_ =	swait.ge @p4 [sflag:s4], $0x2000  }
0x24a: {  	[sflag:s4] =	ssyncset.done @p4 $0x0  }
0x24b: {  	[sflag:s4] =	ssyncadd.s32 @p4 $0xFFFFE000  }
.LBB2_24:
.Ltmp20:
0x24c: {  	(pc) =	sbr.rel .LBB2_25-.Ltmp20, $4  }
0x24d: {  	_ = 	snop  }
0x24e: {  	_ =	swait.ge [sflag:s21], $0x800  }
0x24f: {  	[sflag:s21] =	ssyncset.done $0x0  }
0x250: {  	[sflag:s21] =	ssyncadd.s32 $0xFFFFF800  }
.LBB2_22:
0x251: {  	s31 =	sld [smem:$0x7FD]  }
0x252: {  	s5 =	simm.s32 $0xDA20  }
0x253: {  	[spmem:s14] =	stream.indirect.scatter.add.f32 [tilespmem:s5], [sflag:$0xE], $0x10, s4, s15, $0xb8;
	[tilespmem:$0x1B810] =	vst v63  }
0x254: {  	p4 =	seq.s32 s31, $0x1  }
0x255: {  	s4 =	simm.s32 @!p4 $0x9  }
0x256: {  	_ =	swait.ge @!p4 [sflag:s4], $0x2000  }
0x257: {  	[sflag:s4] =	ssyncset.done @!p4 $0x0  }
0x258: {  	[sflag:s4] =	ssyncadd.s32 @!p4 $0xFFFFE000  }
.LBB2_25:
0x259: {  	s4 =	sadd.s32 $0x5, s11  }
0x25a: {  	p4 =	sge.u32 s4, s30  }
0x25b: {  	s4 =	smin.u32 @!p4 s4, $0x9C  }
0x25c: {  	s5 =	simm.s32 @!p4 $0x80;
	s4 =	sshll.u32 @!p4 s4, $0x8  }
0x25d: {  	s10 =	simm.s32 @!p4 $0x4E200;
	s17 =	simm.s32 @!p4 $0x4F20;
	s4 =	sadd.s32 @!p4 s4, s13  }
0x25e: {  	[tilespmem:s17], [sflag:$0x2] =	stream.strided.gather @!p4 [hbm4b:s4+s5], $0x100, s10, s5, $0x38;
	[tilespmem:$0x1B810] =	vst v63  }
.Ltmp21:
0x25f: {  	s4 =	simm.s32 @!p6 $0x1;
	(pc) =	sbr.rel @p3 .LBB2_45-.Ltmp21, $4  }
0x260: {  	_ =	swait.ge @!p6 [sflag:s4], $0x100  }
0x261: {  	s5 =	simm.s32 @!p6 $0x4E20;
	[sflag:s4] =	ssyncset.done @!p6 $0x0  }
0x262: {  	s10 =	simm.s32 @!p6 $0x5220;
	[sflag:s4] =	ssyncadd.s32 @!p6 $0xFFFFFF00;
	s4 =	simm.s32 @!p6 $0x80  }
0x263: {  	[tilespmem:s10], [sflag:$0x5] =	stream.indirect.gather @!p6 [hbm4b:s3+s4], $0x40, s5, s4, $0xb8;
	[tilespmem:$0x1B810] =	vst v63  }
0x264: {  	_ =	swait.ge [sflag:s22], $0x2000  }
0x265: {  	[sflag:s22] =	ssyncset.done $0x0  }
0x266: {  	s4 =	simm.s32 $0x50B0;
	[sflag:s22] =	ssyncadd.s32 $0xFFFFE000  }
0x267: {  	v2 =	vld [tilespmem:s4+$0xFFFFFF70]  }
0x268: {  	v3 =	vld [tilespmem:s4+$0xFFFFFFF0];
	_ =	sdelay $0x3  }
0x269: {  	v4 =	vld [tilespmem:s4+$0x0]  }
0x26a: {  	s5 =	simm.s32 $0xF330;
	v5 =	vld [tilespmem:s4+$0xFFFFFF80]  }
0x26b: {  	[tilespmem:s5+$0xFFFFFFF0] =	vst v3  }
0x26c: {  	v2 =	vld.idx.msk [tilespmem:v2+s1+$0x0], $0xffff  }
0x26d: {  	v3 =	vld.idx.msk [tilespmem:v3+s9+$0x0], $0xffff  }
0x26e: {  	s19 =	simm.s32 $0x50D0  }
0x26f: {  	v6 =	vld [tilespmem:s19+$0xFFFFFF70]  }
0x270: {  	v7 =	vld [tilespmem:s19+$0xFFFFFFF0];
	[tilespmem:s5+$0x0] =	vst v4  }
0x271: {  	v4 =	vld.idx.msk [tilespmem:v4+s9+$0x0], $0xffff  }
0x272: {  	v2 =	vadd.f32 v3, v2;
	v3 =	vld.idx.msk [tilespmem:v5+s1+$0x0], $0xffff  }
0x273: {  	v8 =	vld [tilespmem:s19+$0x0]  }
0x274: {  	v9 =	vld [tilespmem:s19+$0xFFFFFF80];
	v5 =	vmul.f32 $2.000000030e-01, v2  }
0x275: {  	vm0 =	vge.f32 v2, $0.0e+00  }
0x276: {  	s23 =	simm.s32 $0xF350;
	v2 =	vsel vm0, v2, v5  }
0x277: {  	[tilespmem:s23+$0xFFFFFFF0] =	vst v7;
	v2 =	vsub.f32 v2, v1;
	v3 =	vadd.f32 v4, v3  }
0x278: {  	v5 =	vld.idx.msk [tilespmem:v6+s1+$0x0], $0xffff  }
0x279: {  	v4 =	vld.idx.msk [tilespmem:v7+s9+$0x0], $0xffff;
	v2 =	vmul.f32 $1.442695020e+00, v2;
	v7 =	vmul.f32 $2.000000030e-01, v3  }
0x27a: {  	[tilespmem:s23+$0x0] =	vst v8;
	vm13 =	vge.f32 v3, $0.0e+00  }
0x27b: {  	v6 =	vld.idx.msk [tilespmem:v8+s9+$0x0], $0xffff;
	(erf) = vpow2.f32 v2;
	v2 =	vsel vm13, v3, v7  }
0x27c: {  	v8 =	vld.idx.msk [tilespmem:v9+s1+$0x0], $0xffff;
	v7 =	vsub.f32 v2, v1  }
0x27d: {  	s24 =	simm.s32 $0x50F0  }
0x27e: {  	v9 =	vld [tilespmem:s24+$0xFFFFFF70];
	v5 =	vadd.f32 v4, v5;
	v4 =	vmul.f32 $1.442695020e+00, v7  }
0x27f: {  	v10 =	vld [tilespmem:s24+$0xFFFFFFF0]  }
0x280: {  	v11 =	vld [tilespmem:s24+$0x0];
	(erf) = vpow2.f32 v4  }
0x281: {  	s18 =	simm.s32 $0x0;
	v14 =	vadd.f32 v6, v8;
	v6 =	vld [tilespmem:s24+$0xFFFFFF80];
	v7 =	vlaneseq.u32 @!p0  }
0x282: {  	v12 =	vmov @!p0 s18;
	v13 =	vmul.f32 $2.000000030e-01, v5;
	v4 =	vmul.u32 @!p0 $0x10, v7  }
0x283: {  	s4 =	simm.s32 $0x10;
	vm14 =	vge.f32 v5, $0.0e+00;
	v7 =	vshll.u32 @!p0 v12, $0x4  }
0x284: {  	s10 =	simm.s32 $0xF370;
	v5 =	vsel vm14, v5, v13;
	v13 =	vmov @!p0 s4;
	v7 =	vor.u32 @!p0 v4, v7  }
0x285: {  	[tilespmem:s10+$0xFFFFFFF0] =	vst v10;
	v12 =	vmul.f32 $2.000000030e-01, v14;
	v15 =	vsub.f32 v5, v1;
	v5 =	vshll.u32 @!p0 v13, $0x4  }
0x286: {  	s5 =	simm.s32 $0x20;
	vm15 =	vge.f32 v14, $0.0e+00;
	v8 =	vld.idx.msk [tilespmem:v9+s1+$0x0], $0xffff;
	v5 =	vor.u32 @!p0 v4, v5  }
0x287: {  	s29 =	simm.s32 $0x40;
	s31 =	simm.s32 @!p0 $0xE220;
	v3 =	vmov @!p0 s5;
	s24 =	simm.s32 $0xF430;
	[tilespmem:s10+$0x0] =	vst v11;
	v9 =	vld.idx.msk [tilespmem:v10+s9+$0x0], $0xffff;
	v13 =	vsel vm15, v14, v12;
	v10 =	vpop (erf)  }
0x288: {  	s19 =	simm.s32 $0xF430;
	v2 =	vmov @!p0 s29;
	v11 =	vld.idx.msk [tilespmem:v11+s9+$0x0], $0xffff;
	s4 =	simm.s32 $0x5110;
	v12 =	vmul.f32 $1.442695020e+00, v15;
	v13 =	vsub.f32 v13, v1;
	[tilespmem:s24+$0xFFFFFFF0] =	vst v10  }
.LBB2_27:
0x289: {  	v14 =	vld.idx.msk [tilespmem:v6+s1+$0x0], $0xffff;
	[tilespmem:v7+s31+$0x0] =	vst.idx.msk @!p0 $0xffff, v10;
	s24 =	sadd.s32 $0x20, s24;
	v6 =	vpop (erf);
	s17 =	smov.u32 s29;
	s29 =	sadd.s32 $0x20, s29  }
0x28a: {  	v10 =	vld [tilespmem:s4+$0xFFFFFF70];
	v7 =	vmov @!p0 s29;
	p3 =	slt.u32 s29, $0x60;
	v13 =	vmul.f32 $1.442695020e+00, v13;
	(erf) = vpow2.f32 v12;
	[tilespmem:s19+$0x0] =	vst v6;
	s19 =	smov.u32 s24  }
0x28b: {  	v12 =	vld [tilespmem:s4+$0xFFFFFFF0];
	[tilespmem:v5+s31+$0x0] =	vst.idx.msk @!p0 $0xffff, v6  }
0x28c: {  	v15 =	vld [tilespmem:s4+$0x0];
	(erf) = vpow2.f32 v13  }
0x28d: {  	v5 =	vadd.f32 v9, v8;
	v6 =	vld [tilespmem:s4+$0xFFFFFF80];
	_ =	sdelay $0x1  }
0x28e: {  	s10 =	sadd.s32 $0x20, s10;
	s23 =	sadd.s32 $0x30, s18;
	s18 =	smov.u32 s5;
	v9 =	vshll.u32 @!p0 v3, $0x4;
	v3 =	vmovc v2;
	v2 =	vmovc v7;
	v8 =	vmul.f32 $2.000000030e-01, v5;
	v11 =	vadd.f32 v11, v14  }
.Ltmp22:
0x28f: {  	s5 =	smov.u32 s17;
	v7 =	vor.u32 @!p0 v4, v9;
	v9 =	vmov @!p0 s23;
	vm0 =	vge.f32 v5, $0.0e+00;
	[tilespmem:s10+$0xFFFFFFF0] =	vst v12;
	(pc) =	sbr.rel @p3 .LBB2_27-.Ltmp22, $4  }
0x290: {  	v9 =	vshll.u32 @!p0 v9, $0x4;
	v5 =	vsel vm0, v5, v8;
	v13 =	vmul.f32 $2.000000030e-01, v11;
	[tilespmem:s10+$0x0] =	vst v15  }
0x291: {  	vm0 =	vge.f32 v11, $0.0e+00;
	v14 =	vsub.f32 v5, v1;
	v5 =	vor.u32 @!p0 v4, v9;
	v8 =	vld.idx.msk [tilespmem:v10+s1+$0x0], $0xffff  }
0x292: {  	v13 =	vsel vm0, v11, v13;
	v9 =	vld.idx.msk [tilespmem:v12+s9+$0x0], $0xffff;
	v10 =	vpop (erf)  }
0x293: {  	s4 =	sadd.s32 $0x20, s4;
	v12 =	vmul.f32 $1.442695020e+00, v14;
	v13 =	vsub.f32 v13, v1;
	v11 =	vld.idx.msk [tilespmem:v15+s9+$0x0], $0xffff;
	[tilespmem:s24+$0xFFFFFFF0] =	vst v10  }
0x294: {  	_ =	sdelay $0x3  }
0x295: {  	v4 =	vld.idx.msk [tilespmem:v6+s1+$0x0], $0xffff;
	_ =	sdelay $0x2  }
0x296: {  	v6 =	vadd.f32 v9, v8;
	_ =	sdelay $0x1  }
0x297: {  	v8 =	vmul.f32 $2.000000030e-01, v6;
	v4 =	vadd.f32 v11, v4  }
0x298: {  	vm0 =	vge.f32 v6, $0.0e+00  }
0x299: {  	v6 =	vsel vm0, v6, v8;
	v8 =	vmul.f32 $2.000000030e-01, v4  }
0x29a: {  	(erf) = vpow2.f32 v12;
	vm15 =	vge.f32 v4, $0.0e+00  }
0x29b: {  	v9 =	vmul.f32 $1.442695020e+00, v13;
	v6 =	vsub.f32 v6, v1;
	v4 =	vsel vm15, v4, v8  }
0x29c: {  	v4 =	vsub.f32 v4, v1  }
0x29d: {  	(erf) = vpow2.f32 v9;
	v6 =	vmul.f32 $1.442695020e+00, v6  }
0x29e: {  	v8 =	vlaneseq.u32 @!p0;
	v4 =	vmul.f32 $1.442695020e+00, v4  }
0x29f: {  	v8 =	vmul.u32 @!p0 $0x10, v8;
	(erf) = vpow2.f32 v6  }
0x2a0: {  	v3 =	vshll.u32 @!p0 v3, $0x4;
	s4 =	sadd.s32 $0x30, s18  }
0x2a1: {  	v3 =	vor.u32 @!p0 v8, v3;
	v6 =	vmov @!p0 s4;
	(erf) = vpow2.f32 v4  }
0x2a2: {  	[tilespmem:v7+s31+$0x0] =	vst.idx.msk @!p0 $0xffff, v10;
	v6 =	vshll.u32 @!p0 v6, $0x4;
	v4 =	vpop (erf)  }
0x2a3: {  	v6 =	vor.u32 @!p0 v8, v6;
	[tilespmem:s19+$0x0] =	vst v4  }
0x2a4: {  	s24 =	sadd.s32 $0x20, s24;
	v2 =	vshll.u32 @!p0 v2, $0x4;
	s5 =	sadd.s32 $0x30, s5;
	v7 =	vpop (erf);
	[tilespmem:v5+s31+$0x0] =	vst.idx.msk @!p0 $0xffff, v4  }
0x2a5: {  	s10 =	simm.s32 @!p0 $0xE220;
	v2 =	vor.u32 @!p0 v8, v2;
	[tilespmem:s24+$0xFFFFFFF0] =	vst v7;
	v4 =	vmov @!p0 s5  }
0x2a6: {  	v5 =	vpop (erf);
	[tilespmem:v3+s10+$0x0] =	vst.idx.msk @!p0 $0xffff, v7;
	v3 =	vshll.u32 @!p0 v4, $0x4  }
0x2a7: {  	[tilespmem:s24+$0x0] =	vst v5;
	v3 =	vor.u32 @!p0 v8, v3  }
0x2a8: {  	s4 =	sadd.s32 $0x20, s24;
	[tilespmem:v6+s10+$0x0] =	vst.idx.msk @!p0 $0xffff, v5;
	v4 =	vpop (erf)  }
0x2a9: {  	[tilespmem:s4+$0xFFFFFFF0] =	vst v4  }
0x2aa: {  	[tilespmem:v2+s10+$0x0] =	vst.idx.msk @!p0 $0xffff, v4;
	v2 =	vpop (erf)  }
0x2ab: {  	[tilespmem:s4+$0x0] =	vst v2  }
0x2ac: {  	s31 =	simm.s32 $0xF424;
	[tilespmem:v3+s10+$0x0] =	vst.idx.msk @!p0 $0xffff, v2  }
0x2ad: {  	s18 =	simm.s32 $0x9320;
	v2 =	vld.msk [tilespmem:s31+$0x3 ss:$0x0], $0xffff  }
0x2ae: {  	v5 =	vld [tilespmem:s18+$0xF0]  }
0x2af: {  	v3 =	vld.msk [tilespmem:s31+$0xFFFFFFFC ss:$0x0], $0xffff  }
0x2b0: {  	v6 =	vld.msk [tilespmem:s31+$0xFFFFFFFD ss:$0x0], $0xffff  }
0x2b1: {  	v7 =	vld.msk [tilespmem:s31+$0xFFFFFFFE ss:$0x0], $0xffff  }
0x2b2: {  	v8 =	vld.msk [tilespmem:s31+$0xFFFFFFFF ss:$0x0], $0xffff  }
0x2b3: {  	v9 =	vld.msk [tilespmem:s31+$0x0 ss:$0x0], $0xffff  }
0x2b4: {  	v10 =	vld.msk [tilespmem:s31+$0x1 ss:$0x0], $0xffff  }
0x2b5: {  	v4 =	vld.msk [tilespmem:s31+$0x2 ss:$0x0], $0xffff  }
0x2b6: {  	v11 =	vld [tilespmem:s18+$0xFFFFFF10]  }
0x2b7: {  	v49 =	vld [tilespmem:s18+$0xFFFFFF20]  }
0x2b8: {  	v50 =	vld [tilespmem:s18+$0xFFFFFF30]  }
0x2b9: {  	v14 =	vld [tilespmem:s18+$0xFFFFFF40]  }
0x2ba: {  	v15 =	vld [tilespmem:s18+$0xFFFFFF50];
	v5 =	vmul.f32 v5, v2  }
0x2bb: {  	v16 =	vld [tilespmem:s18+$0xFFFFFF60];
	v11 =	vmul.f32 v11, v3  }
0x2bc: {  	v51 =	vld [tilespmem:s18+$0xFFFFFF70];
	[tilespmem:s18+$0xF0] =	vst v5;
	v5 =	vmul.f32 v49, v3  }
0x2bd: {  	v52 =	vld [tilespmem:s18+$0xFFFFFF80];
	[tilespmem:s18+$0xFFFFFF10] =	vst v11;
	v11 =	vmul.f32 v50, v3  }
0x2be: {  	v53 =	vld [tilespmem:s18+$0xFFFFFF90];
	[tilespmem:s18+$0xFFFFFF20] =	vst v5;
	v5 =	vmul.f32 v6, v14  }
0x2bf: {  	v54 =	vld [tilespmem:s18+$0xFFFFFFA0];
	[tilespmem:s18+$0xFFFFFF30] =	vst v11;
	v11 =	vmul.f32 v15, v6  }
0x2c0: {  	v55 =	vld [tilespmem:s18+$0xFFFFFFB0];
	[tilespmem:s18+$0xFFFFFF40] =	vst v5;
	v5 =	vmul.f32 v16, v6  }
0x2c1: {  	[tilespmem:s18+$0xFFFFFF50] =	vst v11;
	v6 =	vmul.f32 v51, v6;
	v11 =	vld [tilespmem:s18+$0xFFFFFFC0]  }
0x2c2: {  	v56 =	vld [tilespmem:s18+$0xFFFFFFD0];
	[tilespmem:s18+$0xFFFFFF60] =	vst v5;
	v5 =	vmul.f32 v7, v52  }
0x2c3: {  	v57 =	vld [tilespmem:s18+$0xFFFFFFE0];
	[tilespmem:s18+$0xFFFFFF70] =	vst v6;
	v6 =	vmul.f32 v53, v7  }
0x2c4: {  	v58 =	vld [tilespmem:s18+$0xFFFFFFF0];
	[tilespmem:s18+$0xFFFFFF80] =	vst v5;
	v5 =	vmul.f32 v54, v7  }
0x2c5: {  	[tilespmem:s18+$0xFFFFFF90] =	vst v6;
	v6 =	vmul.f32 v55, v7;
	v7 =	vld [tilespmem:s18+$0x0]  }
0x2c6: {  	[tilespmem:s18+$0xFFFFFFA0] =	vst v5;
	v5 =	vmul.f32 v8, v11;
	v11 =	vld [tilespmem:s18+$0x10]  }
0x2c7: {  	v59 =	vld [tilespmem:s18+$0x20];
	[tilespmem:s18+$0xFFFFFFB0] =	vst v6;
	v6 =	vmul.f32 v56, v8  }
0x2c8: {  	v60 =	vld [tilespmem:s18+$0x30];
	[tilespmem:s18+$0xFFFFFFC0] =	vst v5;
	v5 =	vmul.f32 v57, v8  }
0x2c9: {  	[tilespmem:s18+$0xFFFFFFD0] =	vst v6;
	v6 =	vmul.f32 v58, v8;
	v8 =	vld [tilespmem:s18+$0x40]  }
0x2ca: {  	[tilespmem:s18+$0xFFFFFFE0] =	vst v5;
	v5 =	vmul.f32 v9, v7;
	v7 =	vld [tilespmem:s18+$0x50]  }
0x2cb: {  	[tilespmem:s18+$0xFFFFFFF0] =	vst v6;
	v6 =	vmul.f32 v11, v9;
	v11 =	vld [tilespmem:s18+$0x60]  }
0x2cc: {  	v61 =	vld [tilespmem:s18+$0x70];
	[tilespmem:s18+$0x0] =	vst v5;
	v5 =	vmul.f32 v59, v9  }
0x2cd: {  	[tilespmem:s18+$0x10] =	vst v6;
	v6 =	vmul.f32 v60, v9;
	v9 =	vld [tilespmem:s18+$0x80]  }
0x2ce: {  	v62 =	vld [tilespmem:s18+$0x90];
	[tilespmem:s18+$0x20] =	vst v5;
	v5 =	vmul.f32 v10, v8  }
0x2cf: {  	v63 =	vld [tilespmem:s18+$0xA0];
	[tilespmem:s18+$0x30] =	vst v6;
	v7 =	vmul.f32 v7, v10  }
0x2d0: {  	v6 =	vld [tilespmem:s18+$0xB0];
	[tilespmem:s18+$0x40] =	vst v5;
	v8 =	vmul.f32 v11, v10  }
0x2d1: {  	v10 =	vmul.f32 v61, v10;
	v5 =	vld [tilespmem:s18+$0xC0];
	[tilespmem:s18+$0x50] =	vst v7  }
0x2d2: {  	v7 =	vld [tilespmem:s18+$0xD0];
	[tilespmem:s18+$0x60] =	vst v8;
	v11 =	vmul.f32 v4, v9  }
0x2d3: {  	[tilespmem:s18+$0x70] =	vst v10;
	v8 =	vld [tilespmem:s18+$0xE0];
	v10 =	vmul.f32 v62, v4  }
0x2d4: {  	s29 =	simm.s32 $0x9320;
	s5 =	simm.s32 $0x0;
	s24 =	simm.s32 $0xF42C;
	v9 =	vld [tilespmem:s18+$0xFFFFFF00];
	[tilespmem:s18+$0x80] =	vst v11;
	v11 =	vmul.f32 v63, v4  }
.LBB2_29:
0x2d5: {  	v12 =	vld.msk [tilespmem:s24+$0x3 ss:$0x0], $0xffff;
	s5 =	sadd.s32 $0x8, s5;
	[tilespmem:s18+$0x90] =	vst v10;
	v4 =	vmul.f32 v6, v4;
	s29 =	sadd.s32 $0x200, s29  }
0x2d6: {  	v6 =	vld [tilespmem:s29+$0xF0];
	p3 =	slt.u32 s5, $0x78;
	[tilespmem:s18+$0xA0] =	vst v11;
	v5 =	vmul.f32 v2, v5  }
0x2d7: {  	v10 =	vld.msk [tilespmem:s24+$0xFFFFFFFC ss:$0x0], $0xffff;
	[tilespmem:s18+$0xB0] =	vst v4;
	v4 =	vmul.f32 v7, v2  }
0x2d8: {  	v7 =	vld.msk [tilespmem:s24+$0xFFFFFFFD ss:$0x0], $0xffff;
	[tilespmem:s18+$0xC0] =	vst v5;
	v11 =	vmul.f32 v8, v2  }
0x2d9: {  	v5 =	vld.msk [tilespmem:s24+$0xFFFFFFFE ss:$0x0], $0xffff;
	v3 =	vmul.f32 v3, v9;
	[tilespmem:s18+$0xD0] =	vst v4  }
0x2da: {  	v8 =	vld.msk [tilespmem:s24+$0xFFFFFFFF ss:$0x0], $0xffff;
	[tilespmem:s18+$0xE0] =	vst v11  }
0x2db: {  	v2 =	vmov v12;
	v9 =	vld.msk [tilespmem:s24+$0x0 ss:$0x0], $0xffff;
	v6 =	vmul.f32 v6, v12;
	[tilespmem:s18+$0xFFFFFF00] =	vst v3;
	s18 =	smov.u32 s29  }
0x2dc: {  	v11 =	vld.msk [tilespmem:s24+$0x1 ss:$0x0], $0xffff  }
0x2dd: {  	v4 =	vld.msk [tilespmem:s24+$0x2 ss:$0x0], $0xffff;
	[tilespmem:s29+$0xF0] =	vst v6;
	v3 =	vmov v10  }
0x2de: {  	v6 =	vld [tilespmem:s29+$0xFFFFFF10]  }
0x2df: {  	v10 =	vld [tilespmem:s29+$0xFFFFFF20]  }
0x2e0: {  	v12 =	vld [tilespmem:s29+$0xFFFFFF30]  }
0x2e1: {  	v13 =	vld [tilespmem:s29+$0xFFFFFF40]  }
0x2e2: {  	v14 =	vld [tilespmem:s29+$0xFFFFFF50]  }
0x2e3: {  	v6 =	vmul.f32 v6, v3;
	v15 =	vld [tilespmem:s29+$0xFFFFFF60]  }
0x2e4: {  	v10 =	vmul.f32 v10, v3;
	v16 =	vld [tilespmem:s29+$0xFFFFFF70]  }
0x2e5: {  	[tilespmem:s29+$0xFFFFFF10] =	vst v6;
	v6 =	vmul.f32 v12, v3;
	v12 =	vld [tilespmem:s29+$0xFFFFFF80]  }
0x2e6: {  	[tilespmem:s29+$0xFFFFFF20] =	vst v10;
	v10 =	vmul.f32 v7, v13;
	v13 =	vld [tilespmem:s29+$0xFFFFFF90]  }
0x2e7: {  	[tilespmem:s29+$0xFFFFFF30] =	vst v6;
	v6 =	vmul.f32 v14, v7;
	v14 =	vld [tilespmem:s29+$0xFFFFFFA0]  }
0x2e8: {  	[tilespmem:s29+$0xFFFFFF40] =	vst v10;
	v10 =	vmul.f32 v15, v7;
	v15 =	vld [tilespmem:s29+$0xFFFFFFB0]  }
0x2e9: {  	[tilespmem:s29+$0xFFFFFF50] =	vst v6;
	v6 =	vmul.f32 v16, v7;
	v7 =	vld [tilespmem:s29+$0xFFFFFFC0]  }
0x2ea: {  	[tilespmem:s29+$0xFFFFFF60] =	vst v10;
	v10 =	vmul.f32 v5, v12;
	v12 =	vld [tilespmem:s29+$0xFFFFFFD0]  }
0x2eb: {  	[tilespmem:s29+$0xFFFFFF70] =	vst v6;
	v6 =	vmul.f32 v13, v5;
	v13 =	vld [tilespmem:s29+$0xFFFFFFE0]  }
0x2ec: {  	[tilespmem:s29+$0xFFFFFF80] =	vst v10;
	v10 =	vmul.f32 v14, v5;
	v14 =	vld [tilespmem:s29+$0xFFFFFFF0]  }
0x2ed: {  	[tilespmem:s29+$0xFFFFFF90] =	vst v6;
	v5 =	vmul.f32 v15, v5;
	v6 =	vld [tilespmem:s29+$0x0]  }
0x2ee: {  	[tilespmem:s29+$0xFFFFFFA0] =	vst v10;
	v7 =	vmul.f32 v8, v7;
	v10 =	vld [tilespmem:s29+$0x10]  }
0x2ef: {  	[tilespmem:s29+$0xFFFFFFB0] =	vst v5;
	v5 =	vmul.f32 v12, v8;
	v12 =	vld [tilespmem:s29+$0x20]  }
0x2f0: {  	[tilespmem:s29+$0xFFFFFFC0] =	vst v7;
	v7 =	vmul.f32 v13, v8;
	v13 =	vld [tilespmem:s29+$0x30]  }
0x2f1: {  	[tilespmem:s29+$0xFFFFFFD0] =	vst v5;
	v5 =	vmul.f32 v14, v8;
	v8 =	vld [tilespmem:s29+$0x40]  }
0x2f2: {  	[tilespmem:s29+$0xFFFFFFE0] =	vst v7;
	v6 =	vmul.f32 v9, v6;
	v7 =	vld [tilespmem:s29+$0x50]  }
0x2f3: {  	[tilespmem:s29+$0xFFFFFFF0] =	vst v5;
	v5 =	vmul.f32 v10, v9;
	v10 =	vld [tilespmem:s29+$0x60]  }
0x2f4: {  	[tilespmem:s29+$0x0] =	vst v6;
	v6 =	vmul.f32 v12, v9;
	v12 =	vld [tilespmem:s29+$0x70]  }
0x2f5: {  	[tilespmem:s29+$0x10] =	vst v5;
	v5 =	vmul.f32 v13, v9;
	v9 =	vld [tilespmem:s29+$0x80]  }
0x2f6: {  	[tilespmem:s29+$0x20] =	vst v6;
	v6 =	vmul.f32 v11, v8;
	v8 =	vld [tilespmem:s29+$0x90]  }
0x2f7: {  	[tilespmem:s29+$0x30] =	vst v5;
	v5 =	vmul.f32 v7, v11;
	v13 =	vld [tilespmem:s29+$0xA0]  }
.Ltmp23:
0x2f8: {  	[tilespmem:s29+$0x40] =	vst v6;
	v7 =	vmul.f32 v10, v11;
	v6 =	vld [tilespmem:s29+$0xB0];
	(pc) =	sbr.rel @p3 .LBB2_29-.Ltmp23, $4  }
0x2f9: {  	[tilespmem:s29+$0x50] =	vst v5;
	v10 =	vmul.f32 v12, v11;
	v5 =	vld [tilespmem:s29+$0xC0]  }
0x2fa: {  	[tilespmem:s29+$0x60] =	vst v7;
	v11 =	vmul.f32 v4, v9;
	v7 =	vld [tilespmem:s29+$0xD0]  }
0x2fb: {  	[tilespmem:s29+$0x70] =	vst v10;
	v10 =	vmul.f32 v8, v4;
	v8 =	vld [tilespmem:s29+$0xE0]  }
0x2fc: {  	s24 =	sadd.s32 $0x8, s24;
	v9 =	vld [tilespmem:s29+$0xFFFFFF00];
	[tilespmem:s29+$0x80] =	vst v11;
	v11 =	vmul.f32 v13, v4  }
0x2fd: {  	[tilespmem:s18+$0x90] =	vst v10;
	v4 =	vmul.f32 v6, v4  }
0x2fe: {  	[tilespmem:s18+$0xA0] =	vst v11;
	v5 =	vmul.f32 v2, v5  }
0x2ff: {  	[tilespmem:s18+$0xB0] =	vst v4;
	v63 =	vmul.f32 v7, v2  }
.Ltmp24:
0x300: {  	[tilespmem:s18+$0xC0] =	vst v5;
	v2 =	vmul.f32 v8, v2;
	(pc) =	sbr.rel @!p1 .LBB2_32-.Ltmp24, $4  }
0x301: {  	v3 =	vmul.f32 v3, v9;
	[tilespmem:s18+$0xD0] =	vst v63  }
0x302: {  	[tilespmem:s18+$0xE0] =	vst v2  }
0x303: {  	s4 =	simm.s32 $0xF320;
	s5 =	simm.s32 $0x9220;
	[tilespmem:s18+$0xFFFFFF00] =	vst v3  }
0x304: {  	[spmem:s12] =	stream.indirect.scatter.add.f32 [tilespmem:s5], [sflag:$0xB], $0x40, s4, s15, $0xb8;
	[tilespmem:$0x1B810] =	vst v63  }
0x305: {  	s31 =	sld [smem:$0x7FC]  }
0x306: {  	s5 =	simm.s32 $0xE220  }
0x307: {  	[spmem:s14] =	stream.indirect.scatter.add.f32 [tilespmem:s5], [sflag:$0xF], $0x10, s4, s15, $0xb8;
	[tilespmem:$0x1B810] =	vst v63  }
.Ltmp25:
0x308: {  	p3 =	seq.s32 s31, $0x1;
	(pc) =	sbr.rel .LBB2_35-.Ltmp25, $4  }
0x309: {  	s4 =	simm.s32 @!p3 $0xA  }
0x30a: {  	_ =	swait.ge @!p3 [sflag:s4], $0x2000  }
0x30b: {  	[sflag:s4] =	ssyncset.done @!p3 $0x0  }
0x30c: {  	[sflag:s4] =	ssyncadd.s32 @!p3 $0xFFFFE000  }
.LBB2_45:
0x30d: {  	p3 =	slt.u32 s11, s7  }
0x30e: {  	p5 =	seq.s32 @p3 s2, $0x0  }
0x30f: {  	p5 =	por !p3, p5  }
.Ltmp26:
0x310: {  	_ = 	snop;
	(pc) =	sbr.rel @p5 .LBB2_35-.Ltmp26, $4  }
.Ltmp27:
0x311: {  	s4 =	simm.s32 @p3 $0xA;
	(pc) =	sbr.rel @!p5 .LBB2_34-.Ltmp27, $4  }
0x312: {  	_ =	swait.ge @p3 [sflag:s4], $0x2000  }
0x313: {  	[sflag:s4] =	ssyncset.done @p3 $0x0  }
0x314: {  	[sflag:s4] =	ssyncadd.s32 @p3 $0xFFFFE000  }
0x315: {  	_ = 	snop  }
.LBB2_32:
0x316: {  	s4 =	sld [smem:$0x7FC];
	_ =	sdelay $0x2  }
0x317: {  	p3 =	seq.s32 s4, $0x1  }
.Ltmp28:
0x318: {  	_ = 	snop;
	(pc) =	sbr.rel @p3 .LBB2_35-.Ltmp28, $1  }
0x319: {  	_ =	sdelay $0x3  }
0x31a: {  	s4 =	simm.s32 $0xA  }
0x31b: {  	_ =	swait.ge [sflag:s4], $0x2000  }
0x31c: {  	[sflag:s4] =	ssyncset.done $0x0  }
0x31d: {  	[sflag:s4] =	ssyncadd.s32 $0xFFFFE000  }
.LBB2_34:
0x31e: {  	_ =	swait.ge [sflag:s20], $0x800  }
0x31f: {  	[sflag:s20] =	ssyncset.done $0x0  }
0x320: {  	[sflag:s20] =	ssyncadd.s32 $0xFFFFF800  }
.LBB2_35:
0x321: {  	s4 =	sadd.s32 $0x6, s11  }
0x322: {  	p3 =	sge.u32 s4, s30  }
0x323: {  	s4 =	smin.u32 @!p3 s4, $0x9C  }
0x324: {  	s5 =	simm.s32 @!p3 $0x80;
	s4 =	sshll.u32 @!p3 s4, $0x8  }
0x325: {  	s10 =	simm.s32 @!p3 $0x4E200;
	s11 =	simm.s32 @!p3 $0x5020;
	s4 =	sadd.s32 @!p3 s4, s13  }
0x326: {  	[tilespmem:s11], [sflag:$0x3] =	stream.strided.gather @!p3 [hbm4b:s4+s5], $0x100, s10, s5, $0x38;
	[tilespmem:$0x1B810] =	vst v63  }
.Ltmp29:
0x327: {  	s4 =	simm.s32 @!p4 $0x2;
	(pc) =	sbr.rel @p2 .LBB2_41-.Ltmp29, $4  }
0x328: {  	_ =	swait.ge @!p4 [sflag:s4], $0x100  }
0x329: {  	s5 =	simm.s32 @!p4 $0x4F20;
	[sflag:s4] =	ssyncset.done @!p4 $0x0  }
0x32a: {  	s10 =	simm.s32 @!p4 $0x7220;
	[sflag:s4] =	ssyncadd.s32 @!p4 $0xFFFFFF00;
	s4 =	simm.s32 @!p4 $0x80  }
0x32b: {  	[tilespmem:s10], [sflag:$0x6] =	stream.indirect.gather @!p4 [hbm4b:s3+s4], $0x40, s5, s4, $0xb8;
	[tilespmem:$0x1B810] =	vst v63  }
0x32c: {  	_ =	swait.ge [sflag:s28], $0x2000  }
0x32d: {  	[sflag:s28] =	ssyncset.done $0x0  }
0x32e: {  	s4 =	simm.s32 $0x51B0;
	[sflag:s28] =	ssyncadd.s32 $0xFFFFE000  }
0x32f: {  	v2 =	vld [tilespmem:s4+$0xFFFFFF70]  }
0x330: {  	v3 =	vld [tilespmem:s4+$0xFFFFFFF0];
	_ =	sdelay $0x3  }
0x331: {  	v4 =	vld [tilespmem:s4+$0x0]  }
0x332: {  	s5 =	simm.s32 $0xF3B0;
	v5 =	vld [tilespmem:s4+$0xFFFFFF80]  }
0x333: {  	[tilespmem:s5+$0xFFFFFFF0] =	vst v3  }
0x334: {  	v2 =	vld.idx.msk [tilespmem:v2+s1+$0x0], $0xffff  }
0x335: {  	v3 =	vld.idx.msk [tilespmem:v3+s9+$0x0], $0xffff  }
0x336: {  	s23 =	simm.s32 $0x51D0  }
0x337: {  	v6 =	vld [tilespmem:s23+$0xFFFFFF70]  }
0x338: {  	v7 =	vld [tilespmem:s23+$0xFFFFFFF0];
	[tilespmem:s5+$0x0] =	vst v4  }
0x339: {  	v4 =	vld.idx.msk [tilespmem:v4+s9+$0x0], $0xffff  }
0x33a: {  	v2 =	vadd.f32 v3, v2;
	v3 =	vld.idx.msk [tilespmem:v5+s1+$0x0], $0xffff  }
0x33b: {  	v8 =	vld [tilespmem:s23+$0x0]  }
0x33c: {  	v9 =	vld [tilespmem:s23+$0xFFFFFF80];
	v5 =	vmul.f32 $2.000000030e-01, v2  }
0x33d: {  	vm0 =	vge.f32 v2, $0.0e+00  }
0x33e: {  	s24 =	simm.s32 $0xF3D0;
	v2 =	vsel vm0, v2, v5  }
0x33f: {  	[tilespmem:s24+$0xFFFFFFF0] =	vst v7;
	v2 =	vsub.f32 v2, v1;
	v3 =	vadd.f32 v4, v3  }
0x340: {  	v5 =	vld.idx.msk [tilespmem:v6+s1+$0x0], $0xffff  }
0x341: {  	v4 =	vld.idx.msk [tilespmem:v7+s9+$0x0], $0xffff;
	v2 =	vmul.f32 $1.442695020e+00, v2;
	v7 =	vmul.f32 $2.000000030e-01, v3  }
0x342: {  	[tilespmem:s24+$0x0] =	vst v8;
	vm13 =	vge.f32 v3, $0.0e+00  }
0x343: {  	v6 =	vld.idx.msk [tilespmem:v8+s9+$0x0], $0xffff;
	(erf) = vpow2.f32 v2;
	v2 =	vsel vm13, v3, v7  }
0x344: {  	v8 =	vld.idx.msk [tilespmem:v9+s1+$0x0], $0xffff;
	v7 =	vsub.f32 v2, v1  }
0x345: {  	s31 =	simm.s32 $0x51F0  }
0x346: {  	v9 =	vld [tilespmem:s31+$0xFFFFFF70];
	v5 =	vadd.f32 v4, v5;
	v4 =	vmul.f32 $1.442695020e+00, v7  }
0x347: {  	v10 =	vld [tilespmem:s31+$0xFFFFFFF0]  }
0x348: {  	v11 =	vld [tilespmem:s31+$0x0];
	(erf) = vpow2.f32 v4  }
0x349: {  	s11 =	simm.s32 $0x0;
	v14 =	vadd.f32 v6, v8;
	v6 =	vld [tilespmem:s31+$0xFFFFFF80];
	v7 =	vlaneseq.u32 @!p1  }
0x34a: {  	v12 =	vmov @!p1 s11;
	v13 =	vmul.f32 $2.000000030e-01, v5;
	v4 =	vmul.u32 @!p1 $0x10, v7  }
0x34b: {  	s4 =	simm.s32 $0x10;
	vm14 =	vge.f32 v5, $0.0e+00;
	v7 =	vshll.u32 @!p1 v12, $0x4  }
0x34c: {  	s10 =	simm.s32 $0xF3F0;
	v5 =	vsel vm14, v5, v13;
	v13 =	vmov @!p1 s4;
	v7 =	vor.u32 @!p1 v4, v7  }
0x34d: {  	[tilespmem:s10+$0xFFFFFFF0] =	vst v10;
	v12 =	vmul.f32 $2.000000030e-01, v14;
	v15 =	vsub.f32 v5, v1;
	v5 =	vshll.u32 @!p1 v13, $0x4  }
0x34e: {  	s5 =	simm.s32 $0x20;
	vm15 =	vge.f32 v14, $0.0e+00;
	v8 =	vld.idx.msk [tilespmem:v9+s1+$0x0], $0xffff;
	v5 =	vor.u32 @!p1 v4, v5  }
0x34f: {  	s18 =	simm.s32 $0xF430;
	s29 =	simm.s32 @!p1 $0xEA20;
	s24 =	simm.s32 $0x40;
	v3 =	vmov @!p1 s5;
	[tilespmem:s10+$0x0] =	vst v11;
	v9 =	vld.idx.msk [tilespmem:v10+s9+$0x0], $0xffff;
	v13 =	vsel vm15, v14, v12;
	v10 =	vpop (erf)  }
0x350: {  	s19 =	simm.s32 $0xF430;
	v2 =	vmov @!p1 s24;
	v11 =	vld.idx.msk [tilespmem:v11+s9+$0x0], $0xffff;
	s4 =	simm.s32 $0x5210;
	v12 =	vmul.f32 $1.442695020e+00, v15;
	v13 =	vsub.f32 v13, v1;
	[tilespmem:s18+$0xFFFFFFF0] =	vst v10  }
.LBB2_37:
0x351: {  	v14 =	vld.idx.msk [tilespmem:v6+s1+$0x0], $0xffff;
	[tilespmem:v7+s29+$0x0] =	vst.idx.msk @!p1 $0xffff, v10;
	s18 =	sadd.s32 $0x20, s18;
	v6 =	vpop (erf);
	s17 =	smov.u32 s24;
	s24 =	sadd.s32 $0x20, s24  }
0x352: {  	v10 =	vld [tilespmem:s4+$0xFFFFFF70];
	v7 =	vmov @!p1 s24;
	p2 =	slt.u32 s24, $0x60;
	v13 =	vmul.f32 $1.442695020e+00, v13;
	(erf) = vpow2.f32 v12;
	[tilespmem:s19+$0x0] =	vst v6;
	s19 =	smov.u32 s18  }
0x353: {  	v12 =	vld [tilespmem:s4+$0xFFFFFFF0];
	[tilespmem:v5+s29+$0x0] =	vst.idx.msk @!p1 $0xffff, v6  }
0x354: {  	v15 =	vld [tilespmem:s4+$0x0];
	(erf) = vpow2.f32 v13  }
0x355: {  	v5 =	vadd.f32 v9, v8;
	v6 =	vld [tilespmem:s4+$0xFFFFFF80];
	_ =	sdelay $0x1  }
0x356: {  	s10 =	sadd.s32 $0x20, s10;
	s23 =	sadd.s32 $0x30, s11;
	s11 =	smov.u32 s5;
	v9 =	vshll.u32 @!p1 v3, $0x4;
	v3 =	vmovc v2;
	v2 =	vmovc v7;
	v8 =	vmul.f32 $2.000000030e-01, v5;
	v11 =	vadd.f32 v11, v14  }
.Ltmp30:
0x357: {  	s5 =	smov.u32 s17;
	v7 =	vor.u32 @!p1 v4, v9;
	v9 =	vmov @!p1 s23;
	vm0 =	vge.f32 v5, $0.0e+00;
	[tilespmem:s10+$0xFFFFFFF0] =	vst v12;
	(pc) =	sbr.rel @p2 .LBB2_37-.Ltmp30, $4  }
0x358: {  	v9 =	vshll.u32 @!p1 v9, $0x4;
	v5 =	vsel vm0, v5, v8;
	v13 =	vmul.f32 $2.000000030e-01, v11;
	[tilespmem:s10+$0x0] =	vst v15  }
0x359: {  	vm0 =	vge.f32 v11, $0.0e+00;
	v14 =	vsub.f32 v5, v1;
	v5 =	vor.u32 @!p1 v4, v9;
	v8 =	vld.idx.msk [tilespmem:v10+s1+$0x0], $0xffff  }
0x35a: {  	v13 =	vsel vm0, v11, v13;
	v9 =	vld.idx.msk [tilespmem:v12+s9+$0x0], $0xffff;
	v10 =	vpop (erf)  }
0x35b: {  	s4 =	sadd.s32 $0x20, s4;
	v12 =	vmul.f32 $1.442695020e+00, v14;
	v13 =	vsub.f32 v13, v1;
	v11 =	vld.idx.msk [tilespmem:v15+s9+$0x0], $0xffff;
	[tilespmem:s18+$0xFFFFFFF0] =	vst v10  }
0x35c: {  	_ =	sdelay $0x3  }
0x35d: {  	v4 =	vld.idx.msk [tilespmem:v6+s1+$0x0], $0xffff;
	_ =	sdelay $0x2  }
0x35e: {  	v6 =	vadd.f32 v9, v8;
	_ =	sdelay $0x1  }
0x35f: {  	v8 =	vmul.f32 $2.000000030e-01, v6;
	v4 =	vadd.f32 v11, v4  }
0x360: {  	vm0 =	vge.f32 v6, $0.0e+00  }
0x361: {  	v6 =	vsel vm0, v6, v8;
	v8 =	vmul.f32 $2.000000030e-01, v4  }
0x362: {  	(erf) = vpow2.f32 v12;
	vm15 =	vge.f32 v4, $0.0e+00  }
0x363: {  	v9 =	vmul.f32 $1.442695020e+00, v13;
	v6 =	vsub.f32 v6, v1;
	v4 =	vsel vm15, v4, v8  }
0x364: {  	v4 =	vsub.f32 v4, v1  }
0x365: {  	(erf) = vpow2.f32 v9;
	v6 =	vmul.f32 $1.442695020e+00, v6  }
0x366: {  	v8 =	vlaneseq.u32 @!p1;
	v4 =	vmul.f32 $1.442695020e+00, v4  }
0x367: {  	v8 =	vmul.u32 @!p1 $0x10, v8;
	(erf) = vpow2.f32 v6  }
0x368: {  	v3 =	vshll.u32 @!p1 v3, $0x4;
	s4 =	sadd.s32 $0x30, s11  }
0x369: {  	v3 =	vor.u32 @!p1 v8, v3;
	v6 =	vmov @!p1 s4;
	(erf) = vpow2.f32 v4  }
0x36a: {  	[tilespmem:v7+s29+$0x0] =	vst.idx.msk @!p1 $0xffff, v10;
	v6 =	vshll.u32 @!p1 v6, $0x4;
	v4 =	vpop (erf)  }
0x36b: {  	v6 =	vor.u32 @!p1 v8, v6;
	[tilespmem:s19+$0x0] =	vst v4  }
0x36c: {  	s24 =	sadd.s32 $0x20, s18;
	v2 =	vshll.u32 @!p1 v2, $0x4;
	s5 =	sadd.s32 $0x30, s5;
	v7 =	vpop (erf);
	[tilespmem:v5+s29+$0x0] =	vst.idx.msk @!p1 $0xffff, v4  }
0x36d: {  	s10 =	simm.s32 @!p1 $0xEA20;
	v2 =	vor.u32 @!p1 v8, v2;
	[tilespmem:s24+$0xFFFFFFF0] =	vst v7;
	v4 =	vmov @!p1 s5  }
0x36e: {  	v5 =	vpop (erf);
	[tilespmem:v3+s10+$0x0] =	vst.idx.msk @!p1 $0xffff, v7;
	v3 =	vshll.u32 @!p1 v4, $0x4  }
0x36f: {  	[tilespmem:s24+$0x0] =	vst v5;
	v3 =	vor.u32 @!p1 v8, v3  }
0x370: {  	s4 =	sadd.s32 $0x20, s24;
	[tilespmem:v6+s10+$0x0] =	vst.idx.msk @!p1 $0xffff, v5;
	v4 =	vpop (erf)  }
0x371: {  	[tilespmem:s4+$0xFFFFFFF0] =	vst v4  }
0x372: {  	[tilespmem:v2+s10+$0x0] =	vst.idx.msk @!p1 $0xffff, v4;
	v2 =	vpop (erf)  }
0x373: {  	[tilespmem:s4+$0x0] =	vst v2  }
0x374: {  	s31 =	simm.s32 $0xF424;
	[tilespmem:v3+s10+$0x0] =	vst.idx.msk @!p1 $0xffff, v2  }
0x375: {  	s11 =	simm.s32 $0xB320;
	v2 =	vld.msk [tilespmem:s31+$0x3 ss:$0x0], $0xffff  }
0x376: {  	v5 =	vld [tilespmem:s11+$0xF0]  }
0x377: {  	v3 =	vld.msk [tilespmem:s31+$0xFFFFFFFC ss:$0x0], $0xffff  }
0x378: {  	v6 =	vld.msk [tilespmem:s31+$0xFFFFFFFD ss:$0x0], $0xffff  }
0x379: {  	v7 =	vld.msk [tilespmem:s31+$0xFFFFFFFE ss:$0x0], $0xffff  }
0x37a: {  	v8 =	vld.msk [tilespmem:s31+$0xFFFFFFFF ss:$0x0], $0xffff  }
0x37b: {  	v9 =	vld.msk [tilespmem:s31+$0x0 ss:$0x0], $0xffff  }
0x37c: {  	v10 =	vld.msk [tilespmem:s31+$0x1 ss:$0x0], $0xffff  }
0x37d: {  	v4 =	vld.msk [tilespmem:s31+$0x2 ss:$0x0], $0xffff  }
0x37e: {  	v11 =	vld [tilespmem:s11+$0xFFFFFF10]  }
0x37f: {  	v49 =	vld [tilespmem:s11+$0xFFFFFF20]  }
0x380: {  	v50 =	vld [tilespmem:s11+$0xFFFFFF30]  }
0x381: {  	v14 =	vld [tilespmem:s11+$0xFFFFFF40]  }
0x382: {  	v15 =	vld [tilespmem:s11+$0xFFFFFF50];
	v5 =	vmul.f32 v5, v2  }
0x383: {  	v16 =	vld [tilespmem:s11+$0xFFFFFF60];
	v11 =	vmul.f32 v11, v3  }
0x384: {  	v51 =	vld [tilespmem:s11+$0xFFFFFF70];
	[tilespmem:s11+$0xF0] =	vst v5;
	v5 =	vmul.f32 v49, v3  }
0x385: {  	v52 =	vld [tilespmem:s11+$0xFFFFFF80];
	[tilespmem:s11+$0xFFFFFF10] =	vst v11;
	v11 =	vmul.f32 v50, v3  }
0x386: {  	v53 =	vld [tilespmem:s11+$0xFFFFFF90];
	[tilespmem:s11+$0xFFFFFF20] =	vst v5;
	v5 =	vmul.f32 v6, v14  }
0x387: {  	v54 =	vld [tilespmem:s11+$0xFFFFFFA0];
	[tilespmem:s11+$0xFFFFFF30] =	vst v11;
	v11 =	vmul.f32 v15, v6  }
0x388: {  	v55 =	vld [tilespmem:s11+$0xFFFFFFB0];
	[tilespmem:s11+$0xFFFFFF40] =	vst v5;
	v5 =	vmul.f32 v16, v6  }
0x389: {  	[tilespmem:s11+$0xFFFFFF50] =	vst v11;
	v6 =	vmul.f32 v51, v6;
	v11 =	vld [tilespmem:s11+$0xFFFFFFC0]  }
0x38a: {  	v56 =	vld [tilespmem:s11+$0xFFFFFFD0];
	[tilespmem:s11+$0xFFFFFF60] =	vst v5;
	v5 =	vmul.f32 v7, v52  }
0x38b: {  	v57 =	vld [tilespmem:s11+$0xFFFFFFE0];
	[tilespmem:s11+$0xFFFFFF70] =	vst v6;
	v6 =	vmul.f32 v53, v7  }
0x38c: {  	v58 =	vld [tilespmem:s11+$0xFFFFFFF0];
	[tilespmem:s11+$0xFFFFFF80] =	vst v5;
	v5 =	vmul.f32 v54, v7  }
0x38d: {  	[tilespmem:s11+$0xFFFFFF90] =	vst v6;
	v6 =	vmul.f32 v55, v7;
	v7 =	vld [tilespmem:s11+$0x0]  }
0x38e: {  	[tilespmem:s11+$0xFFFFFFA0] =	vst v5;
	v5 =	vmul.f32 v8, v11;
	v11 =	vld [tilespmem:s11+$0x10]  }
0x38f: {  	v59 =	vld [tilespmem:s11+$0x20];
	[tilespmem:s11+$0xFFFFFFB0] =	vst v6;
	v6 =	vmul.f32 v56, v8  }
0x390: {  	v60 =	vld [tilespmem:s11+$0x30];
	[tilespmem:s11+$0xFFFFFFC0] =	vst v5;
	v5 =	vmul.f32 v57, v8  }
0x391: {  	[tilespmem:s11+$0xFFFFFFD0] =	vst v6;
	v6 =	vmul.f32 v58, v8;
	v8 =	vld [tilespmem:s11+$0x40]  }
0x392: {  	[tilespmem:s11+$0xFFFFFFE0] =	vst v5;
	v5 =	vmul.f32 v9, v7;
	v7 =	vld [tilespmem:s11+$0x50]  }
0x393: {  	[tilespmem:s11+$0xFFFFFFF0] =	vst v6;
	v6 =	vmul.f32 v11, v9;
	v11 =	vld [tilespmem:s11+$0x60]  }
0x394: {  	v61 =	vld [tilespmem:s11+$0x70];
	[tilespmem:s11+$0x0] =	vst v5;
	v5 =	vmul.f32 v59, v9  }
0x395: {  	[tilespmem:s11+$0x10] =	vst v6;
	v6 =	vmul.f32 v60, v9;
	v9 =	vld [tilespmem:s11+$0x80]  }
0x396: {  	v62 =	vld [tilespmem:s11+$0x90];
	[tilespmem:s11+$0x20] =	vst v5;
	v5 =	vmul.f32 v10, v8  }
0x397: {  	v63 =	vld [tilespmem:s11+$0xA0];
	[tilespmem:s11+$0x30] =	vst v6;
	v7 =	vmul.f32 v7, v10  }
0x398: {  	v6 =	vld [tilespmem:s11+$0xB0];
	[tilespmem:s11+$0x40] =	vst v5;
	v8 =	vmul.f32 v11, v10  }
0x399: {  	v10 =	vmul.f32 v61, v10;
	v5 =	vld [tilespmem:s11+$0xC0];
	[tilespmem:s11+$0x50] =	vst v7  }
0x39a: {  	v7 =	vld [tilespmem:s11+$0xD0];
	[tilespmem:s11+$0x60] =	vst v8;
	v11 =	vmul.f32 v4, v9  }
0x39b: {  	[tilespmem:s11+$0x70] =	vst v10;
	v8 =	vld [tilespmem:s11+$0xE0];
	v10 =	vmul.f32 v62, v4  }
0x39c: {  	s18 =	simm.s32 $0xF42C;
	s5 =	simm.s32 $0x0;
	s24 =	simm.s32 $0xB320;
	v9 =	vld [tilespmem:s11+$0xFFFFFF00];
	[tilespmem:s11+$0x80] =	vst v11;
	v11 =	vmul.f32 v63, v4  }
.LBB2_39:
0x39d: {  	v12 =	vld.msk [tilespmem:s18+$0x3 ss:$0x0], $0xffff;
	s5 =	sadd.s32 $0x8, s5;
	[tilespmem:s11+$0x90] =	vst v10;
	v4 =	vmul.f32 v6, v4;
	s24 =	sadd.s32 $0x200, s24  }
0x39e: {  	v5 =	vmul.f32 v2, v5;
	v6 =	vld [tilespmem:s24+$0xF0];
	p2 =	slt.u32 s5, $0x78;
	[tilespmem:s11+$0xA0] =	vst v11  }
0x39f: {  	v10 =	vld.msk [tilespmem:s18+$0xFFFFFFFC ss:$0x0], $0xffff;
	[tilespmem:s11+$0xB0] =	vst v4;
	v4 =	vmul.f32 v7, v2  }
0x3a0: {  	v11 =	vmul.f32 v8, v2;
	v7 =	vld.msk [tilespmem:s18+$0xFFFFFFFD ss:$0x0], $0xffff;
	[tilespmem:s11+$0xC0] =	vst v5  }
0x3a1: {  	v3 =	vmul.f32 v3, v9;
	v5 =	vld.msk [tilespmem:s18+$0xFFFFFFFE ss:$0x0], $0xffff;
	[tilespmem:s11+$0xD0] =	vst v4  }
0x3a2: {  	v8 =	vld.msk [tilespmem:s18+$0xFFFFFFFF ss:$0x0], $0xffff;
	[tilespmem:s11+$0xE0] =	vst v11  }
0x3a3: {  	v2 =	vmov v12;
	v9 =	vld.msk [tilespmem:s18+$0x0 ss:$0x0], $0xffff;
	v6 =	vmul.f32 v6, v12;
	[tilespmem:s11+$0xFFFFFF00] =	vst v3;
	s11 =	smov.u32 s24  }
0x3a4: {  	v11 =	vld.msk [tilespmem:s18+$0x1 ss:$0x0], $0xffff  }
0x3a5: {  	v3 =	vmov v10;
	v4 =	vld.msk [tilespmem:s18+$0x2 ss:$0x0], $0xffff;
	[tilespmem:s24+$0xF0] =	vst v6  }
0x3a6: {  	v6 =	vld [tilespmem:s24+$0xFFFFFF10]  }
0x3a7: {  	v10 =	vld [tilespmem:s24+$0xFFFFFF20]  }
0x3a8: {  	v12 =	vld [tilespmem:s24+$0xFFFFFF30]  }
0x3a9: {  	v13 =	vld [tilespmem:s24+$0xFFFFFF40]  }
0x3aa: {  	v14 =	vld [tilespmem:s24+$0xFFFFFF50]  }
0x3ab: {  	v6 =	vmul.f32 v6, v3;
	v15 =	vld [tilespmem:s24+$0xFFFFFF60]  }
0x3ac: {  	v10 =	vmul.f32 v10, v3;
	v16 =	vld [tilespmem:s24+$0xFFFFFF70]  }
0x3ad: {  	[tilespmem:s24+$0xFFFFFF10] =	vst v6;
	v6 =	vmul.f32 v12, v3;
	v12 =	vld [tilespmem:s24+$0xFFFFFF80]  }
0x3ae: {  	[tilespmem:s24+$0xFFFFFF20] =	vst v10;
	v10 =	vmul.f32 v7, v13;
	v13 =	vld [tilespmem:s24+$0xFFFFFF90]  }
0x3af: {  	[tilespmem:s24+$0xFFFFFF30] =	vst v6;
	v6 =	vmul.f32 v14, v7;
	v14 =	vld [tilespmem:s24+$0xFFFFFFA0]  }
0x3b0: {  	[tilespmem:s24+$0xFFFFFF40] =	vst v10;
	v10 =	vmul.f32 v15, v7;
	v15 =	vld [tilespmem:s24+$0xFFFFFFB0]  }
0x3b1: {  	[tilespmem:s24+$0xFFFFFF50] =	vst v6;
	v6 =	vmul.f32 v16, v7;
	v7 =	vld [tilespmem:s24+$0xFFFFFFC0]  }
0x3b2: {  	[tilespmem:s24+$0xFFFFFF60] =	vst v10;
	v10 =	vmul.f32 v5, v12;
	v12 =	vld [tilespmem:s24+$0xFFFFFFD0]  }
0x3b3: {  	[tilespmem:s24+$0xFFFFFF70] =	vst v6;
	v6 =	vmul.f32 v13, v5;
	v13 =	vld [tilespmem:s24+$0xFFFFFFE0]  }
0x3b4: {  	[tilespmem:s24+$0xFFFFFF80] =	vst v10;
	v10 =	vmul.f32 v14, v5;
	v14 =	vld [tilespmem:s24+$0xFFFFFFF0]  }
0x3b5: {  	[tilespmem:s24+$0xFFFFFF90] =	vst v6;
	v5 =	vmul.f32 v15, v5;
	v6 =	vld [tilespmem:s24+$0x0]  }
0x3b6: {  	[tilespmem:s24+$0xFFFFFFA0] =	vst v10;
	v7 =	vmul.f32 v8, v7;
	v10 =	vld [tilespmem:s24+$0x10]  }
0x3b7: {  	[tilespmem:s24+$0xFFFFFFB0] =	vst v5;
	v5 =	vmul.f32 v12, v8;
	v12 =	vld [tilespmem:s24+$0x20]  }
0x3b8: {  	[tilespmem:s24+$0xFFFFFFC0] =	vst v7;
	v7 =	vmul.f32 v13, v8;
	v13 =	vld [tilespmem:s24+$0x30]  }
0x3b9: {  	[tilespmem:s24+$0xFFFFFFD0] =	vst v5;
	v5 =	vmul.f32 v14, v8;
	v8 =	vld [tilespmem:s24+$0x40]  }
0x3ba: {  	[tilespmem:s24+$0xFFFFFFE0] =	vst v7;
	v6 =	vmul.f32 v9, v6;
	v7 =	vld [tilespmem:s24+$0x50]  }
0x3bb: {  	[tilespmem:s24+$0xFFFFFFF0] =	vst v5;
	v5 =	vmul.f32 v10, v9;
	v10 =	vld [tilespmem:s24+$0x60]  }
0x3bc: {  	[tilespmem:s24+$0x0] =	vst v6;
	v6 =	vmul.f32 v12, v9;
	v12 =	vld [tilespmem:s24+$0x70]  }
0x3bd: {  	[tilespmem:s24+$0x10] =	vst v5;
	v5 =	vmul.f32 v13, v9;
	v9 =	vld [tilespmem:s24+$0x80]  }
0x3be: {  	[tilespmem:s24+$0x20] =	vst v6;
	v6 =	vmul.f32 v11, v8;
	v8 =	vld [tilespmem:s24+$0x90]  }
0x3bf: {  	[tilespmem:s24+$0x30] =	vst v5;
	v5 =	vmul.f32 v7, v11;
	v13 =	vld [tilespmem:s24+$0xA0]  }
.Ltmp31:
0x3c0: {  	[tilespmem:s24+$0x40] =	vst v6;
	v7 =	vmul.f32 v10, v11;
	v6 =	vld [tilespmem:s24+$0xB0];
	(pc) =	sbr.rel @p2 .LBB2_39-.Ltmp31, $4  }
0x3c1: {  	[tilespmem:s24+$0x50] =	vst v5;
	v10 =	vmul.f32 v12, v11;
	v5 =	vld [tilespmem:s24+$0xC0]  }
0x3c2: {  	[tilespmem:s24+$0x60] =	vst v7;
	v11 =	vmul.f32 v4, v9;
	v7 =	vld [tilespmem:s24+$0xD0]  }
0x3c3: {  	[tilespmem:s24+$0x70] =	vst v10;
	v10 =	vmul.f32 v8, v4;
	v8 =	vld [tilespmem:s24+$0xE0]  }
0x3c4: {  	s18 =	sadd.s32 $0x8, s18;
	v9 =	vld [tilespmem:s24+$0xFFFFFF00];
	[tilespmem:s24+$0x80] =	vst v11;
	v11 =	vmul.f32 v13, v4  }
.Ltmp32:
0x3c5: {  	_ = 	snop;
	(pc) =	sbr.rel .LBB2_40-.Ltmp32, $1  }
0x3c6: {  	_ =	sdelay $0x3  }
.LBB2_43:
0x3c7: {  	_ =	sfence.sel $0x180000  }
0x3c8: {  	[bflag:$0x0] =	sbarrier.arrive $0xFFFF  }
0x3c9: {  	_ =	strace $0x90000047  }
0x3ca: {  	s0 =	stileid.u32;
	[bflag:$0x2] =	sbarrier.arrive $0xFFFF  }
0x3cb: {  	p0 =	sne.s32 s0, $0x0;
	s0 =	rddreg [dreg:$0x4]  }
0x3cc: {  	s0 =	sadd.s32 @!p0 $0x100000, s0  }
0x3cd: {  	[sflag:s0] =	ssyncadd.tile.s32 @!p0 $0x1;
	_ =	shalt  }
.Lfunc_end2:
_tile_overlayer_lowered:
.L_overlay_start_2:
0x3ce: {  	(tag) =	ssettag $0x2  }
0x3cf: {  	s0 =	rddreg [dreg:$0x0];
	s2 =	stileid.u32  }
0x3d0: {  	s1 =	rddreg [dreg:$0x1];
	p0 =	sne.s32 s2, $0x0  }
0x3d1: {  	s3 =	rddreg [dreg:$0x2];
	[bflag:$0x3] =	sbarrier.arrive $0xFFFF;
	s2 =	simm.s32 @!p0 $0x1C11  }
0x3d2: {  	[timem:s3], [sflag:s2] =	dma.local @!p0 [hbm:s0], s1  }
0x3d3: {  	s0 =	simm.s32 @!p0 $0x11  }
0x3d4: {  	_ =	swait.ge @!p0 [sflag:s0], s1  }
0x3d5: {  	s1 =	ssub.s32 @!p0 $0x0, s1;
	[sflag:s0] =	ssyncset.done @!p0 $0x0  }
0x3d6: {  	[sflag:s0] =	ssyncadd.s32 @!p0 s1  }
0x3d7: {  	[bflag:$0x3] =	sbarrier.arrive $0xFFFF  }
0x3d8: {  	_ =	shalt  }

</sc_bundles>
